<compile_context>
chip_gen: v7x
topology: tpu7x:2x2x1
jax: 0.10.2.dev20260603
libtpu: 0.0.44.dev20260713+nightly
codegen_flags: <defaults>
</compile_context>

<pallas_src>
import jax
import jax.numpy as jnp
from jax import lax
from jax.experimental import pallas as pl
from jax.experimental.pallas import tpu as pltpu
from jax.experimental.pallas import tpu_sc as plsc

N = 10000
E = 320000
D = 128
H1, C1 = 8, 32
HC1 = H1 * C1
C2 = 42
C2P = 48

NPAD = 10240
NW = 32
B = 128
EP = E + N
NBLK = 2592
EPAD = NBLK * B
ROWS_PER_TILE = NPAD // 16
ZCOPIES = ROWS_PER_TILE // B
BLK = 512


def _mesh():
    return plsc.VectorSubcoreMesh(core_axis_name="c", subcore_axis_name="s")


def _tc1_body(x_ref, w1_ref, asrc_ref, adst_ref, ht_ref, as_ref, ad_ref):
    h = jnp.dot(x_ref[...], w1_ref[...], preferred_element_type=jnp.float32)
    ht_ref[0, :, :] = h[:, :128]
    ht_ref[1, :, :] = h[:, 128:]
    als = jnp.dot(h, asrc_ref[...], preferred_element_type=jnp.float32)
    ald = jnp.dot(h, adst_ref[...], preferred_element_type=jnp.float32)
    as_ref[...] = jnp.concatenate([als, als], axis=1)
    ad_ref[...] = jnp.concatenate([ald, ald], axis=1)


def _tc1(x_pad, W1, A_src1, A_dst1):
    grid = (NPAD // BLK,)
    return pl.pallas_call(
        _tc1_body,
        grid=grid,
        in_specs=[
            pl.BlockSpec((BLK, D), lambda i: (i, 0)),
            pl.BlockSpec((D, HC1), lambda i: (0, 0)),
            pl.BlockSpec((HC1, H1), lambda i: (0, 0)),
            pl.BlockSpec((HC1, H1), lambda i: (0, 0)),
        ],
        out_specs=[
            pl.BlockSpec((2, BLK, 128), lambda i: (0, i, 0)),
            pl.BlockSpec((BLK, 16), lambda i: (i, 0)),
            pl.BlockSpec((BLK, 16), lambda i: (i, 0)),
        ],
        out_shape=[
            jax.ShapeDtypeStruct((2, NPAD, 128), jnp.float32),
            jax.ShapeDtypeStruct((NPAD, 16), jnp.float32),
            jax.ShapeDtypeStruct((NPAD, 16), jnp.float32),
        ],
    )(x_pad, W1, A_src1, A_dst1)


def _sc1_body(ei_hbm, as_hbm, ad_hbm, ht_hbm,
              num_out, den_out,
              idxsd, idxd, gidx, asr, adr, eeb, hr,
              nsp, dsp, sem1, sem2, sem3):
    c = lax.axis_index("c")
    s = lax.axis_index("s")
    base_row = s * ROWS_PER_TILE

    def _zero_row(r, _):
        for j in range(8):
            hr[r, pl.ds(j * 16, 16)] = jnp.zeros((16,), jnp.float32)
        eeb[r] = jnp.zeros((16,), jnp.float32)
        return _
    lax.fori_loop(0, B, _zero_row, None)
    for k in range(ZCOPIES):
        pltpu.sync_copy(hr, nsp.at[pl.ds(base_row + k * B, B)])
        pltpu.sync_copy(eeb, dsp.at[pl.ds(base_row + k * B, B)])
    plsc.subcore_barrier()

    blocks_per_tile = NBLK // 16
    coff = c * NPAD

    def _edge_block(k, _):
        off = (s * blocks_per_tile + k) * 2 * B
        pltpu.sync_copy(ei_hbm.at[pl.ds(off, 2 * B)], idxsd)
        for j in range(8):
            gidx[pl.ds(j * 16, 16)] = idxsd[pl.ds(j * 16, 16)] + coff
            idxd[pl.ds(j * 16, 16)] = idxsd[pl.ds(B + j * 16, 16)]
        cp1 = pltpu.async_copy(as_hbm.at[idxsd.at[pl.ds(0, B)]], asr, sem1)
        cp2 = pltpu.async_copy(ad_hbm.at[idxd], adr, sem2)
        cp3 = pltpu.async_copy(ht_hbm.at[gidx], hr, sem3)
        cp1.wait()
        cp2.wait()

        def _ee(r, _):
            e = asr[r] + adr[r]
            e = jnp.maximum(e, e * 0.2)
            eeb[r] = jnp.exp(e)
            return _
        lax.fori_loop(0, B, _ee, None)
        cp3.wait()

        def _mk_mul(hbase):
            def _mul(r, _):
                v = eeb[r]
                for j in range(8):
                    m = jnp.full((16,), v[hbase + j // 2], jnp.float32)
                    hr[r, pl.ds(j * 16, 16)] = hr[r, pl.ds(j * 16, 16)] * m
                return _
            return _mul

        @pl.when(c == 0)
        def _():
            lax.fori_loop(0, B, _mk_mul(0), None)

        @pl.when(c == 1)
        def _():
            lax.fori_loop(0, B, _mk_mul(4), None)

        pltpu.sync_copy(hr, nsp.at[idxd], add=True)
        pltpu.sync_copy(eeb, dsp.at[idxd], add=True)
        return _
    lax.fori_loop(0, blocks_per_tile, _edge_block, None)
    plsc.subcore_barrier()

    for k in range(ZCOPIES):
        r0 = base_row + k * B
        pltpu.sync_copy(nsp.at[pl.ds(r0, B)], num_out.at[pl.ds(coff + r0, B)])
        pltpu.sync_copy(dsp.at[pl.ds(r0, B)], den_out.at[pl.ds(coff + r0, B)])


def _sc1(eip, AS, AD, HT):
    f = pl.kernel(
        _sc1_body,
        out_type=[
            jax.ShapeDtypeStruct((2 * NPAD, 128), jnp.float32),
            jax.ShapeDtypeStruct((2 * NPAD, 16), jnp.float32),
        ],
        mesh=_mesh(),
        compiler_params=pltpu.CompilerParams(use_tc_tiling_on_sc=False),
        scratch_types=[
            pltpu.VMEM((2 * B,), jnp.int32),
            pltpu.VMEM((B,), jnp.int32),
            pltpu.VMEM((B,), jnp.int32),
            pltpu.VMEM((B, 16), jnp.float32),
            pltpu.VMEM((B, 16), jnp.float32),
            pltpu.VMEM((B, 16), jnp.float32),
            pltpu.VMEM((B, 128), jnp.float32),
            pltpu.VMEM_SHARED((NPAD, 128), jnp.float32),
            pltpu.VMEM_SHARED((NPAD, 16), jnp.float32),
            pltpu.SemaphoreType.DMA,
            pltpu.SemaphoreType.DMA,
            pltpu.SemaphoreType.DMA,
        ],
    )
    return f(eip, AS, AD, HT)


def _tc2_body(n1_ref, d1_ref, rexp_ref, w2_ref, asp_ref, adp_ref, b1_ref,
              h2_ref, as2_ref, ad2_ref):
    ncat = jnp.concatenate([n1_ref[0, :, :], n1_ref[1, :, :]], axis=1)
    d8 = d1_ref[...][:, :8]
    dfull = jnp.dot(d8, rexp_ref[...], preferred_element_type=jnp.float32)
    o = ncat / (dfull + 1e-16) + b1_ref[...]
    o = jnp.maximum(o, 0.0)
    h2 = jnp.dot(o, w2_ref[...], preferred_element_type=jnp.float32)
    h2_ref[...] = h2
    als = jnp.dot(h2, asp_ref[...], preferred_element_type=jnp.float32)
    ald = jnp.dot(h2, adp_ref[...], preferred_element_type=jnp.float32)
    as2_ref[...] = jnp.broadcast_to(als, (als.shape[0], 16))
    ad2_ref[...] = jnp.broadcast_to(ald, (ald.shape[0], 16))


def _tc2(n1, d1, Rexp, W2p, asp2, adp2, b1r):
    grid = (NPAD // BLK,)
    return pl.pallas_call(
        _tc2_body,
        grid=grid,
        in_specs=[
            pl.BlockSpec((2, BLK, 128), lambda i: (0, i, 0)),
            pl.BlockSpec((BLK, 16), lambda i: (i, 0)),
            pl.BlockSpec((H1, HC1), lambda i: (0, 0)),
            pl.BlockSpec((HC1, C2P), lambda i: (0, 0)),
            pl.BlockSpec((C2P, 1), lambda i: (0, 0)),
            pl.BlockSpec((C2P, 1), lambda i: (0, 0)),
            pl.BlockSpec((1, HC1), lambda i: (0, 0)),
        ],
        out_specs=[
            pl.BlockSpec((BLK, C2P), lambda i: (i, 0)),
            pl.BlockSpec((BLK, 16), lambda i: (i, 0)),
            pl.BlockSpec((BLK, 16), lambda i: (i, 0)),
        ],
        out_shape=[
            jax.ShapeDtypeStruct((NPAD, C2P), jnp.float32),
            jax.ShapeDtypeStruct((NPAD, 16), jnp.float32),
            jax.ShapeDtypeStruct((NPAD, 16), jnp.float32),
        ],
    )(n1, d1, Rexp, W2p, asp2, adp2, b1r)


def _sc2_body(ei_hbm, as_hbm, ad_hbm, ht_hbm,
              num_out, den_out,
              idxsd, idxd, asr, adr, eeb, hr, zb, zbd,
              nsp, dsp, sem1, sem2, sem3):
    c = lax.axis_index("c")
    s = lax.axis_index("s")
    base_row = s * ROWS_PER_TILE

    def _zero_row(r, _):
        for j in range(3):
            zb[r, pl.ds(j * 16, 16)] = jnp.zeros((16,), jnp.float32)
        zbd[r] = jnp.zeros((16,), jnp.float32)
        return _
    lax.fori_loop(0, B, _zero_row, None)
    for k in range(ZCOPIES):
        pltpu.sync_copy(zb, nsp.at[pl.ds(base_row + k * B, B)])
        pltpu.sync_copy(zbd, dsp.at[pl.ds(base_row + k * B, B)])
    plsc.subcore_barrier()

    w = s * 2 + c
    blocks_per_worker = NBLK // NW
    coff = c * NPAD

    def _edge_block(k, _):
        off = (w * blocks_per_worker + k) * 2 * B
        pltpu.sync_copy(ei_hbm.at[pl.ds(off, 2 * B)], idxsd)
        for j in range(8):
            idxd[pl.ds(j * 16, 16)] = idxsd[pl.ds(B + j * 16, 16)]
        cp1 = pltpu.async_copy(as_hbm.at[idxsd.at[pl.ds(0, B)]], asr, sem1)
        cp2 = pltpu.async_copy(ad_hbm.at[idxd], adr, sem2)
        cp3 = pltpu.async_copy(ht_hbm.at[idxsd.at[pl.ds(0, B)]], hr, sem3)
        cp1.wait()
        cp2.wait()

        def _ee(r, _):
            e = asr[r] + adr[r]
            e = jnp.maximum(e, e * 0.2)
            eeb[r] = jnp.exp(e)
            return _
        lax.fori_loop(0, B, _ee, None)
        cp3.wait()

        def _mul(r, _):
            sc = eeb[r]
            for j in range(3):
                hr[r, pl.ds(j * 16, 16)] = hr[r, pl.ds(j * 16, 16)] * sc
            return _
        lax.fori_loop(0, B, _mul, None)

        pltpu.sync_copy(hr, nsp.at[idxd], add=True)
        pltpu.sync_copy(eeb, dsp.at[idxd], add=True)
        return _
    lax.fori_loop(0, blocks_per_worker, _edge_block, None)
    plsc.subcore_barrier()

    for k in range(ZCOPIES):
        r0 = base_row + k * B
        pltpu.sync_copy(nsp.at[pl.ds(r0, B)], num_out.at[pl.ds(coff + r0, B)])
        pltpu.sync_copy(dsp.at[pl.ds(r0, B)], den_out.at[pl.ds(coff + r0, B)])


def _sc2(eip, AS2, AD2, H2T):
    f = pl.kernel(
        _sc2_body,
        out_type=[
            jax.ShapeDtypeStruct((2 * NPAD, C2P), jnp.float32),
            jax.ShapeDtypeStruct((2 * NPAD, 16), jnp.float32),
        ],
        mesh=_mesh(),
        compiler_params=pltpu.CompilerParams(use_tc_tiling_on_sc=False),
        scratch_types=[
            pltpu.VMEM((2 * B,), jnp.int32),
            pltpu.VMEM((B,), jnp.int32),
            pltpu.VMEM((B, 16), jnp.float32),
            pltpu.VMEM((B, 16), jnp.float32),
            pltpu.VMEM((B, 16), jnp.float32),
            pltpu.VMEM((B, C2P), jnp.float32),
            pltpu.VMEM((B, C2P), jnp.float32),
            pltpu.VMEM((B, 16), jnp.float32),
            pltpu.VMEM_SHARED((NPAD, C2P), jnp.float32),
            pltpu.VMEM_SHARED((NPAD, 16), jnp.float32),
            pltpu.SemaphoreType.DMA,
            pltpu.SemaphoreType.DMA,
            pltpu.SemaphoreType.DMA,
        ],
    )
    return f(eip, AS2, AD2, H2T)


def _tc3_body(n2_ref, d2_ref, b2_ref, out_ref):
    nsum = n2_ref[0, :, :] + n2_ref[1, :, :]
    dsum = d2_ref[0, :, :1] + d2_ref[1, :, :1]
    o = nsum / (dsum + 1e-16) + b2_ref[...]
    mask = lax.broadcasted_iota(jnp.int32, o.shape, 1) < C2
    om = jnp.where(mask, o, -1e30)
    m = jnp.max(om, axis=1, keepdims=True)
    ex = jnp.where(mask, jnp.exp(o - m), 0.0)
    lse = m + jnp.log(jnp.sum(ex, axis=1, keepdims=True))
    out_ref[...] = o - lse


def _tc3(n2, d2, b2r):
    grid = (NPAD // BLK,)
    return pl.pallas_call(
        _tc3_body,
        grid=grid,
        in_specs=[
            pl.BlockSpec((2, BLK, C2P), lambda i: (0, i, 0)),
            pl.BlockSpec((2, BLK, 16), lambda i: (0, i, 0)),
            pl.BlockSpec((1, C2P), lambda i: (0, 0)),
        ],
        out_specs=pl.BlockSpec((BLK, C2P), lambda i: (i, 0)),
        out_shape=jax.ShapeDtypeStruct((NPAD, C2P), jnp.float32),
    )(n2, d2, b2r)


def kernel(x, edge_index, W1, a_src1, a_dst1, b1, W2, a_src2, a_dst2, b2):
    f32 = jnp.float32
    x_pad = jnp.zeros((NPAD, D), f32).at[:N].set(x)
    loops = jnp.arange(N, dtype=jnp.int32)
    src_p = jnp.full((EPAD,), N, jnp.int32)
    src_p = src_p.at[:E].set(edge_index[0]).at[E:EP].set(loops)
    dst_p = jnp.full((EPAD,), N, jnp.int32)
    dst_p = dst_p.at[:E].set(edge_index[1]).at[E:EP].set(loops)
    eip = jnp.stack([src_p.reshape(NBLK, B), dst_p.reshape(NBLK, B)],
                    axis=1).reshape(NBLK * 2 * B)

    eye8 = jnp.eye(H1, dtype=f32)
    A_src1 = (eye8[:, None, :] * a_src1[:, :, None]).reshape(HC1, H1)
    A_dst1 = (eye8[:, None, :] * a_dst1[:, :, None]).reshape(HC1, H1)
    Rexp = (eye8[:, :, None] * jnp.ones((1, 1, C1), f32)).reshape(H1, HC1)
    W2p = jnp.zeros((HC1, C2P), f32).at[:, :C2].set(W2)
    asp2 = jnp.zeros((C2P, 1), f32).at[:C2, 0].set(a_src2[0])
    adp2 = jnp.zeros((C2P, 1), f32).at[:C2, 0].set(a_dst2[0])
    b1r = b1.reshape(1, HC1).astype(f32)
    b2r = jnp.zeros((1, C2P), f32).at[0, :C2].set(b2)

    HT, AS, AD = _tc1(x_pad, W1, A_src1, A_dst1)
    HTf = HT.reshape(2 * NPAD, 128)
    n1, d1 = _sc1(eip, AS, AD, HTf)
    n1 = n1.reshape(2, NPAD, 128)
    d1 = d1[:NPAD]

    H2T, AS2, AD2 = _tc2(n1, d1, Rexp, W2p, asp2, adp2, b1r)
    n2, d2 = _sc2(eip, AS2, AD2, H2T)
    out = _tc3(n2.reshape(2, NPAD, C2P), d2.reshape(2, NPAD, 16), b2r)
    return out[:N, :C2]

# --- scband reference (transcript-rebuilt; emitter-appended) ---
"""Pipeline reference for scband-gat-reddit-51118700757723 (READ-ONLY COPY).

The authoritative reference and input builder live on the scoring server;
editing this copy changes nothing except your own understanding.
"""

import jax, jax.numpy as jnp
import numpy as np

N = 10000
E = 320000
D = 128
H1, C1 = 8, 32
H2, C2 = 1, 42


def setup_inputs(seed: int = 0) -> dict:
    key = jax.random.key(seed)
    ks = jax.random.split(key, 12)
    x = jax.random.normal(ks[0], (N, D), dtype=jnp.float32)
    edge_index = jax.random.randint(ks[1], (2, E), 0, N, dtype=jnp.int32)
    W1 = jax.random.normal(ks[2], (D, H1 * C1), dtype=jnp.float32) * 0.1
    a_src1 = jax.random.normal(ks[3], (H1, C1), dtype=jnp.float32) * 0.1
    a_dst1 = jax.random.normal(ks[4], (H1, C1), dtype=jnp.float32) * 0.1
    b1 = jnp.zeros((H1 * C1,), dtype=jnp.float32)
    W2 = jax.random.normal(ks[5], (H1 * C1, H2 * C2), dtype=jnp.float32) * 0.1
    a_src2 = jax.random.normal(ks[6], (H2, C2), dtype=jnp.float32) * 0.1
    a_dst2 = jax.random.normal(ks[7], (H2, C2), dtype=jnp.float32) * 0.1
    b2 = jnp.zeros((C2,), dtype=jnp.float32)
    return {"x": x, "edge_index": edge_index, "W1": W1, "a_src1": a_src1,
            "a_dst1": a_dst1, "b1": b1, "W2": W2, "a_src2": a_src2,
            "a_dst2": a_dst2, "b2": b2}


def gat_conv(x, edge_index, W, a_src, a_dst, b, heads, out_c, concat):
    n = x.shape[0]
    loops = jnp.arange(n, dtype=edge_index.dtype)
    ei = jnp.concatenate([edge_index, jnp.stack([loops, loops])], axis=1)
    src, dst = ei[0], ei[1]
    h = (x @ W).reshape(n, heads, out_c)
    alpha_src = jnp.sum(h * a_src[None], axis=-1)  # [n, H]
    alpha_dst = jnp.sum(h * a_dst[None], axis=-1)  # [n, H]
    e = jax.nn.leaky_relu(alpha_src[src] + alpha_dst[dst], negative_slope=0.2)
    emax = jax.lax.stop_gradient(jax.ops.segment_max(e, dst, num_segments=n))
    ee = jnp.exp(e - emax[dst])
    denom = jax.ops.segment_sum(ee, dst, num_segments=n)
    alpha = ee / (denom[dst] + 1e-16)
    msg = h[src] * alpha[:, :, None]
    out = jax.ops.segment_sum(msg, dst, num_segments=n)
    if concat:
        out = out.reshape(n, heads * out_c) + b
    else:
        out = out.mean(axis=1) + b
    return out


def reference(x, edge_index, W1, a_src1, a_dst1, b1, W2, a_src2, a_dst2, b2):
    # GAT_REDDIT forward (eval mode: dropout = identity)
    h = gat_conv(x, edge_index, W1, a_src1, a_dst1, b1, H1, C1, True)
    h = jax.nn.relu(h)
    out = gat_conv(h, edge_index, W2, a_src2, a_dst2, b2, H2, C2, False)
    return jax.nn.log_softmax(out, axis=1)

if __name__ == "__main__":
    import jax
    _d = setup_inputs()
    print(jax.jit(kernel)(*tuple(_d.values())))

</pallas_src>

<mosaic_0001>
#map = affine_map<(d0, d1) -> (0)>
#map1 = affine_map<(d0, d1) -> (0, 0)>
module attributes {stable_mosaic.version = 14 : i64} {
  func.func @_sc1_body(%arg0: i32, %arg1: i32, %arg2: memref<663552xi32, #tpu.memory_space<hbm>>, %arg3: memref<10240x16xf32, #tpu.memory_space<hbm>>, %arg4: memref<10240x16xf32, #tpu.memory_space<hbm>>, %arg5: memref<20480x128xf32, #tpu.memory_space<hbm>>, %arg6: memref<20480x128xf32, #tpu.memory_space<hbm>>, %arg7: memref<20480x16xf32, #tpu.memory_space<hbm>>, %arg8: memref<256xi32, #tpu.memory_space<vmem>>, %arg9: memref<128xi32, #tpu.memory_space<vmem>>, %arg10: memref<128xi32, #tpu.memory_space<vmem>>, %arg11: memref<128x16xf32, #tpu.memory_space<vmem>>, %arg12: memref<128x16xf32, #tpu.memory_space<vmem>>, %arg13: memref<128x16xf32, #tpu.memory_space<vmem>>, %arg14: memref<128x128xf32, #tpu.memory_space<vmem>>, %arg15: memref<10240x128xf32, #tpu.memory_space<vmem_shared>>, %arg16: memref<10240x16xf32, #tpu.memory_space<vmem_shared>>, %arg17: memref<!tpu.dma_semaphore, #tpu.memory_space<semaphore_mem>>, %arg18: memref<!tpu.dma_semaphore, #tpu.memory_space<semaphore_mem>>, %arg19: memref<!tpu.dma_semaphore, #tpu.memory_space<semaphore_mem>>) attributes {dimension_semantics = [#tpu.dimension_semantics<core_parallel>, #tpu.dimension_semantics<subcore_parallel>], iteration_bounds = array<i64: 2, 16>, scalar_prefetch = 0 : i64, scratch_operands = 12 : i64, tpu.core_type = #tpu.core_type<sc_vector_subcore>, window_params = [{transform_indices = #map}, {transform_indices = #map1}, {transform_indices = #map1}, {transform_indices = #map1}, {transform_indices = #map1}, {transform_indices = #map1}]} {
    %mul3A = arith.constant 640 : i32
    %mul3A_0 = arith.muli %arg1, %mul3A : i32
    %scan3A = arith.constant 0 : i32
    %scan3A_1 = arith.constant 128 : i32
    %scan3A_2 = arith.addi %scan3A, %scan3A_1 : i32
    %scan3A_3 = arith.constant 1 : i32
    scf.for %scan3A_52 = %scan3A to %scan3A_2 step %scan3A_3  : i32 {
      %broadcast_in_dim3A = arith.constant 0.000000e+00 : f32
      %broadcast_in_dim3A_53 = vector.broadcast %broadcast_in_dim3A : f32 to vector<16xf32>
      %swap3A = arith.index_cast %scan3A_52 : i32 to index
      %swap3A_54 = arith.constant 0 : index
      %swap3A_55 = tpu.vector_load %arg14[%swap3A, %swap3A_54] {strides = array<i32>} : memref<128x128xf32, #tpu.memory_space<vmem>>, vector<1x16xf32>,
      %swap3A_56 = vector.shape_cast %swap3A_55 : vector<1x16xf32> to vector<16xf32>
      %swap3A_57 = vector.shape_cast %broadcast_in_dim3A_53 : vector<16xf32> to vector<1x16xf32>
      tpu.vector_store %arg14[%swap3A, %swap3A_54], %swap3A_57 {strides = array<i32>} : memref<128x128xf32, #tpu.memory_space<vmem>>, vector<1x16xf32>,
      %broadcast_in_dim3A_58 = arith.constant 0.000000e+00 : f32
      %broadcast_in_dim3A_59 = vector.broadcast %broadcast_in_dim3A_58 : f32 to vector<16xf32>
      %swap3A_60 = arith.index_cast %scan3A_52 : i32 to index
      %swap3A_61 = arith.constant 16 : index
      %swap3A_62 = tpu.vector_load %arg14[%swap3A_60, %swap3A_61] {strides = array<i32>} : memref<128x128xf32, #tpu.memory_space<vmem>>, vector<1x16xf32>,
      %swap3A_63 = vector.shape_cast %swap3A_62 : vector<1x16xf32> to vector<16xf32>
      %swap3A_64 = vector.shape_cast %broadcast_in_dim3A_59 : vector<16xf32> to vector<1x16xf32>
      tpu.vector_store %arg14[%swap3A_60, %swap3A_61], %swap3A_64 {strides = array<i32>} : memref<128x128xf32, #tpu.memory_space<vmem>>, vector<1x16xf32>,
      %broadcast_in_dim3A_65 = arith.constant 0.000000e+00 : f32
      %broadcast_in_dim3A_66 = vector.broadcast %broadcast_in_dim3A_65 : f32 to vector<16xf32>
      %swap3A_67 = arith.index_cast %scan3A_52 : i32 to index
      %swap3A_68 = arith.constant 32 : index
      %swap3A_69 = tpu.vector_load %arg14[%swap3A_67, %swap3A_68] {strides = array<i32>} : memref<128x128xf32, #tpu.memory_space<vmem>>, vector<1x16xf32>,
      %swap3A_70 = vector.shape_cast %swap3A_69 : vector<1x16xf32> to vector<16xf32>
      %swap3A_71 = vector.shape_cast %broadcast_in_dim3A_66 : vector<16xf32> to vector<1x16xf32>
      tpu.vector_store %arg14[%swap3A_67, %swap3A_68], %swap3A_71 {strides = array<i32>} : memref<128x128xf32, #tpu.memory_space<vmem>>, vector<1x16xf32>,
      %broadcast_in_dim3A_72 = arith.constant 0.000000e+00 : f32
      %broadcast_in_dim3A_73 = vector.broadcast %broadcast_in_dim3A_72 : f32 to vector<16xf32>
      %swap3A_74 = arith.index_cast %scan3A_52 : i32 to index
      %swap3A_75 = arith.constant 48 : index
      %swap3A_76 = tpu.vector_load %arg14[%swap3A_74, %swap3A_75] {strides = array<i32>} : memref<128x128xf32, #tpu.memory_space<vmem>>, vector<1x16xf32>,
      %swap3A_77 = vector.shape_cast %swap3A_76 : vector<1x16xf32> to vector<16xf32>
      %swap3A_78 = vector.shape_cast %broadcast_in_dim3A_73 : vector<16xf32> to vector<1x16xf32>
      tpu.vector_store %arg14[%swap3A_74, %swap3A_75], %swap3A_78 {strides = array<i32>} : memref<128x128xf32, #tpu.memory_space<vmem>>, vector<1x16xf32>,
      %broadcast_in_dim3A_79 = arith.constant 0.000000e+00 : f32
      %broadcast_in_dim3A_80 = vector.broadcast %broadcast_in_dim3A_79 : f32 to vector<16xf32>
      %swap3A_81 = arith.index_cast %scan3A_52 : i32 to index
      %swap3A_82 = arith.constant 64 : index
      %swap3A_83 = tpu.vector_load %arg14[%swap3A_81, %swap3A_82] {strides = array<i32>} : memref<128x128xf32, #tpu.memory_space<vmem>>, vector<1x16xf32>,
      %swap3A_84 = vector.shape_cast %swap3A_83 : vector<1x16xf32> to vector<16xf32>
      %swap3A_85 = vector.shape_cast %broadcast_in_dim3A_80 : vector<16xf32> to vector<1x16xf32>
      tpu.vector_store %arg14[%swap3A_81, %swap3A_82], %swap3A_85 {strides = array<i32>} : memref<128x128xf32, #tpu.memory_space<vmem>>, vector<1x16xf32>,
      %broadcast_in_dim3A_86 = arith.constant 0.000000e+00 : f32
      %broadcast_in_dim3A_87 = vector.broadcast %broadcast_in_dim3A_86 : f32 to vector<16xf32>
      %swap3A_88 = arith.index_cast %scan3A_52 : i32 to index
      %swap3A_89 = arith.constant 80 : index
      %swap3A_90 = tpu.vector_load %arg14[%swap3A_88, %swap3A_89] {strides = array<i32>} : memref<128x128xf32, #tpu.memory_space<vmem>>, vector<1x16xf32>,
      %swap3A_91 = vector.shape_cast %swap3A_90 : vector<1x16xf32> to vector<16xf32>
      %swap3A_92 = vector.shape_cast %broadcast_in_dim3A_87 : vector<16xf32> to vector<1x16xf32>
      tpu.vector_store %arg14[%swap3A_88, %swap3A_89], %swap3A_92 {strides = array<i32>} : memref<128x128xf32, #tpu.memory_space<vmem>>, vector<1x16xf32>,
      %broadcast_in_dim3A_93 = arith.constant 0.000000e+00 : f32
      %broadcast_in_dim3A_94 = vector.broadcast %broadcast_in_dim3A_93 : f32 to vector<16xf32>
      %swap3A_95 = arith.index_cast %scan3A_52 : i32 to index
      %swap3A_96 = arith.constant 96 : index
      %swap3A_97 = tpu.vector_load %arg14[%swap3A_95, %swap3A_96] {strides = array<i32>} : memref<128x128xf32, #tpu.memory_space<vmem>>, vector<1x16xf32>,
      %swap3A_98 = vector.shape_cast %swap3A_97 : vector<1x16xf32> to vector<16xf32>
      %swap3A_99 = vector.shape_cast %broadcast_in_dim3A_94 : vector<16xf32> to vector<1x16xf32>
      tpu.vector_store %arg14[%swap3A_95, %swap3A_96], %swap3A_99 {strides = array<i32>} : memref<128x128xf32, #tpu.memory_space<vmem>>, vector<1x16xf32>,
      %broadcast_in_dim3A_100 = arith.constant 0.000000e+00 : f32
      %broadcast_in_dim3A_101 = vector.broadcast %broadcast_in_dim3A_100 : f32 to vector<16xf32>
      %swap3A_102 = arith.index_cast %scan3A_52 : i32 to index
      %swap3A_103 = arith.constant 112 : index
      %swap3A_104 = tpu.vector_load %arg14[%swap3A_102, %swap3A_103] {strides = array<i32>} : memref<128x128xf32, #tpu.memory_space<vmem>>, vector<1x16xf32>,
      %swap3A_105 = vector.shape_cast %swap3A_104 : vector<1x16xf32> to vector<16xf32>
      %swap3A_106 = vector.shape_cast %broadcast_in_dim3A_101 : vector<16xf32> to vector<1x16xf32>
      tpu.vector_store %arg14[%swap3A_102, %swap3A_103], %swap3A_106 {strides = array<i32>} : memref<128x128xf32, #tpu.memory_space<vmem>>, vector<1x16xf32>,
      %broadcast_in_dim3A_107 = arith.constant 0.000000e+00 : f32
      %broadcast_in_dim3A_108 = vector.broadcast %broadcast_in_dim3A_107 : f32 to vector<16xf32>
      %swap3A_109 = arith.index_cast %scan3A_52 : i32 to index
      %swap3A_110 = arith.constant 0 : index
      %swap3A_111 = tpu.vector_load %arg13[%swap3A_109, %swap3A_110] {strides = array<i32>} : memref<128x16xf32, #tpu.memory_space<vmem>>, vector<1x16xf32>,
      %swap3A_112 = vector.shape_cast %swap3A_111 : vector<1x16xf32> to vector<16xf32>
      %swap3A_113 = vector.shape_cast %broadcast_in_dim3A_108 : vector<16xf32> to vector<1x16xf32>
      tpu.vector_store %arg13[%swap3A_109, %swap3A_110], %swap3A_113 {strides = array<i32>} : memref<128x16xf32, #tpu.memory_space<vmem>>, vector<1x16xf32>,
    }
    %scan3A_4 = arith.constant 128 : i32
    %add3A = arith.constant 0 : i32
    %add3A_5 = arith.addi %mul3A_0, %add3A : i32
    "tpu.region"() ({
      %run_scoped3A = tpu.sem_alloc : memref<!tpu.dma_semaphore, #tpu.memory_space<semaphore_mem>>
      %dma_start3A = arith.constant 0 : i32
      %dma_start3A_52 = tpu.memref_slice %arg15[%add3A_5, %dma_start3A] : memref<10240x128xf32, #tpu.memory_space<vmem_shared>> -> memref<128x128xf32, #tpu.memory_space<vmem_shared>>
      %dma_start3A_53 = arith.constant 0 : i32
      %dma_start3A_54 = tpu.memref_slice %arg15[%add3A_5, %dma_start3A_53] : memref<10240x128xf32, #tpu.memory_space<vmem_shared>> -> memref<128x128xf32, #tpu.memory_space<vmem_shared>>
      tpu.enqueue_dma source(%arg14 : memref<128x128xf32, #tpu.memory_space<vmem>>) target(%dma_start3A_54 : memref<128x128xf32, #tpu.memory_space<vmem_shared>>) target_semaphore(%run_scoped3A : memref<!tpu.dma_semaphore, #tpu.memory_space<semaphore_mem>>)
      %dma_wait3A = arith.constant 0 : i32
      %dma_wait3A_55 = tpu.memref_slice %arg15[%add3A_5, %dma_wait3A] : memref<10240x128xf32, #tpu.memory_space<vmem_shared>> -> memref<128x128xf32, #tpu.memory_space<vmem_shared>>
      %dma_wait3A_56 = arith.constant 0 : i32
      %dma_wait3A_57 = tpu.memref_slice %arg15[%add3A_5, %dma_wait3A_56] : memref<10240x128xf32, #tpu.memory_space<vmem_shared>> -> memref<128x128xf32, #tpu.memory_space<vmem_shared>>
      tpu.wait_dma2 semaphore(%run_scoped3A : memref<!tpu.dma_semaphore, #tpu.memory_space<semaphore_mem>>) src(%arg14 : memref<128x128xf32, #tpu.memory_space<vmem>>) dst(%dma_wait3A_57 : memref<128x128xf32, #tpu.memory_space<vmem_shared>>)
      tpu.yield
    }) : () -> ()
    %add3A_6 = arith.constant 0 : i32
    %add3A_7 = arith.addi %mul3A_0, %add3A_6 : i32
    "tpu.region"() ({
      %run_scoped3A = tpu.sem_alloc : memref<!tpu.dma_semaphore, #tpu.memory_space<semaphore_mem>>
      %dma_start3A = arith.constant 0 : i32
      %dma_start3A_52 = tpu.memref_slice %arg16[%add3A_7, %dma_start3A] : memref<10240x16xf32, #tpu.memory_space<vmem_shared>> -> memref<128x16xf32, #tpu.memory_space<vmem_shared>>
      %dma_start3A_53 = arith.constant 0 : i32
      %dma_start3A_54 = tpu.memref_slice %arg16[%add3A_7, %dma_start3A_53] : memref<10240x16xf32, #tpu.memory_space<vmem_shared>> -> memref<128x16xf32, #tpu.memory_space<vmem_shared>>
      tpu.enqueue_dma source(%arg13 : memref<128x16xf32, #tpu.memory_space<vmem>>) target(%dma_start3A_54 : memref<128x16xf32, #tpu.memory_space<vmem_shared>>) target_semaphore(%run_scoped3A : memref<!tpu.dma_semaphore, #tpu.memory_space<semaphore_mem>>)
      %dma_wait3A = arith.constant 0 : i32
      %dma_wait3A_55 = tpu.memref_slice %arg16[%add3A_7, %dma_wait3A] : memref<10240x16xf32, #tpu.memory_space<vmem_shared>> -> memref<128x16xf32, #tpu.memory_space<vmem_shared>>
      %dma_wait3A_56 = arith.constant 0 : i32
      %dma_wait3A_57 = tpu.memref_slice %arg16[%add3A_7, %dma_wait3A_56] : memref<10240x16xf32, #tpu.memory_space<vmem_shared>> -> memref<128x16xf32, #tpu.memory_space<vmem_shared>>
      tpu.wait_dma2 semaphore(%run_scoped3A : memref<!tpu.dma_semaphore, #tpu.memory_space<semaphore_mem>>) src(%arg13 : memref<128x16xf32, #tpu.memory_space<vmem>>) dst(%dma_wait3A_57 : memref<128x16xf32, #tpu.memory_space<vmem_shared>>)
      tpu.yield
    }) : () -> ()
    %add3A_8 = arith.constant 128 : i32
    %add3A_9 = arith.addi %mul3A_0, %add3A_8 : i32
    "tpu.region"() ({
      %run_scoped3A = tpu.sem_alloc : memref<!tpu.dma_semaphore, #tpu.memory_space<semaphore_mem>>
      %dma_start3A = arith.constant 0 : i32
      %dma_start3A_52 = tpu.memref_slice %arg15[%add3A_9, %dma_start3A] : memref<10240x128xf32, #tpu.memory_space<vmem_shared>> -> memref<128x128xf32, #tpu.memory_space<vmem_shared>>
      %dma_start3A_53 = arith.constant 0 : i32
      %dma_start3A_54 = tpu.memref_slice %arg15[%add3A_9, %dma_start3A_53] : memref<10240x128xf32, #tpu.memory_space<vmem_shared>> -> memref<128x128xf32, #tpu.memory_space<vmem_shared>>
      tpu.enqueue_dma source(%arg14 : memref<128x128xf32, #tpu.memory_space<vmem>>) target(%dma_start3A_54 : memref<128x128xf32, #tpu.memory_space<vmem_shared>>) target_semaphore(%run_scoped3A : memref<!tpu.dma_semaphore, #tpu.memory_space<semaphore_mem>>)
      %dma_wait3A = arith.constant 0 : i32
      %dma_wait3A_55 = tpu.memref_slice %arg15[%add3A_9, %dma_wait3A] : memref<10240x128xf32, #tpu.memory_space<vmem_shared>> -> memref<128x128xf32, #tpu.memory_space<vmem_shared>>
      %dma_wait3A_56 = arith.constant 0 : i32
      %dma_wait3A_57 = tpu.memref_slice %arg15[%add3A_9, %dma_wait3A_56] : memref<10240x128xf32, #tpu.memory_space<vmem_shared>> -> memref<128x128xf32, #tpu.memory_space<vmem_shared>>
      tpu.wait_dma2 semaphore(%run_scoped3A : memref<!tpu.dma_semaphore, #tpu.memory_space<semaphore_mem>>) src(%arg14 : memref<128x128xf32, #tpu.memory_space<vmem>>) dst(%dma_wait3A_57 : memref<128x128xf32, #tpu.memory_space<vmem_shared>>)
      tpu.yield
    }) : () -> ()
    %add3A_10 = arith.constant 128 : i32
    %add3A_11 = arith.addi %mul3A_0, %add3A_10 : i32
    "tpu.region"() ({
      %run_scoped3A = tpu.sem_alloc : memref<!tpu.dma_semaphore, #tpu.memory_space<semaphore_mem>>
      %dma_start3A = arith.constant 0 : i32
      %dma_start3A_52 = tpu.memref_slice %arg16[%add3A_11, %dma_start3A] : memref<10240x16xf32, #tpu.memory_space<vmem_shared>> -> memref<128x16xf32, #tpu.memory_space<vmem_shared>>
      %dma_start3A_53 = arith.constant 0 : i32
      %dma_start3A_54 = tpu.memref_slice %arg16[%add3A_11, %dma_start3A_53] : memref<10240x16xf32, #tpu.memory_space<vmem_shared>> -> memref<128x16xf32, #tpu.memory_space<vmem_shared>>
      tpu.enqueue_dma source(%arg13 : memref<128x16xf32, #tpu.memory_space<vmem>>) target(%dma_start3A_54 : memref<128x16xf32, #tpu.memory_space<vmem_shared>>) target_semaphore(%run_scoped3A : memref<!tpu.dma_semaphore, #tpu.memory_space<semaphore_mem>>)
      %dma_wait3A = arith.constant 0 : i32
      %dma_wait3A_55 = tpu.memref_slice %arg16[%add3A_11, %dma_wait3A] : memref<10240x16xf32, #tpu.memory_space<vmem_shared>> -> memref<128x16xf32, #tpu.memory_space<vmem_shared>>
      %dma_wait3A_56 = arith.constant 0 : i32
      %dma_wait3A_57 = tpu.memref_slice %arg16[%add3A_11, %dma_wait3A_56] : memref<10240x16xf32, #tpu.memory_space<vmem_shared>> -> memref<128x16xf32, #tpu.memory_space<vmem_shared>>
      tpu.wait_dma2 semaphore(%run_scoped3A : memref<!tpu.dma_semaphore, #tpu.memory_space<semaphore_mem>>) src(%arg13 : memref<128x16xf32, #tpu.memory_space<vmem>>) dst(%dma_wait3A_57 : memref<128x16xf32, #tpu.memory_space<vmem_shared>>)
      tpu.yield
    }) : () -> ()
    %add3A_12 = arith.constant 256 : i32
    %add3A_13 = arith.addi %mul3A_0, %add3A_12 : i32
    "tpu.region"() ({
      %run_scoped3A = tpu.sem_alloc : memref<!tpu.dma_semaphore, #tpu.memory_space<semaphore_mem>>
      %dma_start3A = arith.constant 0 : i32
      %dma_start3A_52 = tpu.memref_slice %arg15[%add3A_13, %dma_start3A] : memref<10240x128xf32, #tpu.memory_space<vmem_shared>> -> memref<128x128xf32, #tpu.memory_space<vmem_shared>>
      %dma_start3A_53 = arith.constant 0 : i32
      %dma_start3A_54 = tpu.memref_slice %arg15[%add3A_13, %dma_start3A_53] : memref<10240x128xf32, #tpu.memory_space<vmem_shared>> -> memref<128x128xf32, #tpu.memory_space<vmem_shared>>
      tpu.enqueue_dma source(%arg14 : memref<128x128xf32, #tpu.memory_space<vmem>>) target(%dma_start3A_54 : memref<128x128xf32, #tpu.memory_space<vmem_shared>>) target_semaphore(%run_scoped3A : memref<!tpu.dma_semaphore, #tpu.memory_space<semaphore_mem>>)
      %dma_wait3A = arith.constant 0 : i32
      %dma_wait3A_55 = tpu.memref_slice %arg15[%add3A_13, %dma_wait3A] : memref<10240x128xf32, #tpu.memory_space<vmem_shared>> -> memref<128x128xf32, #tpu.memory_space<vmem_shared>>
      %dma_wait3A_56 = arith.constant 0 : i32
      %dma_wait3A_57 = tpu.memref_slice %arg15[%add3A_13, %dma_wait3A_56] : memref<10240x128xf32, #tpu.memory_space<vmem_shared>> -> memref<128x128xf32, #tpu.memory_space<vmem_shared>>
      tpu.wait_dma2 semaphore(%run_scoped3A : memref<!tpu.dma_semaphore, #tpu.memory_space<semaphore_mem>>) src(%arg14 : memref<128x128xf32, #tpu.memory_space<vmem>>) dst(%dma_wait3A_57 : memref<128x128xf32, #tpu.memory_space<vmem_shared>>)
      tpu.yield
    }) : () -> ()
    %add3A_14 = arith.constant 256 : i32
    %add3A_15 = arith.addi %mul3A_0, %add3A_14 : i32
    "tpu.region"() ({
      %run_scoped3A = tpu.sem_alloc : memref<!tpu.dma_semaphore, #tpu.memory_space<semaphore_mem>>
      %dma_start3A = arith.constant 0 : i32
      %dma_start3A_52 = tpu.memref_slice %arg16[%add3A_15, %dma_start3A] : memref<10240x16xf32, #tpu.memory_space<vmem_shared>> -> memref<128x16xf32, #tpu.memory_space<vmem_shared>>
      %dma_start3A_53 = arith.constant 0 : i32
      %dma_start3A_54 = tpu.memref_slice %arg16[%add3A_15, %dma_start3A_53] : memref<10240x16xf32, #tpu.memory_space<vmem_shared>> -> memref<128x16xf32, #tpu.memory_space<vmem_shared>>
      tpu.enqueue_dma source(%arg13 : memref<128x16xf32, #tpu.memory_space<vmem>>) target(%dma_start3A_54 : memref<128x16xf32, #tpu.memory_space<vmem_shared>>) target_semaphore(%run_scoped3A : memref<!tpu.dma_semaphore, #tpu.memory_space<semaphore_mem>>)
      %dma_wait3A = arith.constant 0 : i32
      %dma_wait3A_55 = tpu.memref_slice %arg16[%add3A_15, %dma_wait3A] : memref<10240x16xf32, #tpu.memory_space<vmem_shared>> -> memref<128x16xf32, #tpu.memory_space<vmem_shared>>
      %dma_wait3A_56 = arith.constant 0 : i32
      %dma_wait3A_57 = tpu.memref_slice %arg16[%add3A_15, %dma_wait3A_56] : memref<10240x16xf32, #tpu.memory_space<vmem_shared>> -> memref<128x16xf32, #tpu.memory_space<vmem_shared>>
      tpu.wait_dma2 semaphore(%run_scoped3A : memref<!tpu.dma_semaphore, #tpu.memory_space<semaphore_mem>>) src(%arg13 : memref<128x16xf32, #tpu.memory_space<vmem>>) dst(%dma_wait3A_57 : memref<128x16xf32, #tpu.memory_space<vmem_shared>>)
      tpu.yield
    }) : () -> ()
    %add3A_16 = arith.constant 384 : i32
    %add3A_17 = arith.addi %mul3A_0, %add3A_16 : i32
    "tpu.region"() ({
      %run_scoped3A = tpu.sem_alloc : memref<!tpu.dma_semaphore, #tpu.memory_space<semaphore_mem>>
      %dma_start3A = arith.constant 0 : i32
      %dma_start3A_52 = tpu.memref_slice %arg15[%add3A_17, %dma_start3A] : memref<10240x128xf32, #tpu.memory_space<vmem_shared>> -> memref<128x128xf32, #tpu.memory_space<vmem_shared>>
      %dma_start3A_53 = arith.constant 0 : i32
      %dma_start3A_54 = tpu.memref_slice %arg15[%add3A_17, %dma_start3A_53] : memref<10240x128xf32, #tpu.memory_space<vmem_shared>> -> memref<128x128xf32, #tpu.memory_space<vmem_shared>>
      tpu.enqueue_dma source(%arg14 : memref<128x128xf32, #tpu.memory_space<vmem>>) target(%dma_start3A_54 : memref<128x128xf32, #tpu.memory_space<vmem_shared>>) target_semaphore(%run_scoped3A : memref<!tpu.dma_semaphore, #tpu.memory_space<semaphore_mem>>)
      %dma_wait3A = arith.constant 0 : i32
      %dma_wait3A_55 = tpu.memref_slice %arg15[%add3A_17, %dma_wait3A] : memref<10240x128xf32, #tpu.memory_space<vmem_shared>> -> memref<128x128xf32, #tpu.memory_space<vmem_shared>>
      %dma_wait3A_56 = arith.constant 0 : i32
      %dma_wait3A_57 = tpu.memref_slice %arg15[%add3A_17, %dma_wait3A_56] : memref<10240x128xf32, #tpu.memory_space<vmem_shared>> -> memref<128x128xf32, #tpu.memory_space<vmem_shared>>
      tpu.wait_dma2 semaphore(%run_scoped3A : memref<!tpu.dma_semaphore, #tpu.memory_space<semaphore_mem>>) src(%arg14 : memref<128x128xf32, #tpu.memory_space<vmem>>) dst(%dma_wait3A_57 : memref<128x128xf32, #tpu.memory_space<vmem_shared>>)
      tpu.yield
    }) : () -> ()
    %add3A_18 = arith.constant 384 : i32
    %add3A_19 = arith.addi %mul3A_0, %add3A_18 : i32
    "tpu.region"() ({
      %run_scoped3A = tpu.sem_alloc : memref<!tpu.dma_semaphore, #tpu.memory_space<semaphore_mem>>
      %dma_start3A = arith.constant 0 : i32
      %dma_start3A_52 = tpu.memref_slice %arg16[%add3A_19, %dma_start3A] : memref<10240x16xf32, #tpu.memory_space<vmem_shared>> -> memref<128x16xf32, #tpu.memory_space<vmem_shared>>
      %dma_start3A_53 = arith.constant 0 : i32
      %dma_start3A_54 = tpu.memref_slice %arg16[%add3A_19, %dma_start3A_53] : memref<10240x16xf32, #tpu.memory_space<vmem_shared>> -> memref<128x16xf32, #tpu.memory_space<vmem_shared>>
      tpu.enqueue_dma source(%arg13 : memref<128x16xf32, #tpu.memory_space<vmem>>) target(%dma_start3A_54 : memref<128x16xf32, #tpu.memory_space<vmem_shared>>) target_semaphore(%run_scoped3A : memref<!tpu.dma_semaphore, #tpu.memory_space<semaphore_mem>>)
      %dma_wait3A = arith.constant 0 : i32
      %dma_wait3A_55 = tpu.memref_slice %arg16[%add3A_19, %dma_wait3A] : memref<10240x16xf32, #tpu.memory_space<vmem_shared>> -> memref<128x16xf32, #tpu.memory_space<vmem_shared>>
      %dma_wait3A_56 = arith.constant 0 : i32
      %dma_wait3A_57 = tpu.memref_slice %arg16[%add3A_19, %dma_wait3A_56] : memref<10240x16xf32, #tpu.memory_space<vmem_shared>> -> memref<128x16xf32, #tpu.memory_space<vmem_shared>>
      tpu.wait_dma2 semaphore(%run_scoped3A : memref<!tpu.dma_semaphore, #tpu.memory_space<semaphore_mem>>) src(%arg13 : memref<128x16xf32, #tpu.memory_space<vmem>>) dst(%dma_wait3A_57 : memref<128x16xf32, #tpu.memory_space<vmem_shared>>)
      tpu.yield
    }) : () -> ()
    %add3A_20 = arith.constant 512 : i32
    %add3A_21 = arith.addi %mul3A_0, %add3A_20 : i32
    "tpu.region"() ({
      %run_scoped3A = tpu.sem_alloc : memref<!tpu.dma_semaphore, #tpu.memory_space<semaphore_mem>>
      %dma_start3A = arith.constant 0 : i32
      %dma_start3A_52 = tpu.memref_slice %arg15[%add3A_21, %dma_start3A] : memref<10240x128xf32, #tpu.memory_space<vmem_shared>> -> memref<128x128xf32, #tpu.memory_space<vmem_shared>>
      %dma_start3A_53 = arith.constant 0 : i32
      %dma_start3A_54 = tpu.memref_slice %arg15[%add3A_21, %dma_start3A_53] : memref<10240x128xf32, #tpu.memory_space<vmem_shared>> -> memref<128x128xf32, #tpu.memory_space<vmem_shared>>
      tpu.enqueue_dma source(%arg14 : memref<128x128xf32, #tpu.memory_space<vmem>>) target(%dma_start3A_54 : memref<128x128xf32, #tpu.memory_space<vmem_shared>>) target_semaphore(%run_scoped3A : memref<!tpu.dma_semaphore, #tpu.memory_space<semaphore_mem>>)
      %dma_wait3A = arith.constant 0 : i32
      %dma_wait3A_55 = tpu.memref_slice %arg15[%add3A_21, %dma_wait3A] : memref<10240x128xf32, #tpu.memory_space<vmem_shared>> -> memref<128x128xf32, #tpu.memory_space<vmem_shared>>
      %dma_wait3A_56 = arith.constant 0 : i32
      %dma_wait3A_57 = tpu.memref_slice %arg15[%add3A_21, %dma_wait3A_56] : memref<10240x128xf32, #tpu.memory_space<vmem_shared>> -> memref<128x128xf32, #tpu.memory_space<vmem_shared>>
      tpu.wait_dma2 semaphore(%run_scoped3A : memref<!tpu.dma_semaphore, #tpu.memory_space<semaphore_mem>>) src(%arg14 : memref<128x128xf32, #tpu.memory_space<vmem>>) dst(%dma_wait3A_57 : memref<128x128xf32, #tpu.memory_space<vmem_shared>>)
      tpu.yield
    }) : () -> ()
    %add3A_22 = arith.constant 512 : i32
    %add3A_23 = arith.addi %mul3A_0, %add3A_22 : i32
    "tpu.region"() ({
      %run_scoped3A = tpu.sem_alloc : memref<!tpu.dma_semaphore, #tpu.memory_space<semaphore_mem>>
      %dma_start3A = arith.constant 0 : i32
      %dma_start3A_52 = tpu.memref_slice %arg16[%add3A_23, %dma_start3A] : memref<10240x16xf32, #tpu.memory_space<vmem_shared>> -> memref<128x16xf32, #tpu.memory_space<vmem_shared>>
      %dma_start3A_53 = arith.constant 0 : i32
      %dma_start3A_54 = tpu.memref_slice %arg16[%add3A_23, %dma_start3A_53] : memref<10240x16xf32, #tpu.memory_space<vmem_shared>> -> memref<128x16xf32, #tpu.memory_space<vmem_shared>>
      tpu.enqueue_dma source(%arg13 : memref<128x16xf32, #tpu.memory_space<vmem>>) target(%dma_start3A_54 : memref<128x16xf32, #tpu.memory_space<vmem_shared>>) target_semaphore(%run_scoped3A : memref<!tpu.dma_semaphore, #tpu.memory_space<semaphore_mem>>)
      %dma_wait3A = arith.constant 0 : i32
      %dma_wait3A_55 = tpu.memref_slice %arg16[%add3A_23, %dma_wait3A] : memref<10240x16xf32, #tpu.memory_space<vmem_shared>> -> memref<128x16xf32, #tpu.memory_space<vmem_shared>>
      %dma_wait3A_56 = arith.constant 0 : i32
      %dma_wait3A_57 = tpu.memref_slice %arg16[%add3A_23, %dma_wait3A_56] : memref<10240x16xf32, #tpu.memory_space<vmem_shared>> -> memref<128x16xf32, #tpu.memory_space<vmem_shared>>
      tpu.wait_dma2 semaphore(%run_scoped3A : memref<!tpu.dma_semaphore, #tpu.memory_space<semaphore_mem>>) src(%arg13 : memref<128x16xf32, #tpu.memory_space<vmem>>) dst(%dma_wait3A_57 : memref<128x16xf32, #tpu.memory_space<vmem_shared>>)
      tpu.yield
    }) : () -> ()
    %barrier3A = arith.constant 0 : index
    tpu.barrier barrier_id(%barrier3A)
    %mul3A_24 = arith.constant 10240 : i32
    %mul3A_25 = arith.muli %arg0, %mul3A_24 : i32
    %scan3A_26 = arith.constant 0 : i32
    %scan3A_27 = arith.constant 162 : i32
    %scan3A_28 = arith.addi %scan3A_26, %scan3A_27 : i32
    %scan3A_29 = arith.constant 1 : i32
    scf.for %scan3A_52 = %scan3A_26 to %scan3A_28 step %scan3A_29  : i32 {
      %mul3A_53 = arith.constant 162 : i32
      %mul3A_54 = arith.muli %arg1, %mul3A_53 : i32
      %add3A_55 = arith.addi %mul3A_54, %scan3A_52 : i32
      %mul3A_56 = arith.constant 2 : i32
      %mul3A_57 = arith.muli %add3A_55, %mul3A_56 : i32
      %mul3A_58 = arith.constant 128 : i32
      %mul3A_59 = arith.muli %mul3A_57, %mul3A_58 : i32
      "tpu.region"() ({
        %run_scoped3A = tpu.sem_alloc : memref<!tpu.dma_semaphore, #tpu.memory_space<semaphore_mem>>
        %dma_start3A_218 = tpu.memref_slice %arg2[%mul3A_59] : memref<663552xi32, #tpu.memory_space<hbm>> -> memref<256xi32, #tpu.memory_space<hbm>>
        %dma_start3A_219 = tpu.memref_slice %arg2[%mul3A_59] : memref<663552xi32, #tpu.memory_space<hbm>> -> memref<256xi32, #tpu.memory_space<hbm>>
        tpu.enqueue_dma source(%dma_start3A_219 : memref<256xi32, #tpu.memory_space<hbm>>) target(%arg8 : memref<256xi32, #tpu.memory_space<vmem>>) target_semaphore(%run_scoped3A : memref<!tpu.dma_semaphore, #tpu.memory_space<semaphore_mem>>)
        %dma_wait3A_220 = tpu.memref_slice %arg2[%mul3A_59] : memref<663552xi32, #tpu.memory_space<hbm>> -> memref<256xi32, #tpu.memory_space<hbm>>
        %dma_wait3A_221 = tpu.memref_slice %arg2[%mul3A_59] : memref<663552xi32, #tpu.memory_space<hbm>> -> memref<256xi32, #tpu.memory_space<hbm>>
        tpu.wait_dma2 semaphore(%run_scoped3A : memref<!tpu.dma_semaphore, #tpu.memory_space<semaphore_mem>>) src(%dma_wait3A_221 : memref<256xi32, #tpu.memory_space<hbm>>) dst(%arg8 : memref<256xi32, #tpu.memory_space<vmem>>)
        tpu.yield
      }) : () -> ()
      %get3A = arith.constant 0 : index
      %get3A_60 = tpu.vector_load %arg8[%get3A] {strides = array<i32>} : memref<256xi32, #tpu.memory_space<vmem>>, vector<16xi32>,
      %get3A_61 = vector.shape_cast %get3A_60 : vector<16xi32> to vector<16xi32>
      %add3A_62 = vector.broadcast %mul3A_25 : i32 to vector<16xi32>
      %add3A_63 = arith.addi %get3A_61, %add3A_62 : vector<16xi32>
      %swap3A = arith.constant 0 : index
      %swap3A_64 = tpu.vector_load %arg10[%swap3A] {strides = array<i32>} : memref<128xi32, #tpu.memory_space<vmem>>, vector<16xi32>,
      %swap3A_65 = vector.shape_cast %swap3A_64 : vector<16xi32> to vector<16xi32>
      %swap3A_66 = vector.shape_cast %add3A_63 : vector<16xi32> to vector<16xi32>
      tpu.vector_store %arg10[%swap3A], %swap3A_66 {strides = array<i32>} : memref<128xi32, #tpu.memory_space<vmem>>, vector<16xi32>,
      %get3A_67 = arith.constant 128 : index
      %get3A_68 = tpu.vector_load %arg8[%get3A_67] {strides = array<i32>} : memref<256xi32, #tpu.memory_space<vmem>>, vector<16xi32>,
      %get3A_69 = vector.shape_cast %get3A_68 : vector<16xi32> to vector<16xi32>
      %swap3A_70 = arith.constant 0 : index
      %swap3A_71 = tpu.vector_load %arg9[%swap3A_70] {strides = array<i32>} : memref<128xi32, #tpu.memory_space<vmem>>, vector<16xi32>,
      %swap3A_72 = vector.shape_cast %swap3A_71 : vector<16xi32> to vector<16xi32>
      %swap3A_73 = vector.shape_cast %get3A_69 : vector<16xi32> to vector<16xi32>
      tpu.vector_store %arg9[%swap3A_70], %swap3A_73 {strides = array<i32>} : memref<128xi32, #tpu.memory_space<vmem>>, vector<16xi32>,
      %get3A_74 = arith.constant 16 : index
      %get3A_75 = tpu.vector_load %arg8[%get3A_74] {strides = array<i32>} : memref<256xi32, #tpu.memory_space<vmem>>, vector<16xi32>,
      %get3A_76 = vector.shape_cast %get3A_75 : vector<16xi32> to vector<16xi32>
      %add3A_77 = vector.broadcast %mul3A_25 : i32 to vector<16xi32>
      %add3A_78 = arith.addi %get3A_76, %add3A_77 : vector<16xi32>
      %swap3A_79 = arith.constant 16 : index
      %swap3A_80 = tpu.vector_load %arg10[%swap3A_79] {strides = array<i32>} : memref<128xi32, #tpu.memory_space<vmem>>, vector<16xi32>,
      %swap3A_81 = vector.shape_cast %swap3A_80 : vector<16xi32> to vector<16xi32>
      %swap3A_82 = vector.shape_cast %add3A_78 : vector<16xi32> to vector<16xi32>
      tpu.vector_store %arg10[%swap3A_79], %swap3A_82 {strides = array<i32>} : memref<128xi32, #tpu.memory_space<vmem>>, vector<16xi32>,
      %get3A_83 = arith.constant 144 : index
      %get3A_84 = tpu.vector_load %arg8[%get3A_83] {strides = array<i32>} : memref<256xi32, #tpu.memory_space<vmem>>, vector<16xi32>,
      %get3A_85 = vector.shape_cast %get3A_84 : vector<16xi32> to vector<16xi32>
      %swap3A_86 = arith.constant 16 : index
      %swap3A_87 = tpu.vector_load %arg9[%swap3A_86] {strides = array<i32>} : memref<128xi32, #tpu.memory_space<vmem>>, vector<16xi32>,
      %swap3A_88 = vector.shape_cast %swap3A_87 : vector<16xi32> to vector<16xi32>
      %swap3A_89 = vector.shape_cast %get3A_85 : vector<16xi32> to vector<16xi32>
      tpu.vector_store %arg9[%swap3A_86], %swap3A_89 {strides = array<i32>} : memref<128xi32, #tpu.memory_space<vmem>>, vector<16xi32>,
      %get3A_90 = arith.constant 32 : index
      %get3A_91 = tpu.vector_load %arg8[%get3A_90] {strides = array<i32>} : memref<256xi32, #tpu.memory_space<vmem>>, vector<16xi32>,
      %get3A_92 = vector.shape_cast %get3A_91 : vector<16xi32> to vector<16xi32>
      %add3A_93 = vector.broadcast %mul3A_25 : i32 to vector<16xi32>
      %add3A_94 = arith.addi %get3A_92, %add3A_93 : vector<16xi32>
      %swap3A_95 = arith.constant 32 : index
      %swap3A_96 = tpu.vector_load %arg10[%swap3A_95] {strides = array<i32>} : memref<128xi32, #tpu.memory_space<vmem>>, vector<16xi32>,
      %swap3A_97 = vector.shape_cast %swap3A_96 : vector<16xi32> to vector<16xi32>
      %swap3A_98 = vector.shape_cast %add3A_94 : vector<16xi32> to vector<16xi32>
      tpu.vector_store %arg10[%swap3A_95], %swap3A_98 {strides = array<i32>} : memref<128xi32, #tpu.memory_space<vmem>>, vector<16xi32>,
      %get3A_99 = arith.constant 160 : index
      %get3A_100 = tpu.vector_load %arg8[%get3A_99] {strides = array<i32>} : memref<256xi32, #tpu.memory_space<vmem>>, vector<16xi32>,
      %get3A_101 = vector.shape_cast %get3A_100 : vector<16xi32> to vector<16xi32>
      %swap3A_102 = arith.constant 32 : index
      %swap3A_103 = tpu.vector_load %arg9[%swap3A_102] {strides = array<i32>} : memref<128xi32, #tpu.memory_space<vmem>>, vector<16xi32>,
      %swap3A_104 = vector.shape_cast %swap3A_103 : vector<16xi32> to vector<16xi32>
      %swap3A_105 = vector.shape_cast %get3A_101 : vector<16xi32> to vector<16xi32>
      tpu.vector_store %arg9[%swap3A_102], %swap3A_105 {strides = array<i32>} : memref<128xi32, #tpu.memory_space<vmem>>, vector<16xi32>,
      %get3A_106 = arith.constant 48 : index
      %get3A_107 = tpu.vector_load %arg8[%get3A_106] {strides = array<i32>} : memref<256xi32, #tpu.memory_space<vmem>>, vector<16xi32>,
      %get3A_108 = vector.shape_cast %get3A_107 : vector<16xi32> to vector<16xi32>
      %add3A_109 = vector.broadcast %mul3A_25 : i32 to vector<16xi32>
      %add3A_110 = arith.addi %get3A_108, %add3A_109 : vector<16xi32>
      %swap3A_111 = arith.constant 48 : index
      %swap3A_112 = tpu.vector_load %arg10[%swap3A_111] {strides = array<i32>} : memref<128xi32, #tpu.memory_space<vmem>>, vector<16xi32>,
      %swap3A_113 = vector.shape_cast %swap3A_112 : vector<16xi32> to vector<16xi32>
      %swap3A_114 = vector.shape_cast %add3A_110 : vector<16xi32> to vector<16xi32>
      tpu.vector_store %arg10[%swap3A_111], %swap3A_114 {strides = array<i32>} : memref<128xi32, #tpu.memory_space<vmem>>, vector<16xi32>,
      %get3A_115 = arith.constant 176 : index
      %get3A_116 = tpu.vector_load %arg8[%get3A_115] {strides = array<i32>} : memref<256xi32, #tpu.memory_space<vmem>>, vector<16xi32>,
      %get3A_117 = vector.shape_cast %get3A_116 : vector<16xi32> to vector<16xi32>
      %swap3A_118 = arith.constant 48 : index
      %swap3A_119 = tpu.vector_load %arg9[%swap3A_118] {strides = array<i32>} : memref<128xi32, #tpu.memory_space<vmem>>, vector<16xi32>,
      %swap3A_120 = vector.shape_cast %swap3A_119 : vector<16xi32> to vector<16xi32>
      %swap3A_121 = vector.shape_cast %get3A_117 : vector<16xi32> to vector<16xi32>
      tpu.vector_store %arg9[%swap3A_118], %swap3A_121 {strides = array<i32>} : memref<128xi32, #tpu.memory_space<vmem>>, vector<16xi32>,
      %get3A_122 = arith.constant 64 : index
      %get3A_123 = tpu.vector_load %arg8[%get3A_122] {strides = array<i32>} : memref<256xi32, #tpu.memory_space<vmem>>, vector<16xi32>,
      %get3A_124 = vector.shape_cast %get3A_123 : vector<16xi32> to vector<16xi32>
      %add3A_125 = vector.broadcast %mul3A_25 : i32 to vector<16xi32>
      %add3A_126 = arith.addi %get3A_124, %add3A_125 : vector<16xi32>
      %swap3A_127 = arith.constant 64 : index
      %swap3A_128 = tpu.vector_load %arg10[%swap3A_127] {strides = array<i32>} : memref<128xi32, #tpu.memory_space<vmem>>, vector<16xi32>,
      %swap3A_129 = vector.shape_cast %swap3A_128 : vector<16xi32> to vector<16xi32>
      %swap3A_130 = vector.shape_cast %add3A_126 : vector<16xi32> to vector<16xi32>
      tpu.vector_store %arg10[%swap3A_127], %swap3A_130 {strides = array<i32>} : memref<128xi32, #tpu.memory_space<vmem>>, vector<16xi32>,
      %get3A_131 = arith.constant 192 : index
      %get3A_132 = tpu.vector_load %arg8[%get3A_131] {strides = array<i32>} : memref<256xi32, #tpu.memory_space<vmem>>, vector<16xi32>,
      %get3A_133 = vector.shape_cast %get3A_132 : vector<16xi32> to vector<16xi32>
      %swap3A_134 = arith.constant 64 : index
      %swap3A_135 = tpu.vector_load %arg9[%swap3A_134] {strides = array<i32>} : memref<128xi32, #tpu.memory_space<vmem>>, vector<16xi32>,
      %swap3A_136 = vector.shape_cast %swap3A_135 : vector<16xi32> to vector<16xi32>
      %swap3A_137 = vector.shape_cast %get3A_133 : vector<16xi32> to vector<16xi32>
      tpu.vector_store %arg9[%swap3A_134], %swap3A_137 {strides = array<i32>} : memref<128xi32, #tpu.memory_space<vmem>>, vector<16xi32>,
      %get3A_138 = arith.constant 80 : index
      %get3A_139 = tpu.vector_load %arg8[%get3A_138] {strides = array<i32>} : memref<256xi32, #tpu.memory_space<vmem>>, vector<16xi32>,
      %get3A_140 = vector.shape_cast %get3A_139 : vector<16xi32> to vector<16xi32>
      %add3A_141 = vector.broadcast %mul3A_25 : i32 to vector<16xi32>
      %add3A_142 = arith.addi %get3A_140, %add3A_141 : vector<16xi32>
      %swap3A_143 = arith.constant 80 : index
      %swap3A_144 = tpu.vector_load %arg10[%swap3A_143] {strides = array<i32>} : memref<128xi32, #tpu.memory_space<vmem>>, vector<16xi32>,
      %swap3A_145 = vector.shape_cast %swap3A_144 : vector<16xi32> to vector<16xi32>
      %swap3A_146 = vector.shape_cast %add3A_142 : vector<16xi32> to vector<16xi32>
      tpu.vector_store %arg10[%swap3A_143], %swap3A_146 {strides = array<i32>} : memref<128xi32, #tpu.memory_space<vmem>>, vector<16xi32>,
      %get3A_147 = arith.constant 208 : index
      %get3A_148 = tpu.vector_load %arg8[%get3A_147] {strides = array<i32>} : memref<256xi32, #tpu.memory_space<vmem>>, vector<16xi32>,
      %get3A_149 = vector.shape_cast %get3A_148 : vector<16xi32> to vector<16xi32>
      %swap3A_150 = arith.constant 80 : index
      %swap3A_151 = tpu.vector_load %arg9[%swap3A_150] {strides = array<i32>} : memref<128xi32, #tpu.memory_space<vmem>>, vector<16xi32>,
      %swap3A_152 = vector.shape_cast %swap3A_151 : vector<16xi32> to vector<16xi32>
      %swap3A_153 = vector.shape_cast %get3A_149 : vector<16xi32> to vector<16xi32>
      tpu.vector_store %arg9[%swap3A_150], %swap3A_153 {strides = array<i32>} : memref<128xi32, #tpu.memory_space<vmem>>, vector<16xi32>,
      %get3A_154 = arith.constant 96 : index
      %get3A_155 = tpu.vector_load %arg8[%get3A_154] {strides = array<i32>} : memref<256xi32, #tpu.memory_space<vmem>>, vector<16xi32>,
      %get3A_156 = vector.shape_cast %get3A_155 : vector<16xi32> to vector<16xi32>
      %add3A_157 = vector.broadcast %mul3A_25 : i32 to vector<16xi32>
      %add3A_158 = arith.addi %get3A_156, %add3A_157 : vector<16xi32>
      %swap3A_159 = arith.constant 96 : index
      %swap3A_160 = tpu.vector_load %arg10[%swap3A_159] {strides = array<i32>} : memref<128xi32, #tpu.memory_space<vmem>>, vector<16xi32>,
      %swap3A_161 = vector.shape_cast %swap3A_160 : vector<16xi32> to vector<16xi32>
      %swap3A_162 = vector.shape_cast %add3A_158 : vector<16xi32> to vector<16xi32>
      tpu.vector_store %arg10[%swap3A_159], %swap3A_162 {strides = array<i32>} : memref<128xi32, #tpu.memory_space<vmem>>, vector<16xi32>,
      %get3A_163 = arith.constant 224 : index
      %get3A_164 = tpu.vector_load %arg8[%get3A_163] {strides = array<i32>} : memref<256xi32, #tpu.memory_space<vmem>>, vector<16xi32>,
      %get3A_165 = vector.shape_cast %get3A_164 : vector<16xi32> to vector<16xi32>
      %swap3A_166 = arith.constant 96 : index
      %swap3A_167 = tpu.vector_load %arg9[%swap3A_166] {strides = array<i32>} : memref<128xi32, #tpu.memory_space<vmem>>, vector<16xi32>,
      %swap3A_168 = vector.shape_cast %swap3A_167 : vector<16xi32> to vector<16xi32>
      %swap3A_169 = vector.shape_cast %get3A_165 : vector<16xi32> to vector<16xi32>
      tpu.vector_store %arg9[%swap3A_166], %swap3A_169 {strides = array<i32>} : memref<128xi32, #tpu.memory_space<vmem>>, vector<16xi32>,
      %get3A_170 = arith.constant 112 : index
      %get3A_171 = tpu.vector_load %arg8[%get3A_170] {strides = array<i32>} : memref<256xi32, #tpu.memory_space<vmem>>, vector<16xi32>,
      %get3A_172 = vector.shape_cast %get3A_171 : vector<16xi32> to vector<16xi32>
      %add3A_173 = vector.broadcast %mul3A_25 : i32 to vector<16xi32>
      %add3A_174 = arith.addi %get3A_172, %add3A_173 : vector<16xi32>
      %swap3A_175 = arith.constant 112 : index
      %swap3A_176 = tpu.vector_load %arg10[%swap3A_175] {strides = array<i32>} : memref<128xi32, #tpu.memory_space<vmem>>, vector<16xi32>,
      %swap3A_177 = vector.shape_cast %swap3A_176 : vector<16xi32> to vector<16xi32>
      %swap3A_178 = vector.shape_cast %add3A_174 : vector<16xi32> to vector<16xi32>
      tpu.vector_store %arg10[%swap3A_175], %swap3A_178 {strides = array<i32>} : memref<128xi32, #tpu.memory_space<vmem>>, vector<16xi32>,
      %get3A_179 = arith.constant 240 : index
      %get3A_180 = tpu.vector_load %arg8[%get3A_179] {strides = array<i32>} : memref<256xi32, #tpu.memory_space<vmem>>, vector<16xi32>,
      %get3A_181 = vector.shape_cast %get3A_180 : vector<16xi32> to vector<16xi32>
      %swap3A_182 = arith.constant 112 : index
      %swap3A_183 = tpu.vector_load %arg9[%swap3A_182] {strides = array<i32>} : memref<128xi32, #tpu.memory_space<vmem>>, vector<16xi32>,
      %swap3A_184 = vector.shape_cast %swap3A_183 : vector<16xi32> to vector<16xi32>
      %swap3A_185 = vector.shape_cast %get3A_181 : vector<16xi32> to vector<16xi32>
      tpu.vector_store %arg9[%swap3A_182], %swap3A_185 {strides = array<i32>} : memref<128xi32, #tpu.memory_space<vmem>>, vector<16xi32>,
      %dma_start3A = arith.constant 0 : i32
      %dma_start3A_186 = tpu.memref_slice %arg8[%dma_start3A] : memref<256xi32, #tpu.memory_space<vmem>> -> memref<128xi32, #tpu.memory_space<vmem>>
      %dma_start3A_187 = arith.constant 0 : i32
      %dma_start3A_188 = arith.constant 0 : i32
      %dma_start3A_189 = tpu.memref_slice %arg3[%dma_start3A_187, %dma_start3A_188] : memref<10240x16xf32, #tpu.memory_space<hbm>> -> memref<10240x16xf32, #tpu.memory_space<hbm>>
      tpu.enqueue_indirect_dma source(%dma_start3A_189 : memref<10240x16xf32, #tpu.memory_space<hbm>>) target(%arg11 : memref<128x16xf32, #tpu.memory_space<vmem>>) offsets(%dma_start3A_186 : memref<128xi32, #tpu.memory_space<vmem>>) semaphore(%arg17 : memref<!tpu.dma_semaphore, #tpu.memory_space<semaphore_mem>>)
      %dma_start3A_190 = arith.constant 0 : i32
      %dma_start3A_191 = arith.constant 0 : i32
      %dma_start3A_192 = tpu.memref_slice %arg4[%dma_start3A_190, %dma_start3A_191] : memref<10240x16xf32, #tpu.memory_space<hbm>> -> memref<10240x16xf32, #tpu.memory_space<hbm>>
      tpu.enqueue_indirect_dma source(%dma_start3A_192 : memref<10240x16xf32, #tpu.memory_space<hbm>>) target(%arg12 : memref<128x16xf32, #tpu.memory_space<vmem>>) offsets(%arg9 : memref<128xi32, #tpu.memory_space<vmem>>) semaphore(%arg18 : memref<!tpu.dma_semaphore, #tpu.memory_space<semaphore_mem>>)
      %dma_start3A_193 = arith.constant 0 : i32
      %dma_start3A_194 = arith.constant 0 : i32
      %dma_start3A_195 = tpu.memref_slice %arg5[%dma_start3A_193, %dma_start3A_194] : memref<20480x128xf32, #tpu.memory_space<hbm>> -> memref<20480x128xf32, #tpu.memory_space<hbm>>
      tpu.enqueue_indirect_dma source(%dma_start3A_195 : memref<20480x128xf32, #tpu.memory_space<hbm>>) target(%arg14 : memref<128x128xf32, #tpu.memory_space<vmem>>) offsets(%arg10 : memref<128xi32, #tpu.memory_space<vmem>>) semaphore(%arg19 : memref<!tpu.dma_semaphore, #tpu.memory_space<semaphore_mem>>)
      %dma_wait3A = arith.constant 0 : i32
      %dma_wait3A_196 = tpu.memref_slice %arg8[%dma_wait3A] : memref<256xi32, #tpu.memory_space<vmem>> -> memref<128xi32, #tpu.memory_space<vmem>>
      %dma_wait3A_197 = arith.constant 0 : i32
      %dma_wait3A_198 = arith.constant 0 : i32
      %dma_wait3A_199 = tpu.memref_slice %arg3[%dma_wait3A_197, %dma_wait3A_198] : memref<10240x16xf32, #tpu.memory_space<hbm>> -> memref<10240x16xf32, #tpu.memory_space<hbm>>
      tpu.wait_indirect_dma semaphore(%arg17 : memref<!tpu.dma_semaphore, #tpu.memory_space<semaphore_mem>>) src(%dma_wait3A_199 : memref<10240x16xf32, #tpu.memory_space<hbm>>) dst(%arg11 : memref<128x16xf32, #tpu.memory_space<vmem>>)
      %dma_wait3A_200 = arith.constant 0 : i32
      %dma_wait3A_201 = arith.constant 0 : i32
      %dma_wait3A_202 = tpu.memref_slice %arg4[%dma_wait3A_200, %dma_wait3A_201] : memref<10240x16xf32, #tpu.memory_space<hbm>> -> memref<10240x16xf32, #tpu.memory_space<hbm>>
      tpu.wait_indirect_dma semaphore(%arg18 : memref<!tpu.dma_semaphore, #tpu.memory_space<semaphore_mem>>) src(%dma_wait3A_202 : memref<10240x16xf32, #tpu.memory_space<hbm>>) dst(%arg12 : memref<128x16xf32, #tpu.memory_space<vmem>>)
      %scan3A_203 = arith.constant 0 : i32
      %scan3A_204 = arith.constant 128 : i32
      %scan3A_205 = arith.addi %scan3A_203, %scan3A_204 : i32
      %scan3A_206 = arith.constant 1 : i32
      scf.for %scan3A_218 = %scan3A_203 to %scan3A_205 step %scan3A_206  : i32 {
        %get3A_219 = arith.index_cast %scan3A_218 : i32 to index
        %get3A_220 = arith.constant 0 : index
        %get3A_221 = tpu.vector_load %arg11[%get3A_219, %get3A_220] {strides = array<i32>} : memref<128x16xf32, #tpu.memory_space<vmem>>, vector<1x16xf32>,
        %get3A_222 = vector.shape_cast %get3A_221 : vector<1x16xf32> to vector<16xf32>
        %get3A_223 = arith.index_cast %scan3A_218 : i32 to index
        %get3A_224 = arith.constant 0 : index
        %get3A_225 = tpu.vector_load %arg12[%get3A_223, %get3A_224] {strides = array<i32>} : memref<128x16xf32, #tpu.memory_space<vmem>>, vector<1x16xf32>,
        %get3A_226 = vector.shape_cast %get3A_225 : vector<1x16xf32> to vector<16xf32>
        %add3A_227 = arith.addf %get3A_222, %get3A_226 : vector<16xf32>
        %mul3A_228 = arith.constant 2.000000e-01 : f32
        %mul3A_229 = vector.broadcast %mul3A_228 : f32 to vector<16xf32>
        %mul3A_230 = arith.mulf %add3A_227, %mul3A_229 : vector<16xf32>
        %max3A = arith.maximumf %add3A_227, %mul3A_230 : vector<16xf32>
        %exp3A = math.exp %max3A : vector<16xf32>
        %swap3A_231 = arith.index_cast %scan3A_218 : i32 to index
        %swap3A_232 = arith.constant 0 : index
        %swap3A_233 = tpu.vector_load %arg13[%swap3A_231, %swap3A_232] {strides = array<i32>} : memref<128x16xf32, #tpu.memory_space<vmem>>, vector<1x16xf32>,
        %swap3A_234 = vector.shape_cast %swap3A_233 : vector<1x16xf32> to vector<16xf32>
        %swap3A_235 = vector.shape_cast %exp3A : vector<16xf32> to vector<1x16xf32>
        tpu.vector_store %arg13[%swap3A_231, %swap3A_232], %swap3A_235 {strides = array<i32>} : memref<128x16xf32, #tpu.memory_space<vmem>>, vector<1x16xf32>,
      }
      %scan3A_207 = arith.constant 128 : i32
      %dma_wait3A_208 = arith.constant 0 : i32
      %dma_wait3A_209 = arith.constant 0 : i32
      %dma_wait3A_210 = tpu.memref_slice %arg5[%dma_wait3A_208, %dma_wait3A_209] : memref<20480x128xf32, #tpu.memory_space<hbm>> -> memref<20480x128xf32, #tpu.memory_space<hbm>>
      tpu.wait_indirect_dma semaphore(%arg19 : memref<!tpu.dma_semaphore, #tpu.memory_space<semaphore_mem>>) src(%dma_wait3A_210 : memref<20480x128xf32, #tpu.memory_space<hbm>>) dst(%arg14 : memref<128x128xf32, #tpu.memory_space<vmem>>)
      %eq3A = arith.constant 0 : i32
      %eq3A_211 = arith.cmpi eq, %arg0, %eq3A : i32
      %convert_element_type3A = arith.extui %eq3A_211 : i1 to i32
      %cond3A = arith.constant 0 : i32
      %cond3A_212 = arith.cmpi ne, %convert_element_type3A, %cond3A : i32
      scf.if %cond3A_212 {
        %scan3A_218 = arith.constant 0 : i32
        %scan3A_219 = arith.constant 128 : i32
        %scan3A_220 = arith.addi %scan3A_218, %scan3A_219 : i32
        %scan3A_221 = arith.constant 1 : i32
        scf.for %scan3A_223 = %scan3A_218 to %scan3A_220 step %scan3A_221  : i32 {
          %get3A_224 = arith.index_cast %scan3A_223 : i32 to index
          %get3A_225 = arith.constant 0 : index
          %get3A_226 = tpu.vector_load %arg13[%get3A_224, %get3A_225] {strides = array<i32>} : memref<128x16xf32, #tpu.memory_space<vmem>>, vector<1x16xf32>,
          %get3A_227 = vector.shape_cast %get3A_226 : vector<1x16xf32> to vector<16xf32>
          %slice3A = vector.extract_strided_slice %get3A_227 {offsets = [0], sizes = [1], strides = [1]} : vector<16xf32> to vector<1xf32>
          %squeeze3A = vector.extract %slice3A[0] : f32 from vector<1xf32>
          %broadcast_in_dim3A = vector.broadcast %squeeze3A : f32 to vector<16xf32>
          %get3A_228 = arith.index_cast %scan3A_223 : i32 to index
          %get3A_229 = arith.constant 0 : index
          %get3A_230 = tpu.vector_load %arg14[%get3A_228, %get3A_229] {strides = array<i32>} : memref<128x128xf32, #tpu.memory_space<vmem>>, vector<1x16xf32>,
          %get3A_231 = vector.shape_cast %get3A_230 : vector<1x16xf32> to vector<16xf32>
          %mul3A_232 = arith.mulf %get3A_231, %broadcast_in_dim3A : vector<16xf32>
          %swap3A_233 = arith.index_cast %scan3A_223 : i32 to index
          %swap3A_234 = arith.constant 0 : index
          %swap3A_235 = tpu.vector_load %arg14[%swap3A_233, %swap3A_234] {strides = array<i32>} : memref<128x128xf32, #tpu.memory_space<vmem>>, vector<1x16xf32>,
          %swap3A_236 = vector.shape_cast %swap3A_235 : vector<1x16xf32> to vector<16xf32>
          %swap3A_237 = vector.shape_cast %mul3A_232 : vector<16xf32> to vector<1x16xf32>
          tpu.vector_store %arg14[%swap3A_233, %swap3A_234], %swap3A_237 {strides = array<i32>} : memref<128x128xf32, #tpu.memory_space<vmem>>, vector<1x16xf32>,
          %slice3A_238 = vector.extract_strided_slice %get3A_227 {offsets = [0], sizes = [1], strides = [1]} : vector<16xf32> to vector<1xf32>
          %squeeze3A_239 = vector.extract %slice3A_238[0] : f32 from vector<1xf32>
          %broadcast_in_dim3A_240 = vector.broadcast %squeeze3A_239 : f32 to vector<16xf32>
          %get3A_241 = arith.index_cast %scan3A_223 : i32 to index
          %get3A_242 = arith.constant 16 : index
          %get3A_243 = tpu.vector_load %arg14[%get3A_241, %get3A_242] {strides = array<i32>} : memref<128x128xf32, #tpu.memory_space<vmem>>, vector<1x16xf32>,
          %get3A_244 = vector.shape_cast %get3A_243 : vector<1x16xf32> to vector<16xf32>
          %mul3A_245 = arith.mulf %get3A_244, %broadcast_in_dim3A_240 : vector<16xf32>
          %swap3A_246 = arith.index_cast %scan3A_223 : i32 to index
          %swap3A_247 = arith.constant 16 : index
          %swap3A_248 = tpu.vector_load %arg14[%swap3A_246, %swap3A_247] {strides = array<i32>} : memref<128x128xf32, #tpu.memory_space<vmem>>, vector<1x16xf32>,
          %swap3A_249 = vector.shape_cast %swap3A_248 : vector<1x16xf32> to vector<16xf32>
          %swap3A_250 = vector.shape_cast %mul3A_245 : vector<16xf32> to vector<1x16xf32>
          tpu.vector_store %arg14[%swap3A_246, %swap3A_247], %swap3A_250 {strides = array<i32>} : memref<128x128xf32, #tpu.memory_space<vmem>>, vector<1x16xf32>,
          %slice3A_251 = vector.extract_strided_slice %get3A_227 {offsets = [1], sizes = [1], strides = [1]} : vector<16xf32> to vector<1xf32>
          %squeeze3A_252 = vector.extract %slice3A_251[0] : f32 from vector<1xf32>
          %broadcast_in_dim3A_253 = vector.broadcast %squeeze3A_252 : f32 to vector<16xf32>
          %get3A_254 = arith.index_cast %scan3A_223 : i32 to index
          %get3A_255 = arith.constant 32 : index
          %get3A_256 = tpu.vector_load %arg14[%get3A_254, %get3A_255] {strides = array<i32>} : memref<128x128xf32, #tpu.memory_space<vmem>>, vector<1x16xf32>,
          %get3A_257 = vector.shape_cast %get3A_256 : vector<1x16xf32> to vector<16xf32>
          %mul3A_258 = arith.mulf %get3A_257, %broadcast_in_dim3A_253 : vector<16xf32>
          %swap3A_259 = arith.index_cast %scan3A_223 : i32 to index
          %swap3A_260 = arith.constant 32 : index
          %swap3A_261 = tpu.vector_load %arg14[%swap3A_259, %swap3A_260] {strides = array<i32>} : memref<128x128xf32, #tpu.memory_space<vmem>>, vector<1x16xf32>,
          %swap3A_262 = vector.shape_cast %swap3A_261 : vector<1x16xf32> to vector<16xf32>
          %swap3A_263 = vector.shape_cast %mul3A_258 : vector<16xf32> to vector<1x16xf32>
          tpu.vector_store %arg14[%swap3A_259, %swap3A_260], %swap3A_263 {strides = array<i32>} : memref<128x128xf32, #tpu.memory_space<vmem>>, vector<1x16xf32>,
          %slice3A_264 = vector.extract_strided_slice %get3A_227 {offsets = [1], sizes = [1], strides = [1]} : vector<16xf32> to vector<1xf32>
          %squeeze3A_265 = vector.extract %slice3A_264[0] : f32 from vector<1xf32>
          %broadcast_in_dim3A_266 = vector.broadcast %squeeze3A_265 : f32 to vector<16xf32>
          %get3A_267 = arith.index_cast %scan3A_223 : i32 to index
          %get3A_268 = arith.constant 48 : index
          %get3A_269 = tpu.vector_load %arg14[%get3A_267, %get3A_268] {strides = array<i32>} : memref<128x128xf32, #tpu.memory_space<vmem>>, vector<1x16xf32>,
          %get3A_270 = vector.shape_cast %get3A_269 : vector<1x16xf32> to vector<16xf32>
          %mul3A_271 = arith.mulf %get3A_270, %broadcast_in_dim3A_266 : vector<16xf32>
          %swap3A_272 = arith.index_cast %scan3A_223 : i32 to index
          %swap3A_273 = arith.constant 48 : index
          %swap3A_274 = tpu.vector_load %arg14[%swap3A_272, %swap3A_273] {strides = array<i32>} : memref<128x128xf32, #tpu.memory_space<vmem>>, vector<1x16xf32>,
          %swap3A_275 = vector.shape_cast %swap3A_274 : vector<1x16xf32> to vector<16xf32>
          %swap3A_276 = vector.shape_cast %mul3A_271 : vector<16xf32> to vector<1x16xf32>
          tpu.vector_store %arg14[%swap3A_272, %swap3A_273], %swap3A_276 {strides = array<i32>} : memref<128x128xf32, #tpu.memory_space<vmem>>, vector<1x16xf32>,
          %slice3A_277 = vector.extract_strided_slice %get3A_227 {offsets = [2], sizes = [1], strides = [1]} : vector<16xf32> to vector<1xf32>
          %squeeze3A_278 = vector.extract %slice3A_277[0] : f32 from vector<1xf32>
          %broadcast_in_dim3A_279 = vector.broadcast %squeeze3A_278 : f32 to vector<16xf32>
          %get3A_280 = arith.index_cast %scan3A_223 : i32 to index
          %get3A_281 = arith.constant 64 : index
          %get3A_282 = tpu.vector_load %arg14[%get3A_280, %get3A_281] {strides = array<i32>} : memref<128x128xf32, #tpu.memory_space<vmem>>, vector<1x16xf32>,
          %get3A_283 = vector.shape_cast %get3A_282 : vector<1x16xf32> to vector<16xf32>
          %mul3A_284 = arith.mulf %get3A_283, %broadcast_in_dim3A_279 : vector<16xf32>
          %swap3A_285 = arith.index_cast %scan3A_223 : i32 to index
          %swap3A_286 = arith.constant 64 : index
          %swap3A_287 = tpu.vector_load %arg14[%swap3A_285, %swap3A_286] {strides = array<i32>} : memref<128x128xf32, #tpu.memory_space<vmem>>, vector<1x16xf32>,
          %swap3A_288 = vector.shape_cast %swap3A_287 : vector<1x16xf32> to vector<16xf32>
          %swap3A_289 = vector.shape_cast %mul3A_284 : vector<16xf32> to vector<1x16xf32>
          tpu.vector_store %arg14[%swap3A_285, %swap3A_286], %swap3A_289 {strides = array<i32>} : memref<128x128xf32, #tpu.memory_space<vmem>>, vector<1x16xf32>,
          %slice3A_290 = vector.extract_strided_slice %get3A_227 {offsets = [2], sizes = [1], strides = [1]} : vector<16xf32> to vector<1xf32>
          %squeeze3A_291 = vector.extract %slice3A_290[0] : f32 from vector<1xf32>
          %broadcast_in_dim3A_292 = vector.broadcast %squeeze3A_291 : f32 to vector<16xf32>
          %get3A_293 = arith.index_cast %scan3A_223 : i32 to index
          %get3A_294 = arith.constant 80 : index
          %get3A_295 = tpu.vector_load %arg14[%get3A_293, %get3A_294] {strides = array<i32>} : memref<128x128xf32, #tpu.memory_space<vmem>>, vector<1x16xf32>,
          %get3A_296 = vector.shape_cast %get3A_295 : vector<1x16xf32> to vector<16xf32>
          %mul3A_297 = arith.mulf %get3A_296, %broadcast_in_dim3A_292 : vector<16xf32>
          %swap3A_298 = arith.index_cast %scan3A_223 : i32 to index
          %swap3A_299 = arith.constant 80 : index
          %swap3A_300 = tpu.vector_load %arg14[%swap3A_298, %swap3A_299] {strides = array<i32>} : memref<128x128xf32, #tpu.memory_space<vmem>>, vector<1x16xf32>,
          %swap3A_301 = vector.shape_cast %swap3A_300 : vector<1x16xf32> to vector<16xf32>
          %swap3A_302 = vector.shape_cast %mul3A_297 : vector<16xf32> to vector<1x16xf32>
          tpu.vector_store %arg14[%swap3A_298, %swap3A_299], %swap3A_302 {strides = array<i32>} : memref<128x128xf32, #tpu.memory_space<vmem>>, vector<1x16xf32>,
          %slice3A_303 = vector.extract_strided_slice %get3A_227 {offsets = [3], sizes = [1], strides = [1]} : vector<16xf32> to vector<1xf32>
          %squeeze3A_304 = vector.extract %slice3A_303[0] : f32 from vector<1xf32>
          %broadcast_in_dim3A_305 = vector.broadcast %squeeze3A_304 : f32 to vector<16xf32>
          %get3A_306 = arith.index_cast %scan3A_223 : i32 to index
          %get3A_307 = arith.constant 96 : index
          %get3A_308 = tpu.vector_load %arg14[%get3A_306, %get3A_307] {strides = array<i32>} : memref<128x128xf32, #tpu.memory_space<vmem>>, vector<1x16xf32>,
          %get3A_309 = vector.shape_cast %get3A_308 : vector<1x16xf32> to vector<16xf32>
          %mul3A_310 = arith.mulf %get3A_309, %broadcast_in_dim3A_305 : vector<16xf32>
          %swap3A_311 = arith.index_cast %scan3A_223 : i32 to index
          %swap3A_312 = arith.constant 96 : index
          %swap3A_313 = tpu.vector_load %arg14[%swap3A_311, %swap3A_312] {strides = array<i32>} : memref<128x128xf32, #tpu.memory_space<vmem>>, vector<1x16xf32>,
          %swap3A_314 = vector.shape_cast %swap3A_313 : vector<1x16xf32> to vector<16xf32>
          %swap3A_315 = vector.shape_cast %mul3A_310 : vector<16xf32> to vector<1x16xf32>
          tpu.vector_store %arg14[%swap3A_311, %swap3A_312], %swap3A_315 {strides = array<i32>} : memref<128x128xf32, #tpu.memory_space<vmem>>, vector<1x16xf32>,
          %slice3A_316 = vector.extract_strided_slice %get3A_227 {offsets = [3], sizes = [1], strides = [1]} : vector<16xf32> to vector<1xf32>
          %squeeze3A_317 = vector.extract %slice3A_316[0] : f32 from vector<1xf32>
          %broadcast_in_dim3A_318 = vector.broadcast %squeeze3A_317 : f32 to vector<16xf32>
          %get3A_319 = arith.index_cast %scan3A_223 : i32 to index
          %get3A_320 = arith.constant 112 : index
          %get3A_321 = tpu.vector_load %arg14[%get3A_319, %get3A_320] {strides = array<i32>} : memref<128x128xf32, #tpu.memory_space<vmem>>, vector<1x16xf32>,
          %get3A_322 = vector.shape_cast %get3A_321 : vector<1x16xf32> to vector<16xf32>
          %mul3A_323 = arith.mulf %get3A_322, %broadcast_in_dim3A_318 : vector<16xf32>
          %swap3A_324 = arith.index_cast %scan3A_223 : i32 to index
          %swap3A_325 = arith.constant 112 : index
          %swap3A_326 = tpu.vector_load %arg14[%swap3A_324, %swap3A_325] {strides = array<i32>} : memref<128x128xf32, #tpu.memory_space<vmem>>, vector<1x16xf32>,
          %swap3A_327 = vector.shape_cast %swap3A_326 : vector<1x16xf32> to vector<16xf32>
          %swap3A_328 = vector.shape_cast %mul3A_323 : vector<16xf32> to vector<1x16xf32>
          tpu.vector_store %arg14[%swap3A_324, %swap3A_325], %swap3A_328 {strides = array<i32>} : memref<128x128xf32, #tpu.memory_space<vmem>>, vector<1x16xf32>,
        }
        %scan3A_222 = arith.constant 128 : i32
      } else {
      }
      %eq3A_213 = arith.constant 1 : i32
      %eq3A_214 = arith.cmpi eq, %arg0, %eq3A_213 : i32
      %convert_element_type3A_215 = arith.extui %eq3A_214 : i1 to i32
      %cond3A_216 = arith.constant 0 : i32
      %cond3A_217 = arith.cmpi ne, %convert_element_type3A_215, %cond3A_216 : i32
      scf.if %cond3A_217 {
        %scan3A_218 = arith.constant 0 : i32
        %scan3A_219 = arith.constant 128 : i32
        %scan3A_220 = arith.addi %scan3A_218, %scan3A_219 : i32
        %scan3A_221 = arith.constant 1 : i32
        scf.for %scan3A_223 = %scan3A_218 to %scan3A_220 step %scan3A_221  : i32 {
          %get3A_224 = arith.index_cast %scan3A_223 : i32 to index
          %get3A_225 = arith.constant 0 : index
          %get3A_226 = tpu.vector_load %arg13[%get3A_224, %get3A_225] {strides = array<i32>} : memref<128x16xf32, #tpu.memory_space<vmem>>, vector<1x16xf32>,
          %get3A_227 = vector.shape_cast %get3A_226 : vector<1x16xf32> to vector<16xf32>
          %slice3A = vector.extract_strided_slice %get3A_227 {offsets = [4], sizes = [1], strides = [1]} : vector<16xf32> to vector<1xf32>
          %squeeze3A = vector.extract %slice3A[0] : f32 from vector<1xf32>
          %broadcast_in_dim3A = vector.broadcast %squeeze3A : f32 to vector<16xf32>
          %get3A_228 = arith.index_cast %scan3A_223 : i32 to index
          %get3A_229 = arith.constant 0 : index
          %get3A_230 = tpu.vector_load %arg14[%get3A_228, %get3A_229] {strides = array<i32>} : memref<128x128xf32, #tpu.memory_space<vmem>>, vector<1x16xf32>,
          %get3A_231 = vector.shape_cast %get3A_230 : vector<1x16xf32> to vector<16xf32>
          %mul3A_232 = arith.mulf %get3A_231, %broadcast_in_dim3A : vector<16xf32>
          %swap3A_233 = arith.index_cast %scan3A_223 : i32 to index
          %swap3A_234 = arith.constant 0 : index
          %swap3A_235 = tpu.vector_load %arg14[%swap3A_233, %swap3A_234] {strides = array<i32>} : memref<128x128xf32, #tpu.memory_space<vmem>>, vector<1x16xf32>,
          %swap3A_236 = vector.shape_cast %swap3A_235 : vector<1x16xf32> to vector<16xf32>
          %swap3A_237 = vector.shape_cast %mul3A_232 : vector<16xf32> to vector<1x16xf32>
          tpu.vector_store %arg14[%swap3A_233, %swap3A_234], %swap3A_237 {strides = array<i32>} : memref<128x128xf32, #tpu.memory_space<vmem>>, vector<1x16xf32>,
          %slice3A_238 = vector.extract_strided_slice %get3A_227 {offsets = [4], sizes = [1], strides = [1]} : vector<16xf32> to vector<1xf32>
          %squeeze3A_239 = vector.extract %slice3A_238[0] : f32 from vector<1xf32>
          %broadcast_in_dim3A_240 = vector.broadcast %squeeze3A_239 : f32 to vector<16xf32>
          %get3A_241 = arith.index_cast %scan3A_223 : i32 to index
          %get3A_242 = arith.constant 16 : index
          %get3A_243 = tpu.vector_load %arg14[%get3A_241, %get3A_242] {strides = array<i32>} : memref<128x128xf32, #tpu.memory_space<vmem>>, vector<1x16xf32>,
          %get3A_244 = vector.shape_cast %get3A_243 : vector<1x16xf32> to vector<16xf32>
          %mul3A_245 = arith.mulf %get3A_244, %broadcast_in_dim3A_240 : vector<16xf32>
          %swap3A_246 = arith.index_cast %scan3A_223 : i32 to index
          %swap3A_247 = arith.constant 16 : index
          %swap3A_248 = tpu.vector_load %arg14[%swap3A_246, %swap3A_247] {strides = array<i32>} : memref<128x128xf32, #tpu.memory_space<vmem>>, vector<1x16xf32>,
          %swap3A_249 = vector.shape_cast %swap3A_248 : vector<1x16xf32> to vector<16xf32>
          %swap3A_250 = vector.shape_cast %mul3A_245 : vector<16xf32> to vector<1x16xf32>
          tpu.vector_store %arg14[%swap3A_246, %swap3A_247], %swap3A_250 {strides = array<i32>} : memref<128x128xf32, #tpu.memory_space<vmem>>, vector<1x16xf32>,
          %slice3A_251 = vector.extract_strided_slice %get3A_227 {offsets = [5], sizes = [1], strides = [1]} : vector<16xf32> to vector<1xf32>
          %squeeze3A_252 = vector.extract %slice3A_251[0] : f32 from vector<1xf32>
          %broadcast_in_dim3A_253 = vector.broadcast %squeeze3A_252 : f32 to vector<16xf32>
          %get3A_254 = arith.index_cast %scan3A_223 : i32 to index
          %get3A_255 = arith.constant 32 : index
          %get3A_256 = tpu.vector_load %arg14[%get3A_254, %get3A_255] {strides = array<i32>} : memref<128x128xf32, #tpu.memory_space<vmem>>, vector<1x16xf32>,
          %get3A_257 = vector.shape_cast %get3A_256 : vector<1x16xf32> to vector<16xf32>
          %mul3A_258 = arith.mulf %get3A_257, %broadcast_in_dim3A_253 : vector<16xf32>
          %swap3A_259 = arith.index_cast %scan3A_223 : i32 to index
          %swap3A_260 = arith.constant 32 : index
          %swap3A_261 = tpu.vector_load %arg14[%swap3A_259, %swap3A_260] {strides = array<i32>} : memref<128x128xf32, #tpu.memory_space<vmem>>, vector<1x16xf32>,
          %swap3A_262 = vector.shape_cast %swap3A_261 : vector<1x16xf32> to vector<16xf32>
          %swap3A_263 = vector.shape_cast %mul3A_258 : vector<16xf32> to vector<1x16xf32>
          tpu.vector_store %arg14[%swap3A_259, %swap3A_260], %swap3A_263 {strides = array<i32>} : memref<128x128xf32, #tpu.memory_space<vmem>>, vector<1x16xf32>,
          %slice3A_264 = vector.extract_strided_slice %get3A_227 {offsets = [5], sizes = [1], strides = [1]} : vector<16xf32> to vector<1xf32>
          %squeeze3A_265 = vector.extract %slice3A_264[0] : f32 from vector<1xf32>
          %broadcast_in_dim3A_266 = vector.broadcast %squeeze3A_265 : f32 to vector<16xf32>
          %get3A_267 = arith.index_cast %scan3A_223 : i32 to index
          %get3A_268 = arith.constant 48 : index
          %get3A_269 = tpu.vector_load %arg14[%get3A_267, %get3A_268] {strides = array<i32>} : memref<128x128xf32, #tpu.memory_space<vmem>>, vector<1x16xf32>,
          %get3A_270 = vector.shape_cast %get3A_269 : vector<1x16xf32> to vector<16xf32>
          %mul3A_271 = arith.mulf %get3A_270, %broadcast_in_dim3A_266 : vector<16xf32>
          %swap3A_272 = arith.index_cast %scan3A_223 : i32 to index
          %swap3A_273 = arith.constant 48 : index
          %swap3A_274 = tpu.vector_load %arg14[%swap3A_272, %swap3A_273] {strides = array<i32>} : memref<128x128xf32, #tpu.memory_space<vmem>>, vector<1x16xf32>,
          %swap3A_275 = vector.shape_cast %swap3A_274 : vector<1x16xf32> to vector<16xf32>
          %swap3A_276 = vector.shape_cast %mul3A_271 : vector<16xf32> to vector<1x16xf32>
          tpu.vector_store %arg14[%swap3A_272, %swap3A_273], %swap3A_276 {strides = array<i32>} : memref<128x128xf32, #tpu.memory_space<vmem>>, vector<1x16xf32>,
          %slice3A_277 = vector.extract_strided_slice %get3A_227 {offsets = [6], sizes = [1], strides = [1]} : vector<16xf32> to vector<1xf32>
          %squeeze3A_278 = vector.extract %slice3A_277[0] : f32 from vector<1xf32>
          %broadcast_in_dim3A_279 = vector.broadcast %squeeze3A_278 : f32 to vector<16xf32>
          %get3A_280 = arith.index_cast %scan3A_223 : i32 to index
          %get3A_281 = arith.constant 64 : index
          %get3A_282 = tpu.vector_load %arg14[%get3A_280, %get3A_281] {strides = array<i32>} : memref<128x128xf32, #tpu.memory_space<vmem>>, vector<1x16xf32>,
          %get3A_283 = vector.shape_cast %get3A_282 : vector<1x16xf32> to vector<16xf32>
          %mul3A_284 = arith.mulf %get3A_283, %broadcast_in_dim3A_279 : vector<16xf32>
          %swap3A_285 = arith.index_cast %scan3A_223 : i32 to index
          %swap3A_286 = arith.constant 64 : index
          %swap3A_287 = tpu.vector_load %arg14[%swap3A_285, %swap3A_286] {strides = array<i32>} : memref<128x128xf32, #tpu.memory_space<vmem>>, vector<1x16xf32>,
          %swap3A_288 = vector.shape_cast %swap3A_287 : vector<1x16xf32> to vector<16xf32>
          %swap3A_289 = vector.shape_cast %mul3A_284 : vector<16xf32> to vector<1x16xf32>
          tpu.vector_store %arg14[%swap3A_285, %swap3A_286], %swap3A_289 {strides = array<i32>} : memref<128x128xf32, #tpu.memory_space<vmem>>, vector<1x16xf32>,
          %slice3A_290 = vector.extract_strided_slice %get3A_227 {offsets = [6], sizes = [1], strides = [1]} : vector<16xf32> to vector<1xf32>
          %squeeze3A_291 = vector.extract %slice3A_290[0] : f32 from vector<1xf32>
          %broadcast_in_dim3A_292 = vector.broadcast %squeeze3A_291 : f32 to vector<16xf32>
          %get3A_293 = arith.index_cast %scan3A_223 : i32 to index
          %get3A_294 = arith.constant 80 : index
          %get3A_295 = tpu.vector_load %arg14[%get3A_293, %get3A_294] {strides = array<i32>} : memref<128x128xf32, #tpu.memory_space<vmem>>, vector<1x16xf32>,
          %get3A_296 = vector.shape_cast %get3A_295 : vector<1x16xf32> to vector<16xf32>
          %mul3A_297 = arith.mulf %get3A_296, %broadcast_in_dim3A_292 : vector<16xf32>
          %swap3A_298 = arith.index_cast %scan3A_223 : i32 to index
          %swap3A_299 = arith.constant 80 : index
          %swap3A_300 = tpu.vector_load %arg14[%swap3A_298, %swap3A_299] {strides = array<i32>} : memref<128x128xf32, #tpu.memory_space<vmem>>, vector<1x16xf32>,
          %swap3A_301 = vector.shape_cast %swap3A_300 : vector<1x16xf32> to vector<16xf32>
          %swap3A_302 = vector.shape_cast %mul3A_297 : vector<16xf32> to vector<1x16xf32>
          tpu.vector_store %arg14[%swap3A_298, %swap3A_299], %swap3A_302 {strides = array<i32>} : memref<128x128xf32, #tpu.memory_space<vmem>>, vector<1x16xf32>,
          %slice3A_303 = vector.extract_strided_slice %get3A_227 {offsets = [7], sizes = [1], strides = [1]} : vector<16xf32> to vector<1xf32>
          %squeeze3A_304 = vector.extract %slice3A_303[0] : f32 from vector<1xf32>
          %broadcast_in_dim3A_305 = vector.broadcast %squeeze3A_304 : f32 to vector<16xf32>
          %get3A_306 = arith.index_cast %scan3A_223 : i32 to index
          %get3A_307 = arith.constant 96 : index
          %get3A_308 = tpu.vector_load %arg14[%get3A_306, %get3A_307] {strides = array<i32>} : memref<128x128xf32, #tpu.memory_space<vmem>>, vector<1x16xf32>,
          %get3A_309 = vector.shape_cast %get3A_308 : vector<1x16xf32> to vector<16xf32>
          %mul3A_310 = arith.mulf %get3A_309, %broadcast_in_dim3A_305 : vector<16xf32>
          %swap3A_311 = arith.index_cast %scan3A_223 : i32 to index
          %swap3A_312 = arith.constant 96 : index
          %swap3A_313 = tpu.vector_load %arg14[%swap3A_311, %swap3A_312] {strides = array<i32>} : memref<128x128xf32, #tpu.memory_space<vmem>>, vector<1x16xf32>,
          %swap3A_314 = vector.shape_cast %swap3A_313 : vector<1x16xf32> to vector<16xf32>
          %swap3A_315 = vector.shape_cast %mul3A_310 : vector<16xf32> to vector<1x16xf32>
          tpu.vector_store %arg14[%swap3A_311, %swap3A_312], %swap3A_315 {strides = array<i32>} : memref<128x128xf32, #tpu.memory_space<vmem>>, vector<1x16xf32>,
          %slice3A_316 = vector.extract_strided_slice %get3A_227 {offsets = [7], sizes = [1], strides = [1]} : vector<16xf32> to vector<1xf32>
          %squeeze3A_317 = vector.extract %slice3A_316[0] : f32 from vector<1xf32>
          %broadcast_in_dim3A_318 = vector.broadcast %squeeze3A_317 : f32 to vector<16xf32>
          %get3A_319 = arith.index_cast %scan3A_223 : i32 to index
          %get3A_320 = arith.constant 112 : index
          %get3A_321 = tpu.vector_load %arg14[%get3A_319, %get3A_320] {strides = array<i32>} : memref<128x128xf32, #tpu.memory_space<vmem>>, vector<1x16xf32>,
          %get3A_322 = vector.shape_cast %get3A_321 : vector<1x16xf32> to vector<16xf32>
          %mul3A_323 = arith.mulf %get3A_322, %broadcast_in_dim3A_318 : vector<16xf32>
          %swap3A_324 = arith.index_cast %scan3A_223 : i32 to index
          %swap3A_325 = arith.constant 112 : index
          %swap3A_326 = tpu.vector_load %arg14[%swap3A_324, %swap3A_325] {strides = array<i32>} : memref<128x128xf32, #tpu.memory_space<vmem>>, vector<1x16xf32>,
          %swap3A_327 = vector.shape_cast %swap3A_326 : vector<1x16xf32> to vector<16xf32>
          %swap3A_328 = vector.shape_cast %mul3A_323 : vector<16xf32> to vector<1x16xf32>
          tpu.vector_store %arg14[%swap3A_324, %swap3A_325], %swap3A_328 {strides = array<i32>} : memref<128x128xf32, #tpu.memory_space<vmem>>, vector<1x16xf32>,
        }
        %scan3A_222 = arith.constant 128 : i32
      } else {
      }
      "tpu.region"() ({
        %run_scoped3A = tpu.sem_alloc : memref<!tpu.dma_semaphore, #tpu.memory_space<semaphore_mem>>
        %dma_start3A_218 = arith.constant 0 : i32
        %dma_start3A_219 = arith.constant 0 : i32
        %dma_start3A_220 = tpu.memref_slice %arg15[%dma_start3A_218, %dma_start3A_219] : memref<10240x128xf32, #tpu.memory_space<vmem_shared>> -> memref<10240x128xf32, #tpu.memory_space<vmem_shared>>
        tpu.enqueue_indirect_dma source(%arg14 : memref<128x128xf32, #tpu.memory_space<vmem>>) target(%dma_start3A_220 : memref<10240x128xf32, #tpu.memory_space<vmem_shared>>) offsets(%arg9 : memref<128xi32, #tpu.memory_space<vmem>>) semaphore(%run_scoped3A : memref<!tpu.dma_semaphore, #tpu.memory_space<semaphore_mem>>) {add = true}
        %dma_wait3A_221 = arith.constant 0 : i32
        %dma_wait3A_222 = arith.constant 0 : i32
        %dma_wait3A_223 = tpu.memref_slice %arg15[%dma_wait3A_221, %dma_wait3A_222] : memref<10240x128xf32, #tpu.memory_space<vmem_shared>> -> memref<10240x128xf32, #tpu.memory_space<vmem_shared>>
        tpu.wait_indirect_dma semaphore(%run_scoped3A : memref<!tpu.dma_semaphore, #tpu.memory_space<semaphore_mem>>) src(%arg14 : memref<128x128xf32, #tpu.memory_space<vmem>>) dst(%dma_wait3A_223 : memref<10240x128xf32, #tpu.memory_space<vmem_shared>>)
        tpu.yield
      }) : () -> ()
      "tpu.region"() ({
        %run_scoped3A = tpu.sem_alloc : memref<!tpu.dma_semaphore, #tpu.memory_space<semaphore_mem>>
        %dma_start3A_218 = arith.constant 0 : i32
        %dma_start3A_219 = arith.constant 0 : i32
        %dma_start3A_220 = tpu.memref_slice %arg16[%dma_start3A_218, %dma_start3A_219] : memref<10240x16xf32, #tpu.memory_space<vmem_shared>> -> memref<10240x16xf32, #tpu.memory_space<vmem_shared>>
        tpu.enqueue_indirect_dma source(%arg13 : memref<128x16xf32, #tpu.memory_space<vmem>>) target(%dma_start3A_220 : memref<10240x16xf32, #tpu.memory_space<vmem_shared>>) offsets(%arg9 : memref<128xi32, #tpu.memory_space<vmem>>) semaphore(%run_scoped3A : memref<!tpu.dma_semaphore, #tpu.memory_space<semaphore_mem>>) {add = true}
        %dma_wait3A_221 = arith.constant 0 : i32
        %dma_wait3A_222 = arith.constant 0 : i32
        %dma_wait3A_223 = tpu.memref_slice %arg16[%dma_wait3A_221, %dma_wait3A_222] : memref<10240x16xf32, #tpu.memory_space<vmem_shared>> -> memref<10240x16xf32, #tpu.memory_space<vmem_shared>>
        tpu.wait_indirect_dma semaphore(%run_scoped3A : memref<!tpu.dma_semaphore, #tpu.memory_space<semaphore_mem>>) src(%arg13 : memref<128x16xf32, #tpu.memory_space<vmem>>) dst(%dma_wait3A_223 : memref<10240x16xf32, #tpu.memory_space<vmem_shared>>)
        tpu.yield
      }) : () -> ()
    }
    %scan3A_30 = arith.constant 162 : i32
    %barrier3A_31 = arith.constant 0 : index
    tpu.barrier barrier_id(%barrier3A_31)
    %add3A_32 = arith.constant 0 : i32
    %add3A_33 = arith.addi %mul3A_0, %add3A_32 : i32
    %add3A_34 = arith.addi %mul3A_25, %add3A_33 : i32
    "tpu.region"() ({
      %run_scoped3A = tpu.sem_alloc : memref<!tpu.dma_semaphore, #tpu.memory_space<semaphore_mem>>
      %dma_start3A = arith.constant 0 : i32
      %dma_start3A_52 = tpu.memref_slice %arg6[%add3A_34, %dma_start3A] : memref<20480x128xf32, #tpu.memory_space<hbm>> -> memref<128x128xf32, #tpu.memory_space<hbm>>
      %dma_start3A_53 = arith.constant 0 : i32
      %dma_start3A_54 = tpu.memref_slice %arg15[%add3A_33, %dma_start3A_53] : memref<10240x128xf32, #tpu.memory_space<vmem_shared>> -> memref<128x128xf32, #tpu.memory_space<vmem_shared>>
      tpu.enqueue_dma source(%dma_start3A_54 : memref<128x128xf32, #tpu.memory_space<vmem_shared>>) target(%dma_start3A_52 : memref<128x128xf32, #tpu.memory_space<hbm>>) target_semaphore(%run_scoped3A : memref<!tpu.dma_semaphore, #tpu.memory_space<semaphore_mem>>)
      %dma_wait3A = arith.constant 0 : i32
      %dma_wait3A_55 = tpu.memref_slice %arg6[%add3A_34, %dma_wait3A] : memref<20480x128xf32, #tpu.memory_space<hbm>> -> memref<128x128xf32, #tpu.memory_space<hbm>>
      %dma_wait3A_56 = arith.constant 0 : i32
      %dma_wait3A_57 = tpu.memref_slice %arg15[%add3A_33, %dma_wait3A_56] : memref<10240x128xf32, #tpu.memory_space<vmem_shared>> -> memref<128x128xf32, #tpu.memory_space<vmem_shared>>
      tpu.wait_dma2 semaphore(%run_scoped3A : memref<!tpu.dma_semaphore, #tpu.memory_space<semaphore_mem>>) src(%dma_wait3A_57 : memref<128x128xf32, #tpu.memory_space<vmem_shared>>) dst(%dma_wait3A_55 : memref<128x128xf32, #tpu.memory_space<hbm>>)
      tpu.yield
    }) : () -> ()
    %add3A_35 = arith.addi %mul3A_25, %add3A_33 : i32
    "tpu.region"() ({
      %run_scoped3A = tpu.sem_alloc : memref<!tpu.dma_semaphore, #tpu.memory_space<semaphore_mem>>
      %dma_start3A = arith.constant 0 : i32
      %dma_start3A_52 = tpu.memref_slice %arg7[%add3A_35, %dma_start3A] : memref<20480x16xf32, #tpu.memory_space<hbm>> -> memref<128x16xf32, #tpu.memory_space<hbm>>
      %dma_start3A_53 = arith.constant 0 : i32
      %dma_start3A_54 = tpu.memref_slice %arg16[%add3A_33, %dma_start3A_53] : memref<10240x16xf32, #tpu.memory_space<vmem_shared>> -> memref<128x16xf32, #tpu.memory_space<vmem_shared>>
      tpu.enqueue_dma source(%dma_start3A_54 : memref<128x16xf32, #tpu.memory_space<vmem_shared>>) target(%dma_start3A_52 : memref<128x16xf32, #tpu.memory_space<hbm>>) target_semaphore(%run_scoped3A : memref<!tpu.dma_semaphore, #tpu.memory_space<semaphore_mem>>)
      %dma_wait3A = arith.constant 0 : i32
      %dma_wait3A_55 = tpu.memref_slice %arg7[%add3A_35, %dma_wait3A] : memref<20480x16xf32, #tpu.memory_space<hbm>> -> memref<128x16xf32, #tpu.memory_space<hbm>>
      %dma_wait3A_56 = arith.constant 0 : i32
      %dma_wait3A_57 = tpu.memref_slice %arg16[%add3A_33, %dma_wait3A_56] : memref<10240x16xf32, #tpu.memory_space<vmem_shared>> -> memref<128x16xf32, #tpu.memory_space<vmem_shared>>
      tpu.wait_dma2 semaphore(%run_scoped3A : memref<!tpu.dma_semaphore, #tpu.memory_space<semaphore_mem>>) src(%dma_wait3A_57 : memref<128x16xf32, #tpu.memory_space<vmem_shared>>) dst(%dma_wait3A_55 : memref<128x16xf32, #tpu.memory_space<hbm>>)
      tpu.yield
    }) : () -> ()
    %add3A_36 = arith.constant 128 : i32
    %add3A_37 = arith.addi %mul3A_0, %add3A_36 : i32
    %add3A_38 = arith.addi %mul3A_25, %add3A_37 : i32
    "tpu.region"() ({
      %run_scoped3A = tpu.sem_alloc : memref<!tpu.dma_semaphore, #tpu.memory_space<semaphore_mem>>
      %dma_start3A = arith.constant 0 : i32
      %dma_start3A_52 = tpu.memref_slice %arg6[%add3A_38, %dma_start3A] : memref<20480x128xf32, #tpu.memory_space<hbm>> -> memref<128x128xf32, #tpu.memory_space<hbm>>
      %dma_start3A_53 = arith.constant 0 : i32
      %dma_start3A_54 = tpu.memref_slice %arg15[%add3A_37, %dma_start3A_53] : memref<10240x128xf32, #tpu.memory_space<vmem_shared>> -> memref<128x128xf32, #tpu.memory_space<vmem_shared>>
      tpu.enqueue_dma source(%dma_start3A_54 : memref<128x128xf32, #tpu.memory_space<vmem_shared>>) target(%dma_start3A_52 : memref<128x128xf32, #tpu.memory_space<hbm>>) target_semaphore(%run_scoped3A : memref<!tpu.dma_semaphore, #tpu.memory_space<semaphore_mem>>)
      %dma_wait3A = arith.constant 0 : i32
      %dma_wait3A_55 = tpu.memref_slice %arg6[%add3A_38, %dma_wait3A] : memref<20480x128xf32, #tpu.memory_space<hbm>> -> memref<128x128xf32, #tpu.memory_space<hbm>>
      %dma_wait3A_56 = arith.constant 0 : i32
      %dma_wait3A_57 = tpu.memref_slice %arg15[%add3A_37, %dma_wait3A_56] : memref<10240x128xf32, #tpu.memory_space<vmem_shared>> -> memref<128x128xf32, #tpu.memory_space<vmem_shared>>
      tpu.wait_dma2 semaphore(%run_scoped3A : memref<!tpu.dma_semaphore, #tpu.memory_space<semaphore_mem>>) src(%dma_wait3A_57 : memref<128x128xf32, #tpu.memory_space<vmem_shared>>) dst(%dma_wait3A_55 : memref<128x128xf32, #tpu.memory_space<hbm>>)
      tpu.yield
    }) : () -> ()
    %add3A_39 = arith.addi %mul3A_25, %add3A_37 : i32
    "tpu.region"() ({
      %run_scoped3A = tpu.sem_alloc : memref<!tpu.dma_semaphore, #tpu.memory_space<semaphore_mem>>
      %dma_start3A = arith.constant 0 : i32
      %dma_start3A_52 = tpu.memref_slice %arg7[%add3A_39, %dma_start3A] : memref<20480x16xf32, #tpu.memory_space<hbm>> -> memref<128x16xf32, #tpu.memory_space<hbm>>
      %dma_start3A_53 = arith.constant 0 : i32
      %dma_start3A_54 = tpu.memref_slice %arg16[%add3A_37, %dma_start3A_53] : memref<10240x16xf32, #tpu.memory_space<vmem_shared>> -> memref<128x16xf32, #tpu.memory_space<vmem_shared>>
      tpu.enqueue_dma source(%dma_start3A_54 : memref<128x16xf32, #tpu.memory_space<vmem_shared>>) target(%dma_start3A_52 : memref<128x16xf32, #tpu.memory_space<hbm>>) target_semaphore(%run_scoped3A : memref<!tpu.dma_semaphore, #tpu.memory_space<semaphore_mem>>)
      %dma_wait3A = arith.constant 0 : i32
      %dma_wait3A_55 = tpu.memref_slice %arg7[%add3A_39, %dma_wait3A] : memref<20480x16xf32, #tpu.memory_space<hbm>> -> memref<128x16xf32, #tpu.memory_space<hbm>>
      %dma_wait3A_56 = arith.constant 0 : i32
      %dma_wait3A_57 = tpu.memref_slice %arg16[%add3A_37, %dma_wait3A_56] : memref<10240x16xf32, #tpu.memory_space<vmem_shared>> -> memref<128x16xf32, #tpu.memory_space<vmem_shared>>
      tpu.wait_dma2 semaphore(%run_scoped3A : memref<!tpu.dma_semaphore, #tpu.memory_space<semaphore_mem>>) src(%dma_wait3A_57 : memref<128x16xf32, #tpu.memory_space<vmem_shared>>) dst(%dma_wait3A_55 : memref<128x16xf32, #tpu.memory_space<hbm>>)
      tpu.yield
    }) : () -> ()
    %add3A_40 = arith.constant 256 : i32
    %add3A_41 = arith.addi %mul3A_0, %add3A_40 : i32
    %add3A_42 = arith.addi %mul3A_25, %add3A_41 : i32
    "tpu.region"() ({
      %run_scoped3A = tpu.sem_alloc : memref<!tpu.dma_semaphore, #tpu.memory_space<semaphore_mem>>
      %dma_start3A = arith.constant 0 : i32
      %dma_start3A_52 = tpu.memref_slice %arg6[%add3A_42, %dma_start3A] : memref<20480x128xf32, #tpu.memory_space<hbm>> -> memref<128x128xf32, #tpu.memory_space<hbm>>
      %dma_start3A_53 = arith.constant 0 : i32
      %dma_start3A_54 = tpu.memref_slice %arg15[%add3A_41, %dma_start3A_53] : memref<10240x128xf32, #tpu.memory_space<vmem_shared>> -> memref<128x128xf32, #tpu.memory_space<vmem_shared>>
      tpu.enqueue_dma source(%dma_start3A_54 : memref<128x128xf32, #tpu.memory_space<vmem_shared>>) target(%dma_start3A_52 : memref<128x128xf32, #tpu.memory_space<hbm>>) target_semaphore(%run_scoped3A : memref<!tpu.dma_semaphore, #tpu.memory_space<semaphore_mem>>)
      %dma_wait3A = arith.constant 0 : i32
      %dma_wait3A_55 = tpu.memref_slice %arg6[%add3A_42, %dma_wait3A] : memref<20480x128xf32, #tpu.memory_space<hbm>> -> memref<128x128xf32, #tpu.memory_space<hbm>>
      %dma_wait3A_56 = arith.constant 0 : i32
      %dma_wait3A_57 = tpu.memref_slice %arg15[%add3A_41, %dma_wait3A_56] : memref<10240x128xf32, #tpu.memory_space<vmem_shared>> -> memref<128x128xf32, #tpu.memory_space<vmem_shared>>
      tpu.wait_dma2 semaphore(%run_scoped3A : memref<!tpu.dma_semaphore, #tpu.memory_space<semaphore_mem>>) src(%dma_wait3A_57 : memref<128x128xf32, #tpu.memory_space<vmem_shared>>) dst(%dma_wait3A_55 : memref<128x128xf32, #tpu.memory_space<hbm>>)
      tpu.yield
    }) : () -> ()
    %add3A_43 = arith.addi %mul3A_25, %add3A_41 : i32
    "tpu.region"() ({
      %run_scoped3A = tpu.sem_alloc : memref<!tpu.dma_semaphore, #tpu.memory_space<semaphore_mem>>
      %dma_start3A = arith.constant 0 : i32
      %dma_start3A_52 = tpu.memref_slice %arg7[%add3A_43, %dma_start3A] : memref<20480x16xf32, #tpu.memory_space<hbm>> -> memref<128x16xf32, #tpu.memory_space<hbm>>
      %dma_start3A_53 = arith.constant 0 : i32
      %dma_start3A_54 = tpu.memref_slice %arg16[%add3A_41, %dma_start3A_53] : memref<10240x16xf32, #tpu.memory_space<vmem_shared>> -> memref<128x16xf32, #tpu.memory_space<vmem_shared>>
      tpu.enqueue_dma source(%dma_start3A_54 : memref<128x16xf32, #tpu.memory_space<vmem_shared>>) target(%dma_start3A_52 : memref<128x16xf32, #tpu.memory_space<hbm>>) target_semaphore(%run_scoped3A : memref<!tpu.dma_semaphore, #tpu.memory_space<semaphore_mem>>)
      %dma_wait3A = arith.constant 0 : i32
      %dma_wait3A_55 = tpu.memref_slice %arg7[%add3A_43, %dma_wait3A] : memref<20480x16xf32, #tpu.memory_space<hbm>> -> memref<128x16xf32, #tpu.memory_space<hbm>>
      %dma_wait3A_56 = arith.constant 0 : i32
      %dma_wait3A_57 = tpu.memref_slice %arg16[%add3A_41, %dma_wait3A_56] : memref<10240x16xf32, #tpu.memory_space<vmem_shared>> -> memref<128x16xf32, #tpu.memory_space<vmem_shared>>
      tpu.wait_dma2 semaphore(%run_scoped3A : memref<!tpu.dma_semaphore, #tpu.memory_space<semaphore_mem>>) src(%dma_wait3A_57 : memref<128x16xf32, #tpu.memory_space<vmem_shared>>) dst(%dma_wait3A_55 : memref<128x16xf32, #tpu.memory_space<hbm>>)
      tpu.yield
    }) : () -> ()
    %add3A_44 = arith.constant 384 : i32
    %add3A_45 = arith.addi %mul3A_0, %add3A_44 : i32
    %add3A_46 = arith.addi %mul3A_25, %add3A_45 : i32
    "tpu.region"() ({
      %run_scoped3A = tpu.sem_alloc : memref<!tpu.dma_semaphore, #tpu.memory_space<semaphore_mem>>
      %dma_start3A = arith.constant 0 : i32
      %dma_start3A_52 = tpu.memref_slice %arg6[%add3A_46, %dma_start3A] : memref<20480x128xf32, #tpu.memory_space<hbm>> -> memref<128x128xf32, #tpu.memory_space<hbm>>
      %dma_start3A_53 = arith.constant 0 : i32
      %dma_start3A_54 = tpu.memref_slice %arg15[%add3A_45, %dma_start3A_53] : memref<10240x128xf32, #tpu.memory_space<vmem_shared>> -> memref<128x128xf32, #tpu.memory_space<vmem_shared>>
      tpu.enqueue_dma source(%dma_start3A_54 : memref<128x128xf32, #tpu.memory_space<vmem_shared>>) target(%dma_start3A_52 : memref<128x128xf32, #tpu.memory_space<hbm>>) target_semaphore(%run_scoped3A : memref<!tpu.dma_semaphore, #tpu.memory_space<semaphore_mem>>)
      %dma_wait3A = arith.constant 0 : i32
      %dma_wait3A_55 = tpu.memref_slice %arg6[%add3A_46, %dma_wait3A] : memref<20480x128xf32, #tpu.memory_space<hbm>> -> memref<128x128xf32, #tpu.memory_space<hbm>>
      %dma_wait3A_56 = arith.constant 0 : i32
      %dma_wait3A_57 = tpu.memref_slice %arg15[%add3A_45, %dma_wait3A_56] : memref<10240x128xf32, #tpu.memory_space<vmem_shared>> -> memref<128x128xf32, #tpu.memory_space<vmem_shared>>
      tpu.wait_dma2 semaphore(%run_scoped3A : memref<!tpu.dma_semaphore, #tpu.memory_space<semaphore_mem>>) src(%dma_wait3A_57 : memref<128x128xf32, #tpu.memory_space<vmem_shared>>) dst(%dma_wait3A_55 : memref<128x128xf32, #tpu.memory_space<hbm>>)
      tpu.yield
    }) : () -> ()
    %add3A_47 = arith.addi %mul3A_25, %add3A_45 : i32
    "tpu.region"() ({
      %run_scoped3A = tpu.sem_alloc : memref<!tpu.dma_semaphore, #tpu.memory_space<semaphore_mem>>
      %dma_start3A = arith.constant 0 : i32
      %dma_start3A_52 = tpu.memref_slice %arg7[%add3A_47, %dma_start3A] : memref<20480x16xf32, #tpu.memory_space<hbm>> -> memref<128x16xf32, #tpu.memory_space<hbm>>
      %dma_start3A_53 = arith.constant 0 : i32
      %dma_start3A_54 = tpu.memref_slice %arg16[%add3A_45, %dma_start3A_53] : memref<10240x16xf32, #tpu.memory_space<vmem_shared>> -> memref<128x16xf32, #tpu.memory_space<vmem_shared>>
      tpu.enqueue_dma source(%dma_start3A_54 : memref<128x16xf32, #tpu.memory_space<vmem_shared>>) target(%dma_start3A_52 : memref<128x16xf32, #tpu.memory_space<hbm>>) target_semaphore(%run_scoped3A : memref<!tpu.dma_semaphore, #tpu.memory_space<semaphore_mem>>)
      %dma_wait3A = arith.constant 0 : i32
      %dma_wait3A_55 = tpu.memref_slice %arg7[%add3A_47, %dma_wait3A] : memref<20480x16xf32, #tpu.memory_space<hbm>> -> memref<128x16xf32, #tpu.memory_space<hbm>>
      %dma_wait3A_56 = arith.constant 0 : i32
      %dma_wait3A_57 = tpu.memref_slice %arg16[%add3A_45, %dma_wait3A_56] : memref<10240x16xf32, #tpu.memory_space<vmem_shared>> -> memref<128x16xf32, #tpu.memory_space<vmem_shared>>
      tpu.wait_dma2 semaphore(%run_scoped3A : memref<!tpu.dma_semaphore, #tpu.memory_space<semaphore_mem>>) src(%dma_wait3A_57 : memref<128x16xf32, #tpu.memory_space<vmem_shared>>) dst(%dma_wait3A_55 : memref<128x16xf32, #tpu.memory_space<hbm>>)
      tpu.yield
    }) : () -> ()
    %add3A_48 = arith.constant 512 : i32
    %add3A_49 = arith.addi %mul3A_0, %add3A_48 : i32
    %add3A_50 = arith.addi %mul3A_25, %add3A_49 : i32
    "tpu.region"() ({
      %run_scoped3A = tpu.sem_alloc : memref<!tpu.dma_semaphore, #tpu.memory_space<semaphore_mem>>
      %dma_start3A = arith.constant 0 : i32
      %dma_start3A_52 = tpu.memref_slice %arg6[%add3A_50, %dma_start3A] : memref<20480x128xf32, #tpu.memory_space<hbm>> -> memref<128x128xf32, #tpu.memory_space<hbm>>
      %dma_start3A_53 = arith.constant 0 : i32
      %dma_start3A_54 = tpu.memref_slice %arg15[%add3A_49, %dma_start3A_53] : memref<10240x128xf32, #tpu.memory_space<vmem_shared>> -> memref<128x128xf32, #tpu.memory_space<vmem_shared>>
      tpu.enqueue_dma source(%dma_start3A_54 : memref<128x128xf32, #tpu.memory_space<vmem_shared>>) target(%dma_start3A_52 : memref<128x128xf32, #tpu.memory_space<hbm>>) target_semaphore(%run_scoped3A : memref<!tpu.dma_semaphore, #tpu.memory_space<semaphore_mem>>)
      %dma_wait3A = arith.constant 0 : i32
      %dma_wait3A_55 = tpu.memref_slice %arg6[%add3A_50, %dma_wait3A] : memref<20480x128xf32, #tpu.memory_space<hbm>> -> memref<128x128xf32, #tpu.memory_space<hbm>>
      %dma_wait3A_56 = arith.constant 0 : i32
      %dma_wait3A_57 = tpu.memref_slice %arg15[%add3A_49, %dma_wait3A_56] : memref<10240x128xf32, #tpu.memory_space<vmem_shared>> -> memref<128x128xf32, #tpu.memory_space<vmem_shared>>
      tpu.wait_dma2 semaphore(%run_scoped3A : memref<!tpu.dma_semaphore, #tpu.memory_space<semaphore_mem>>) src(%dma_wait3A_57 : memref<128x128xf32, #tpu.memory_space<vmem_shared>>) dst(%dma_wait3A_55 : memref<128x128xf32, #tpu.memory_space<hbm>>)
      tpu.yield
    }) : () -> ()
    %add3A_51 = arith.addi %mul3A_25, %add3A_49 : i32
    "tpu.region"() ({
      %run_scoped3A = tpu.sem_alloc : memref<!tpu.dma_semaphore, #tpu.memory_space<semaphore_mem>>
      %dma_start3A = arith.constant 0 : i32
      %dma_start3A_52 = tpu.memref_slice %arg7[%add3A_51, %dma_start3A] : memref<20480x16xf32, #tpu.memory_space<hbm>> -> memref<128x16xf32, #tpu.memory_space<hbm>>
      %dma_start3A_53 = arith.constant 0 : i32
      %dma_start3A_54 = tpu.memref_slice %arg16[%add3A_49, %dma_start3A_53] : memref<10240x16xf32, #tpu.memory_space<vmem_shared>> -> memref<128x16xf32, #tpu.memory_space<vmem_shared>>
      tpu.enqueue_dma source(%dma_start3A_54 : memref<128x16xf32, #tpu.memory_space<vmem_shared>>) target(%dma_start3A_52 : memref<128x16xf32, #tpu.memory_space<hbm>>) target_semaphore(%run_scoped3A : memref<!tpu.dma_semaphore, #tpu.memory_space<semaphore_mem>>)
      %dma_wait3A = arith.constant 0 : i32
      %dma_wait3A_55 = tpu.memref_slice %arg7[%add3A_51, %dma_wait3A] : memref<20480x16xf32, #tpu.memory_space<hbm>> -> memref<128x16xf32, #tpu.memory_space<hbm>>
      %dma_wait3A_56 = arith.constant 0 : i32
      %dma_wait3A_57 = tpu.memref_slice %arg16[%add3A_49, %dma_wait3A_56] : memref<10240x16xf32, #tpu.memory_space<vmem_shared>> -> memref<128x16xf32, #tpu.memory_space<vmem_shared>>
      tpu.wait_dma2 semaphore(%run_scoped3A : memref<!tpu.dma_semaphore, #tpu.memory_space<semaphore_mem>>) src(%dma_wait3A_57 : memref<128x16xf32, #tpu.memory_space<vmem_shared>>) dst(%dma_wait3A_55 : memref<128x16xf32, #tpu.memory_space<hbm>>)
      tpu.yield
    }) : () -> ()
    return
  }
}

#map = affine_map<(d0, d1) -> (0)>
#map1 = affine_map<(d0, d1) -> (0, 0)>
module attributes {stable_mosaic.version = 14 : i64} {
  func.func @_sc2_body(%arg0: i32, %arg1: i32, %arg2: memref<663552xi32, #tpu.memory_space<hbm>>, %arg3: memref<10240x16xf32, #tpu.memory_space<hbm>>, %arg4: memref<10240x16xf32, #tpu.memory_space<hbm>>, %arg5: memref<10240x48xf32, #tpu.memory_space<hbm>>, %arg6: memref<20480x48xf32, #tpu.memory_space<hbm>>, %arg7: memref<20480x16xf32, #tpu.memory_space<hbm>>, %arg8: memref<256xi32, #tpu.memory_space<vmem>>, %arg9: memref<128xi32, #tpu.memory_space<vmem>>, %arg10: memref<128x16xf32, #tpu.memory_space<vmem>>, %arg11: memref<128x16xf32, #tpu.memory_space<vmem>>, %arg12: memref<128x16xf32, #tpu.memory_space<vmem>>, %arg13: memref<128x48xf32, #tpu.memory_space<vmem>>, %arg14: memref<128x48xf32, #tpu.memory_space<vmem>>, %arg15: memref<128x16xf32, #tpu.memory_space<vmem>>, %arg16: memref<10240x48xf32, #tpu.memory_space<vmem_shared>>, %arg17: memref<10240x16xf32, #tpu.memory_space<vmem_shared>>, %arg18: memref<!tpu.dma_semaphore, #tpu.memory_space<semaphore_mem>>, %arg19: memref<!tpu.dma_semaphore, #tpu.memory_space<semaphore_mem>>, %arg20: memref<!tpu.dma_semaphore, #tpu.memory_space<semaphore_mem>>) attributes {dimension_semantics = [#tpu.dimension_semantics<core_parallel>, #tpu.dimension_semantics<subcore_parallel>], iteration_bounds = array<i64: 2, 16>, scalar_prefetch = 0 : i64, scratch_operands = 13 : i64, tpu.core_type = #tpu.core_type<sc_vector_subcore>, window_params = [{transform_indices = #map}, {transform_indices = #map1}, {transform_indices = #map1}, {transform_indices = #map1}, {transform_indices = #map1}, {transform_indices = #map1}]} {
    %mul3A = arith.constant 640 : i32
    %mul3A_0 = arith.muli %arg1, %mul3A : i32
    %scan3A = arith.constant 0 : i32
    %scan3A_1 = arith.constant 128 : i32
    %scan3A_2 = arith.addi %scan3A, %scan3A_1 : i32
    %scan3A_3 = arith.constant 1 : i32
    scf.for %scan3A_55 = %scan3A to %scan3A_2 step %scan3A_3  : i32 {
      %broadcast_in_dim3A = arith.constant 0.000000e+00 : f32
      %broadcast_in_dim3A_56 = vector.broadcast %broadcast_in_dim3A : f32 to vector<16xf32>
      %swap3A = arith.index_cast %scan3A_55 : i32 to index
      %swap3A_57 = arith.constant 0 : index
      %swap3A_58 = tpu.vector_load %arg14[%swap3A, %swap3A_57] {strides = array<i32>} : memref<128x48xf32, #tpu.memory_space<vmem>>, vector<1x16xf32>,
      %swap3A_59 = vector.shape_cast %swap3A_58 : vector<1x16xf32> to vector<16xf32>
      %swap3A_60 = vector.shape_cast %broadcast_in_dim3A_56 : vector<16xf32> to vector<1x16xf32>
      tpu.vector_store %arg14[%swap3A, %swap3A_57], %swap3A_60 {strides = array<i32>} : memref<128x48xf32, #tpu.memory_space<vmem>>, vector<1x16xf32>,
      %broadcast_in_dim3A_61 = arith.constant 0.000000e+00 : f32
      %broadcast_in_dim3A_62 = vector.broadcast %broadcast_in_dim3A_61 : f32 to vector<16xf32>
      %swap3A_63 = arith.index_cast %scan3A_55 : i32 to index
      %swap3A_64 = arith.constant 16 : index
      %swap3A_65 = tpu.vector_load %arg14[%swap3A_63, %swap3A_64] {strides = array<i32>} : memref<128x48xf32, #tpu.memory_space<vmem>>, vector<1x16xf32>,
      %swap3A_66 = vector.shape_cast %swap3A_65 : vector<1x16xf32> to vector<16xf32>
      %swap3A_67 = vector.shape_cast %broadcast_in_dim3A_62 : vector<16xf32> to vector<1x16xf32>
      tpu.vector_store %arg14[%swap3A_63, %swap3A_64], %swap3A_67 {strides = array<i32>} : memref<128x48xf32, #tpu.memory_space<vmem>>, vector<1x16xf32>,
      %broadcast_in_dim3A_68 = arith.constant 0.000000e+00 : f32
      %broadcast_in_dim3A_69 = vector.broadcast %broadcast_in_dim3A_68 : f32 to vector<16xf32>
      %swap3A_70 = arith.index_cast %scan3A_55 : i32 to index
      %swap3A_71 = arith.constant 32 : index
      %swap3A_72 = tpu.vector_load %arg14[%swap3A_70, %swap3A_71] {strides = array<i32>} : memref<128x48xf32, #tpu.memory_space<vmem>>, vector<1x16xf32>,
      %swap3A_73 = vector.shape_cast %swap3A_72 : vector<1x16xf32> to vector<16xf32>
      %swap3A_74 = vector.shape_cast %broadcast_in_dim3A_69 : vector<16xf32> to vector<1x16xf32>
      tpu.vector_store %arg14[%swap3A_70, %swap3A_71], %swap3A_74 {strides = array<i32>} : memref<128x48xf32, #tpu.memory_space<vmem>>, vector<1x16xf32>,
      %broadcast_in_dim3A_75 = arith.constant 0.000000e+00 : f32
      %broadcast_in_dim3A_76 = vector.broadcast %broadcast_in_dim3A_75 : f32 to vector<16xf32>
      %swap3A_77 = arith.index_cast %scan3A_55 : i32 to index
      %swap3A_78 = arith.constant 0 : index
      %swap3A_79 = tpu.vector_load %arg15[%swap3A_77, %swap3A_78] {strides = array<i32>} : memref<128x16xf32, #tpu.memory_space<vmem>>, vector<1x16xf32>,
      %swap3A_80 = vector.shape_cast %swap3A_79 : vector<1x16xf32> to vector<16xf32>
      %swap3A_81 = vector.shape_cast %broadcast_in_dim3A_76 : vector<16xf32> to vector<1x16xf32>
      tpu.vector_store %arg15[%swap3A_77, %swap3A_78], %swap3A_81 {strides = array<i32>} : memref<128x16xf32, #tpu.memory_space<vmem>>, vector<1x16xf32>,
    }
    %scan3A_4 = arith.constant 128 : i32
    %add3A = arith.constant 0 : i32
    %add3A_5 = arith.addi %mul3A_0, %add3A : i32
    "tpu.region"() ({
      %run_scoped3A = tpu.sem_alloc : memref<!tpu.dma_semaphore, #tpu.memory_space<semaphore_mem>>
      %dma_start3A = arith.constant 0 : i32
      %dma_start3A_55 = tpu.memref_slice %arg16[%add3A_5, %dma_start3A] : memref<10240x48xf32, #tpu.memory_space<vmem_shared>> -> memref<128x48xf32, #tpu.memory_space<vmem_shared>>
      %dma_start3A_56 = arith.constant 0 : i32
      %dma_start3A_57 = tpu.memref_slice %arg16[%add3A_5, %dma_start3A_56] : memref<10240x48xf32, #tpu.memory_space<vmem_shared>> -> memref<128x48xf32, #tpu.memory_space<vmem_shared>>
      tpu.enqueue_dma source(%arg14 : memref<128x48xf32, #tpu.memory_space<vmem>>) target(%dma_start3A_57 : memref<128x48xf32, #tpu.memory_space<vmem_shared>>) target_semaphore(%run_scoped3A : memref<!tpu.dma_semaphore, #tpu.memory_space<semaphore_mem>>)
      %dma_wait3A = arith.constant 0 : i32
      %dma_wait3A_58 = tpu.memref_slice %arg16[%add3A_5, %dma_wait3A] : memref<10240x48xf32, #tpu.memory_space<vmem_shared>> -> memref<128x48xf32, #tpu.memory_space<vmem_shared>>
      %dma_wait3A_59 = arith.constant 0 : i32
      %dma_wait3A_60 = tpu.memref_slice %arg16[%add3A_5, %dma_wait3A_59] : memref<10240x48xf32, #tpu.memory_space<vmem_shared>> -> memref<128x48xf32, #tpu.memory_space<vmem_shared>>
      tpu.wait_dma2 semaphore(%run_scoped3A : memref<!tpu.dma_semaphore, #tpu.memory_space<semaphore_mem>>) src(%arg14 : memref<128x48xf32, #tpu.memory_space<vmem>>) dst(%dma_wait3A_60 : memref<128x48xf32, #tpu.memory_space<vmem_shared>>)
      tpu.yield
    }) : () -> ()
    %add3A_6 = arith.constant 0 : i32
    %add3A_7 = arith.addi %mul3A_0, %add3A_6 : i32
    "tpu.region"() ({
      %run_scoped3A = tpu.sem_alloc : memref<!tpu.dma_semaphore, #tpu.memory_space<semaphore_mem>>
      %dma_start3A = arith.constant 0 : i32
      %dma_start3A_55 = tpu.memref_slice %arg17[%add3A_7, %dma_start3A] : memref<10240x16xf32, #tpu.memory_space<vmem_shared>> -> memref<128x16xf32, #tpu.memory_space<vmem_shared>>
      %dma_start3A_56 = arith.constant 0 : i32
      %dma_start3A_57 = tpu.memref_slice %arg17[%add3A_7, %dma_start3A_56] : memref<10240x16xf32, #tpu.memory_space<vmem_shared>> -> memref<128x16xf32, #tpu.memory_space<vmem_shared>>
      tpu.enqueue_dma source(%arg15 : memref<128x16xf32, #tpu.memory_space<vmem>>) target(%dma_start3A_57 : memref<128x16xf32, #tpu.memory_space<vmem_shared>>) target_semaphore(%run_scoped3A : memref<!tpu.dma_semaphore, #tpu.memory_space<semaphore_mem>>)
      %dma_wait3A = arith.constant 0 : i32
      %dma_wait3A_58 = tpu.memref_slice %arg17[%add3A_7, %dma_wait3A] : memref<10240x16xf32, #tpu.memory_space<vmem_shared>> -> memref<128x16xf32, #tpu.memory_space<vmem_shared>>
      %dma_wait3A_59 = arith.constant 0 : i32
      %dma_wait3A_60 = tpu.memref_slice %arg17[%add3A_7, %dma_wait3A_59] : memref<10240x16xf32, #tpu.memory_space<vmem_shared>> -> memref<128x16xf32, #tpu.memory_space<vmem_shared>>
      tpu.wait_dma2 semaphore(%run_scoped3A : memref<!tpu.dma_semaphore, #tpu.memory_space<semaphore_mem>>) src(%arg15 : memref<128x16xf32, #tpu.memory_space<vmem>>) dst(%dma_wait3A_60 : memref<128x16xf32, #tpu.memory_space<vmem_shared>>)
      tpu.yield
    }) : () -> ()
    %add3A_8 = arith.constant 128 : i32
    %add3A_9 = arith.addi %mul3A_0, %add3A_8 : i32
    "tpu.region"() ({
      %run_scoped3A = tpu.sem_alloc : memref<!tpu.dma_semaphore, #tpu.memory_space<semaphore_mem>>
      %dma_start3A = arith.constant 0 : i32
      %dma_start3A_55 = tpu.memref_slice %arg16[%add3A_9, %dma_start3A] : memref<10240x48xf32, #tpu.memory_space<vmem_shared>> -> memref<128x48xf32, #tpu.memory_space<vmem_shared>>
      %dma_start3A_56 = arith.constant 0 : i32
      %dma_start3A_57 = tpu.memref_slice %arg16[%add3A_9, %dma_start3A_56] : memref<10240x48xf32, #tpu.memory_space<vmem_shared>> -> memref<128x48xf32, #tpu.memory_space<vmem_shared>>
      tpu.enqueue_dma source(%arg14 : memref<128x48xf32, #tpu.memory_space<vmem>>) target(%dma_start3A_57 : memref<128x48xf32, #tpu.memory_space<vmem_shared>>) target_semaphore(%run_scoped3A : memref<!tpu.dma_semaphore, #tpu.memory_space<semaphore_mem>>)
      %dma_wait3A = arith.constant 0 : i32
      %dma_wait3A_58 = tpu.memref_slice %arg16[%add3A_9, %dma_wait3A] : memref<10240x48xf32, #tpu.memory_space<vmem_shared>> -> memref<128x48xf32, #tpu.memory_space<vmem_shared>>
      %dma_wait3A_59 = arith.constant 0 : i32
      %dma_wait3A_60 = tpu.memref_slice %arg16[%add3A_9, %dma_wait3A_59] : memref<10240x48xf32, #tpu.memory_space<vmem_shared>> -> memref<128x48xf32, #tpu.memory_space<vmem_shared>>
      tpu.wait_dma2 semaphore(%run_scoped3A : memref<!tpu.dma_semaphore, #tpu.memory_space<semaphore_mem>>) src(%arg14 : memref<128x48xf32, #tpu.memory_space<vmem>>) dst(%dma_wait3A_60 : memref<128x48xf32, #tpu.memory_space<vmem_shared>>)
      tpu.yield
    }) : () -> ()
    %add3A_10 = arith.constant 128 : i32
    %add3A_11 = arith.addi %mul3A_0, %add3A_10 : i32
    "tpu.region"() ({
      %run_scoped3A = tpu.sem_alloc : memref<!tpu.dma_semaphore, #tpu.memory_space<semaphore_mem>>
      %dma_start3A = arith.constant 0 : i32
      %dma_start3A_55 = tpu.memref_slice %arg17[%add3A_11, %dma_start3A] : memref<10240x16xf32, #tpu.memory_space<vmem_shared>> -> memref<128x16xf32, #tpu.memory_space<vmem_shared>>
      %dma_start3A_56 = arith.constant 0 : i32
      %dma_start3A_57 = tpu.memref_slice %arg17[%add3A_11, %dma_start3A_56] : memref<10240x16xf32, #tpu.memory_space<vmem_shared>> -> memref<128x16xf32, #tpu.memory_space<vmem_shared>>
      tpu.enqueue_dma source(%arg15 : memref<128x16xf32, #tpu.memory_space<vmem>>) target(%dma_start3A_57 : memref<128x16xf32, #tpu.memory_space<vmem_shared>>) target_semaphore(%run_scoped3A : memref<!tpu.dma_semaphore, #tpu.memory_space<semaphore_mem>>)
      %dma_wait3A = arith.constant 0 : i32
      %dma_wait3A_58 = tpu.memref_slice %arg17[%add3A_11, %dma_wait3A] : memref<10240x16xf32, #tpu.memory_space<vmem_shared>> -> memref<128x16xf32, #tpu.memory_space<vmem_shared>>
      %dma_wait3A_59 = arith.constant 0 : i32
      %dma_wait3A_60 = tpu.memref_slice %arg17[%add3A_11, %dma_wait3A_59] : memref<10240x16xf32, #tpu.memory_space<vmem_shared>> -> memref<128x16xf32, #tpu.memory_space<vmem_shared>>
      tpu.wait_dma2 semaphore(%run_scoped3A : memref<!tpu.dma_semaphore, #tpu.memory_space<semaphore_mem>>) src(%arg15 : memref<128x16xf32, #tpu.memory_space<vmem>>) dst(%dma_wait3A_60 : memref<128x16xf32, #tpu.memory_space<vmem_shared>>)
      tpu.yield
    }) : () -> ()
    %add3A_12 = arith.constant 256 : i32
    %add3A_13 = arith.addi %mul3A_0, %add3A_12 : i32
    "tpu.region"() ({
      %run_scoped3A = tpu.sem_alloc : memref<!tpu.dma_semaphore, #tpu.memory_space<semaphore_mem>>
      %dma_start3A = arith.constant 0 : i32
      %dma_start3A_55 = tpu.memref_slice %arg16[%add3A_13, %dma_start3A] : memref<10240x48xf32, #tpu.memory_space<vmem_shared>> -> memref<128x48xf32, #tpu.memory_space<vmem_shared>>
      %dma_start3A_56 = arith.constant 0 : i32
      %dma_start3A_57 = tpu.memref_slice %arg16[%add3A_13, %dma_start3A_56] : memref<10240x48xf32, #tpu.memory_space<vmem_shared>> -> memref<128x48xf32, #tpu.memory_space<vmem_shared>>
      tpu.enqueue_dma source(%arg14 : memref<128x48xf32, #tpu.memory_space<vmem>>) target(%dma_start3A_57 : memref<128x48xf32, #tpu.memory_space<vmem_shared>>) target_semaphore(%run_scoped3A : memref<!tpu.dma_semaphore, #tpu.memory_space<semaphore_mem>>)
      %dma_wait3A = arith.constant 0 : i32
      %dma_wait3A_58 = tpu.memref_slice %arg16[%add3A_13, %dma_wait3A] : memref<10240x48xf32, #tpu.memory_space<vmem_shared>> -> memref<128x48xf32, #tpu.memory_space<vmem_shared>>
      %dma_wait3A_59 = arith.constant 0 : i32
      %dma_wait3A_60 = tpu.memref_slice %arg16[%add3A_13, %dma_wait3A_59] : memref<10240x48xf32, #tpu.memory_space<vmem_shared>> -> memref<128x48xf32, #tpu.memory_space<vmem_shared>>
      tpu.wait_dma2 semaphore(%run_scoped3A : memref<!tpu.dma_semaphore, #tpu.memory_space<semaphore_mem>>) src(%arg14 : memref<128x48xf32, #tpu.memory_space<vmem>>) dst(%dma_wait3A_60 : memref<128x48xf32, #tpu.memory_space<vmem_shared>>)
      tpu.yield
    }) : () -> ()
    %add3A_14 = arith.constant 256 : i32
    %add3A_15 = arith.addi %mul3A_0, %add3A_14 : i32
    "tpu.region"() ({
      %run_scoped3A = tpu.sem_alloc : memref<!tpu.dma_semaphore, #tpu.memory_space<semaphore_mem>>
      %dma_start3A = arith.constant 0 : i32
      %dma_start3A_55 = tpu.memref_slice %arg17[%add3A_15, %dma_start3A] : memref<10240x16xf32, #tpu.memory_space<vmem_shared>> -> memref<128x16xf32, #tpu.memory_space<vmem_shared>>
      %dma_start3A_56 = arith.constant 0 : i32
      %dma_start3A_57 = tpu.memref_slice %arg17[%add3A_15, %dma_start3A_56] : memref<10240x16xf32, #tpu.memory_space<vmem_shared>> -> memref<128x16xf32, #tpu.memory_space<vmem_shared>>
      tpu.enqueue_dma source(%arg15 : memref<128x16xf32, #tpu.memory_space<vmem>>) target(%dma_start3A_57 : memref<128x16xf32, #tpu.memory_space<vmem_shared>>) target_semaphore(%run_scoped3A : memref<!tpu.dma_semaphore, #tpu.memory_space<semaphore_mem>>)
      %dma_wait3A = arith.constant 0 : i32
      %dma_wait3A_58 = tpu.memref_slice %arg17[%add3A_15, %dma_wait3A] : memref<10240x16xf32, #tpu.memory_space<vmem_shared>> -> memref<128x16xf32, #tpu.memory_space<vmem_shared>>
      %dma_wait3A_59 = arith.constant 0 : i32
      %dma_wait3A_60 = tpu.memref_slice %arg17[%add3A_15, %dma_wait3A_59] : memref<10240x16xf32, #tpu.memory_space<vmem_shared>> -> memref<128x16xf32, #tpu.memory_space<vmem_shared>>
      tpu.wait_dma2 semaphore(%run_scoped3A : memref<!tpu.dma_semaphore, #tpu.memory_space<semaphore_mem>>) src(%arg15 : memref<128x16xf32, #tpu.memory_space<vmem>>) dst(%dma_wait3A_60 : memref<128x16xf32, #tpu.memory_space<vmem_shared>>)
      tpu.yield
    }) : () -> ()
    %add3A_16 = arith.constant 384 : i32
    %add3A_17 = arith.addi %mul3A_0, %add3A_16 : i32
    "tpu.region"() ({
      %run_scoped3A = tpu.sem_alloc : memref<!tpu.dma_semaphore, #tpu.memory_space<semaphore_mem>>
      %dma_start3A = arith.constant 0 : i32
      %dma_start3A_55 = tpu.memref_slice %arg16[%add3A_17, %dma_start3A] : memref<10240x48xf32, #tpu.memory_space<vmem_shared>> -> memref<128x48xf32, #tpu.memory_space<vmem_shared>>
      %dma_start3A_56 = arith.constant 0 : i32
      %dma_start3A_57 = tpu.memref_slice %arg16[%add3A_17, %dma_start3A_56] : memref<10240x48xf32, #tpu.memory_space<vmem_shared>> -> memref<128x48xf32, #tpu.memory_space<vmem_shared>>
      tpu.enqueue_dma source(%arg14 : memref<128x48xf32, #tpu.memory_space<vmem>>) target(%dma_start3A_57 : memref<128x48xf32, #tpu.memory_space<vmem_shared>>) target_semaphore(%run_scoped3A : memref<!tpu.dma_semaphore, #tpu.memory_space<semaphore_mem>>)
      %dma_wait3A = arith.constant 0 : i32
      %dma_wait3A_58 = tpu.memref_slice %arg16[%add3A_17, %dma_wait3A] : memref<10240x48xf32, #tpu.memory_space<vmem_shared>> -> memref<128x48xf32, #tpu.memory_space<vmem_shared>>
      %dma_wait3A_59 = arith.constant 0 : i32
      %dma_wait3A_60 = tpu.memref_slice %arg16[%add3A_17, %dma_wait3A_59] : memref<10240x48xf32, #tpu.memory_space<vmem_shared>> -> memref<128x48xf32, #tpu.memory_space<vmem_shared>>
      tpu.wait_dma2 semaphore(%run_scoped3A : memref<!tpu.dma_semaphore, #tpu.memory_space<semaphore_mem>>) src(%arg14 : memref<128x48xf32, #tpu.memory_space<vmem>>) dst(%dma_wait3A_60 : memref<128x48xf32, #tpu.memory_space<vmem_shared>>)
      tpu.yield
    }) : () -> ()
    %add3A_18 = arith.constant 384 : i32
    %add3A_19 = arith.addi %mul3A_0, %add3A_18 : i32
    "tpu.region"() ({
      %run_scoped3A = tpu.sem_alloc : memref<!tpu.dma_semaphore, #tpu.memory_space<semaphore_mem>>
      %dma_start3A = arith.constant 0 : i32
      %dma_start3A_55 = tpu.memref_slice %arg17[%add3A_19, %dma_start3A] : memref<10240x16xf32, #tpu.memory_space<vmem_shared>> -> memref<128x16xf32, #tpu.memory_space<vmem_shared>>
      %dma_start3A_56 = arith.constant 0 : i32
      %dma_start3A_57 = tpu.memref_slice %arg17[%add3A_19, %dma_start3A_56] : memref<10240x16xf32, #tpu.memory_space<vmem_shared>> -> memref<128x16xf32, #tpu.memory_space<vmem_shared>>
      tpu.enqueue_dma source(%arg15 : memref<128x16xf32, #tpu.memory_space<vmem>>) target(%dma_start3A_57 : memref<128x16xf32, #tpu.memory_space<vmem_shared>>) target_semaphore(%run_scoped3A : memref<!tpu.dma_semaphore, #tpu.memory_space<semaphore_mem>>)
      %dma_wait3A = arith.constant 0 : i32
      %dma_wait3A_58 = tpu.memref_slice %arg17[%add3A_19, %dma_wait3A] : memref<10240x16xf32, #tpu.memory_space<vmem_shared>> -> memref<128x16xf32, #tpu.memory_space<vmem_shared>>
      %dma_wait3A_59 = arith.constant 0 : i32
      %dma_wait3A_60 = tpu.memref_slice %arg17[%add3A_19, %dma_wait3A_59] : memref<10240x16xf32, #tpu.memory_space<vmem_shared>> -> memref<128x16xf32, #tpu.memory_space<vmem_shared>>
      tpu.wait_dma2 semaphore(%run_scoped3A : memref<!tpu.dma_semaphore, #tpu.memory_space<semaphore_mem>>) src(%arg15 : memref<128x16xf32, #tpu.memory_space<vmem>>) dst(%dma_wait3A_60 : memref<128x16xf32, #tpu.memory_space<vmem_shared>>)
      tpu.yield
    }) : () -> ()
    %add3A_20 = arith.constant 512 : i32
    %add3A_21 = arith.addi %mul3A_0, %add3A_20 : i32
    "tpu.region"() ({
      %run_scoped3A = tpu.sem_alloc : memref<!tpu.dma_semaphore, #tpu.memory_space<semaphore_mem>>
      %dma_start3A = arith.constant 0 : i32
      %dma_start3A_55 = tpu.memref_slice %arg16[%add3A_21, %dma_start3A] : memref<10240x48xf32, #tpu.memory_space<vmem_shared>> -> memref<128x48xf32, #tpu.memory_space<vmem_shared>>
      %dma_start3A_56 = arith.constant 0 : i32
      %dma_start3A_57 = tpu.memref_slice %arg16[%add3A_21, %dma_start3A_56] : memref<10240x48xf32, #tpu.memory_space<vmem_shared>> -> memref<128x48xf32, #tpu.memory_space<vmem_shared>>
      tpu.enqueue_dma source(%arg14 : memref<128x48xf32, #tpu.memory_space<vmem>>) target(%dma_start3A_57 : memref<128x48xf32, #tpu.memory_space<vmem_shared>>) target_semaphore(%run_scoped3A : memref<!tpu.dma_semaphore, #tpu.memory_space<semaphore_mem>>)
      %dma_wait3A = arith.constant 0 : i32
      %dma_wait3A_58 = tpu.memref_slice %arg16[%add3A_21, %dma_wait3A] : memref<10240x48xf32, #tpu.memory_space<vmem_shared>> -> memref<128x48xf32, #tpu.memory_space<vmem_shared>>
      %dma_wait3A_59 = arith.constant 0 : i32
      %dma_wait3A_60 = tpu.memref_slice %arg16[%add3A_21, %dma_wait3A_59] : memref<10240x48xf32, #tpu.memory_space<vmem_shared>> -> memref<128x48xf32, #tpu.memory_space<vmem_shared>>
      tpu.wait_dma2 semaphore(%run_scoped3A : memref<!tpu.dma_semaphore, #tpu.memory_space<semaphore_mem>>) src(%arg14 : memref<128x48xf32, #tpu.memory_space<vmem>>) dst(%dma_wait3A_60 : memref<128x48xf32, #tpu.memory_space<vmem_shared>>)
      tpu.yield
    }) : () -> ()
    %add3A_22 = arith.constant 512 : i32
    %add3A_23 = arith.addi %mul3A_0, %add3A_22 : i32
    "tpu.region"() ({
      %run_scoped3A = tpu.sem_alloc : memref<!tpu.dma_semaphore, #tpu.memory_space<semaphore_mem>>
      %dma_start3A = arith.constant 0 : i32
      %dma_start3A_55 = tpu.memref_slice %arg17[%add3A_23, %dma_start3A] : memref<10240x16xf32, #tpu.memory_space<vmem_shared>> -> memref<128x16xf32, #tpu.memory_space<vmem_shared>>
      %dma_start3A_56 = arith.constant 0 : i32
      %dma_start3A_57 = tpu.memref_slice %arg17[%add3A_23, %dma_start3A_56] : memref<10240x16xf32, #tpu.memory_space<vmem_shared>> -> memref<128x16xf32, #tpu.memory_space<vmem_shared>>
      tpu.enqueue_dma source(%arg15 : memref<128x16xf32, #tpu.memory_space<vmem>>) target(%dma_start3A_57 : memref<128x16xf32, #tpu.memory_space<vmem_shared>>) target_semaphore(%run_scoped3A : memref<!tpu.dma_semaphore, #tpu.memory_space<semaphore_mem>>)
      %dma_wait3A = arith.constant 0 : i32
      %dma_wait3A_58 = tpu.memref_slice %arg17[%add3A_23, %dma_wait3A] : memref<10240x16xf32, #tpu.memory_space<vmem_shared>> -> memref<128x16xf32, #tpu.memory_space<vmem_shared>>
      %dma_wait3A_59 = arith.constant 0 : i32
      %dma_wait3A_60 = tpu.memref_slice %arg17[%add3A_23, %dma_wait3A_59] : memref<10240x16xf32, #tpu.memory_space<vmem_shared>> -> memref<128x16xf32, #tpu.memory_space<vmem_shared>>
      tpu.wait_dma2 semaphore(%run_scoped3A : memref<!tpu.dma_semaphore, #tpu.memory_space<semaphore_mem>>) src(%arg15 : memref<128x16xf32, #tpu.memory_space<vmem>>) dst(%dma_wait3A_60 : memref<128x16xf32, #tpu.memory_space<vmem_shared>>)
      tpu.yield
    }) : () -> ()
    %barrier3A = arith.constant 0 : index
    tpu.barrier barrier_id(%barrier3A)
    %mul3A_24 = arith.constant 2 : i32
    %mul3A_25 = arith.muli %arg1, %mul3A_24 : i32
    %add3A_26 = arith.addi %mul3A_25, %arg0 : i32
    %mul3A_27 = arith.constant 10240 : i32
    %mul3A_28 = arith.muli %arg0, %mul3A_27 : i32
    %scan3A_29 = arith.constant 0 : i32
    %scan3A_30 = arith.constant 81 : i32
    %scan3A_31 = arith.addi %scan3A_29, %scan3A_30 : i32
    %scan3A_32 = arith.constant 1 : i32
    scf.for %scan3A_55 = %scan3A_29 to %scan3A_31 step %scan3A_32  : i32 {
      %mul3A_56 = arith.constant 81 : i32
      %mul3A_57 = arith.muli %add3A_26, %mul3A_56 : i32
      %add3A_58 = arith.addi %mul3A_57, %scan3A_55 : i32
      %mul3A_59 = arith.constant 2 : i32
      %mul3A_60 = arith.muli %add3A_58, %mul3A_59 : i32
      %mul3A_61 = arith.constant 128 : i32
      %mul3A_62 = arith.muli %mul3A_60, %mul3A_61 : i32
      "tpu.region"() ({
        %run_scoped3A = tpu.sem_alloc : memref<!tpu.dma_semaphore, #tpu.memory_space<semaphore_mem>>
        %dma_start3A_151 = tpu.memref_slice %arg2[%mul3A_62] : memref<663552xi32, #tpu.memory_space<hbm>> -> memref<256xi32, #tpu.memory_space<hbm>>
        %dma_start3A_152 = tpu.memref_slice %arg2[%mul3A_62] : memref<663552xi32, #tpu.memory_space<hbm>> -> memref<256xi32, #tpu.memory_space<hbm>>
        tpu.enqueue_dma source(%dma_start3A_152 : memref<256xi32, #tpu.memory_space<hbm>>) target(%arg8 : memref<256xi32, #tpu.memory_space<vmem>>) target_semaphore(%run_scoped3A : memref<!tpu.dma_semaphore, #tpu.memory_space<semaphore_mem>>)
        %dma_wait3A_153 = tpu.memref_slice %arg2[%mul3A_62] : memref<663552xi32, #tpu.memory_space<hbm>> -> memref<256xi32, #tpu.memory_space<hbm>>
        %dma_wait3A_154 = tpu.memref_slice %arg2[%mul3A_62] : memref<663552xi32, #tpu.memory_space<hbm>> -> memref<256xi32, #tpu.memory_space<hbm>>
        tpu.wait_dma2 semaphore(%run_scoped3A : memref<!tpu.dma_semaphore, #tpu.memory_space<semaphore_mem>>) src(%dma_wait3A_154 : memref<256xi32, #tpu.memory_space<hbm>>) dst(%arg8 : memref<256xi32, #tpu.memory_space<vmem>>)
        tpu.yield
      }) : () -> ()
      %get3A = arith.constant 128 : index
      %get3A_63 = tpu.vector_load %arg8[%get3A] {strides = array<i32>} : memref<256xi32, #tpu.memory_space<vmem>>, vector<16xi32>,
      %get3A_64 = vector.shape_cast %get3A_63 : vector<16xi32> to vector<16xi32>
      %swap3A = arith.constant 0 : index
      %swap3A_65 = tpu.vector_load %arg9[%swap3A] {strides = array<i32>} : memref<128xi32, #tpu.memory_space<vmem>>, vector<16xi32>,
      %swap3A_66 = vector.shape_cast %swap3A_65 : vector<16xi32> to vector<16xi32>
      %swap3A_67 = vector.shape_cast %get3A_64 : vector<16xi32> to vector<16xi32>
      tpu.vector_store %arg9[%swap3A], %swap3A_67 {strides = array<i32>} : memref<128xi32, #tpu.memory_space<vmem>>, vector<16xi32>,
      %get3A_68 = arith.constant 144 : index
      %get3A_69 = tpu.vector_load %arg8[%get3A_68] {strides = array<i32>} : memref<256xi32, #tpu.memory_space<vmem>>, vector<16xi32>,
      %get3A_70 = vector.shape_cast %get3A_69 : vector<16xi32> to vector<16xi32>
      %swap3A_71 = arith.constant 16 : index
      %swap3A_72 = tpu.vector_load %arg9[%swap3A_71] {strides = array<i32>} : memref<128xi32, #tpu.memory_space<vmem>>, vector<16xi32>,
      %swap3A_73 = vector.shape_cast %swap3A_72 : vector<16xi32> to vector<16xi32>
      %swap3A_74 = vector.shape_cast %get3A_70 : vector<16xi32> to vector<16xi32>
      tpu.vector_store %arg9[%swap3A_71], %swap3A_74 {strides = array<i32>} : memref<128xi32, #tpu.memory_space<vmem>>, vector<16xi32>,
      %get3A_75 = arith.constant 160 : index
      %get3A_76 = tpu.vector_load %arg8[%get3A_75] {strides = array<i32>} : memref<256xi32, #tpu.memory_space<vmem>>, vector<16xi32>,
      %get3A_77 = vector.shape_cast %get3A_76 : vector<16xi32> to vector<16xi32>
      %swap3A_78 = arith.constant 32 : index
      %swap3A_79 = tpu.vector_load %arg9[%swap3A_78] {strides = array<i32>} : memref<128xi32, #tpu.memory_space<vmem>>, vector<16xi32>,
      %swap3A_80 = vector.shape_cast %swap3A_79 : vector<16xi32> to vector<16xi32>
      %swap3A_81 = vector.shape_cast %get3A_77 : vector<16xi32> to vector<16xi32>
      tpu.vector_store %arg9[%swap3A_78], %swap3A_81 {strides = array<i32>} : memref<128xi32, #tpu.memory_space<vmem>>, vector<16xi32>,
      %get3A_82 = arith.constant 176 : index
      %get3A_83 = tpu.vector_load %arg8[%get3A_82] {strides = array<i32>} : memref<256xi32, #tpu.memory_space<vmem>>, vector<16xi32>,
      %get3A_84 = vector.shape_cast %get3A_83 : vector<16xi32> to vector<16xi32>
      %swap3A_85 = arith.constant 48 : index
      %swap3A_86 = tpu.vector_load %arg9[%swap3A_85] {strides = array<i32>} : memref<128xi32, #tpu.memory_space<vmem>>, vector<16xi32>,
      %swap3A_87 = vector.shape_cast %swap3A_86 : vector<16xi32> to vector<16xi32>
      %swap3A_88 = vector.shape_cast %get3A_84 : vector<16xi32> to vector<16xi32>
      tpu.vector_store %arg9[%swap3A_85], %swap3A_88 {strides = array<i32>} : memref<128xi32, #tpu.memory_space<vmem>>, vector<16xi32>,
      %get3A_89 = arith.constant 192 : index
      %get3A_90 = tpu.vector_load %arg8[%get3A_89] {strides = array<i32>} : memref<256xi32, #tpu.memory_space<vmem>>, vector<16xi32>,
      %get3A_91 = vector.shape_cast %get3A_90 : vector<16xi32> to vector<16xi32>
      %swap3A_92 = arith.constant 64 : index
      %swap3A_93 = tpu.vector_load %arg9[%swap3A_92] {strides = array<i32>} : memref<128xi32, #tpu.memory_space<vmem>>, vector<16xi32>,
      %swap3A_94 = vector.shape_cast %swap3A_93 : vector<16xi32> to vector<16xi32>
      %swap3A_95 = vector.shape_cast %get3A_91 : vector<16xi32> to vector<16xi32>
      tpu.vector_store %arg9[%swap3A_92], %swap3A_95 {strides = array<i32>} : memref<128xi32, #tpu.memory_space<vmem>>, vector<16xi32>,
      %get3A_96 = arith.constant 208 : index
      %get3A_97 = tpu.vector_load %arg8[%get3A_96] {strides = array<i32>} : memref<256xi32, #tpu.memory_space<vmem>>, vector<16xi32>,
      %get3A_98 = vector.shape_cast %get3A_97 : vector<16xi32> to vector<16xi32>
      %swap3A_99 = arith.constant 80 : index
      %swap3A_100 = tpu.vector_load %arg9[%swap3A_99] {strides = array<i32>} : memref<128xi32, #tpu.memory_space<vmem>>, vector<16xi32>,
      %swap3A_101 = vector.shape_cast %swap3A_100 : vector<16xi32> to vector<16xi32>
      %swap3A_102 = vector.shape_cast %get3A_98 : vector<16xi32> to vector<16xi32>
      tpu.vector_store %arg9[%swap3A_99], %swap3A_102 {strides = array<i32>} : memref<128xi32, #tpu.memory_space<vmem>>, vector<16xi32>,
      %get3A_103 = arith.constant 224 : index
      %get3A_104 = tpu.vector_load %arg8[%get3A_103] {strides = array<i32>} : memref<256xi32, #tpu.memory_space<vmem>>, vector<16xi32>,
      %get3A_105 = vector.shape_cast %get3A_104 : vector<16xi32> to vector<16xi32>
      %swap3A_106 = arith.constant 96 : index
      %swap3A_107 = tpu.vector_load %arg9[%swap3A_106] {strides = array<i32>} : memref<128xi32, #tpu.memory_space<vmem>>, vector<16xi32>,
      %swap3A_108 = vector.shape_cast %swap3A_107 : vector<16xi32> to vector<16xi32>
      %swap3A_109 = vector.shape_cast %get3A_105 : vector<16xi32> to vector<16xi32>
      tpu.vector_store %arg9[%swap3A_106], %swap3A_109 {strides = array<i32>} : memref<128xi32, #tpu.memory_space<vmem>>, vector<16xi32>,
      %get3A_110 = arith.constant 240 : index
      %get3A_111 = tpu.vector_load %arg8[%get3A_110] {strides = array<i32>} : memref<256xi32, #tpu.memory_space<vmem>>, vector<16xi32>,
      %get3A_112 = vector.shape_cast %get3A_111 : vector<16xi32> to vector<16xi32>
      %swap3A_113 = arith.constant 112 : index
      %swap3A_114 = tpu.vector_load %arg9[%swap3A_113] {strides = array<i32>} : memref<128xi32, #tpu.memory_space<vmem>>, vector<16xi32>,
      %swap3A_115 = vector.shape_cast %swap3A_114 : vector<16xi32> to vector<16xi32>
      %swap3A_116 = vector.shape_cast %get3A_112 : vector<16xi32> to vector<16xi32>
      tpu.vector_store %arg9[%swap3A_113], %swap3A_116 {strides = array<i32>} : memref<128xi32, #tpu.memory_space<vmem>>, vector<16xi32>,
      %dma_start3A = arith.constant 0 : i32
      %dma_start3A_117 = tpu.memref_slice %arg8[%dma_start3A] : memref<256xi32, #tpu.memory_space<vmem>> -> memref<128xi32, #tpu.memory_space<vmem>>
      %dma_start3A_118 = arith.constant 0 : i32
      %dma_start3A_119 = arith.constant 0 : i32
      %dma_start3A_120 = tpu.memref_slice %arg3[%dma_start3A_118, %dma_start3A_119] : memref<10240x16xf32, #tpu.memory_space<hbm>> -> memref<10240x16xf32, #tpu.memory_space<hbm>>
      tpu.enqueue_indirect_dma source(%dma_start3A_120 : memref<10240x16xf32, #tpu.memory_space<hbm>>) target(%arg10 : memref<128x16xf32, #tpu.memory_space<vmem>>) offsets(%dma_start3A_117 : memref<128xi32, #tpu.memory_space<vmem>>) semaphore(%arg18 : memref<!tpu.dma_semaphore, #tpu.memory_space<semaphore_mem>>)
      %dma_start3A_121 = arith.constant 0 : i32
      %dma_start3A_122 = arith.constant 0 : i32
      %dma_start3A_123 = tpu.memref_slice %arg4[%dma_start3A_121, %dma_start3A_122] : memref<10240x16xf32, #tpu.memory_space<hbm>> -> memref<10240x16xf32, #tpu.memory_space<hbm>>
      tpu.enqueue_indirect_dma source(%dma_start3A_123 : memref<10240x16xf32, #tpu.memory_space<hbm>>) target(%arg11 : memref<128x16xf32, #tpu.memory_space<vmem>>) offsets(%arg9 : memref<128xi32, #tpu.memory_space<vmem>>) semaphore(%arg19 : memref<!tpu.dma_semaphore, #tpu.memory_space<semaphore_mem>>)
      %dma_start3A_124 = arith.constant 0 : i32
      %dma_start3A_125 = tpu.memref_slice %arg8[%dma_start3A_124] : memref<256xi32, #tpu.memory_space<vmem>> -> memref<128xi32, #tpu.memory_space<vmem>>
      %dma_start3A_126 = arith.constant 0 : i32
      %dma_start3A_127 = arith.constant 0 : i32
      %dma_start3A_128 = tpu.memref_slice %arg5[%dma_start3A_126, %dma_start3A_127] : memref<10240x48xf32, #tpu.memory_space<hbm>> -> memref<10240x48xf32, #tpu.memory_space<hbm>>
      tpu.enqueue_indirect_dma source(%dma_start3A_128 : memref<10240x48xf32, #tpu.memory_space<hbm>>) target(%arg13 : memref<128x48xf32, #tpu.memory_space<vmem>>) offsets(%dma_start3A_125 : memref<128xi32, #tpu.memory_space<vmem>>) semaphore(%arg20 : memref<!tpu.dma_semaphore, #tpu.memory_space<semaphore_mem>>)
      %dma_wait3A = arith.constant 0 : i32
      %dma_wait3A_129 = tpu.memref_slice %arg8[%dma_wait3A] : memref<256xi32, #tpu.memory_space<vmem>> -> memref<128xi32, #tpu.memory_space<vmem>>
      %dma_wait3A_130 = arith.constant 0 : i32
      %dma_wait3A_131 = arith.constant 0 : i32
      %dma_wait3A_132 = tpu.memref_slice %arg3[%dma_wait3A_130, %dma_wait3A_131] : memref<10240x16xf32, #tpu.memory_space<hbm>> -> memref<10240x16xf32, #tpu.memory_space<hbm>>
      tpu.wait_indirect_dma semaphore(%arg18 : memref<!tpu.dma_semaphore, #tpu.memory_space<semaphore_mem>>) src(%dma_wait3A_132 : memref<10240x16xf32, #tpu.memory_space<hbm>>) dst(%arg10 : memref<128x16xf32, #tpu.memory_space<vmem>>)
      %dma_wait3A_133 = arith.constant 0 : i32
      %dma_wait3A_134 = arith.constant 0 : i32
      %dma_wait3A_135 = tpu.memref_slice %arg4[%dma_wait3A_133, %dma_wait3A_134] : memref<10240x16xf32, #tpu.memory_space<hbm>> -> memref<10240x16xf32, #tpu.memory_space<hbm>>
      tpu.wait_indirect_dma semaphore(%arg19 : memref<!tpu.dma_semaphore, #tpu.memory_space<semaphore_mem>>) src(%dma_wait3A_135 : memref<10240x16xf32, #tpu.memory_space<hbm>>) dst(%arg11 : memref<128x16xf32, #tpu.memory_space<vmem>>)
      %scan3A_136 = arith.constant 0 : i32
      %scan3A_137 = arith.constant 128 : i32
      %scan3A_138 = arith.addi %scan3A_136, %scan3A_137 : i32
      %scan3A_139 = arith.constant 1 : i32
      scf.for %scan3A_151 = %scan3A_136 to %scan3A_138 step %scan3A_139  : i32 {
        %get3A_152 = arith.index_cast %scan3A_151 : i32 to index
        %get3A_153 = arith.constant 0 : index
        %get3A_154 = tpu.vector_load %arg10[%get3A_152, %get3A_153] {strides = array<i32>} : memref<128x16xf32, #tpu.memory_space<vmem>>, vector<1x16xf32>,
        %get3A_155 = vector.shape_cast %get3A_154 : vector<1x16xf32> to vector<16xf32>
        %get3A_156 = arith.index_cast %scan3A_151 : i32 to index
        %get3A_157 = arith.constant 0 : index
        %get3A_158 = tpu.vector_load %arg11[%get3A_156, %get3A_157] {strides = array<i32>} : memref<128x16xf32, #tpu.memory_space<vmem>>, vector<1x16xf32>,
        %get3A_159 = vector.shape_cast %get3A_158 : vector<1x16xf32> to vector<16xf32>
        %add3A_160 = arith.addf %get3A_155, %get3A_159 : vector<16xf32>
        %mul3A_161 = arith.constant 2.000000e-01 : f32
        %mul3A_162 = vector.broadcast %mul3A_161 : f32 to vector<16xf32>
        %mul3A_163 = arith.mulf %add3A_160, %mul3A_162 : vector<16xf32>
        %max3A = arith.maximumf %add3A_160, %mul3A_163 : vector<16xf32>
        %exp3A = math.exp %max3A : vector<16xf32>
        %swap3A_164 = arith.index_cast %scan3A_151 : i32 to index
        %swap3A_165 = arith.constant 0 : index
        %swap3A_166 = tpu.vector_load %arg12[%swap3A_164, %swap3A_165] {strides = array<i32>} : memref<128x16xf32, #tpu.memory_space<vmem>>, vector<1x16xf32>,
        %swap3A_167 = vector.shape_cast %swap3A_166 : vector<1x16xf32> to vector<16xf32>
        %swap3A_168 = vector.shape_cast %exp3A : vector<16xf32> to vector<1x16xf32>
        tpu.vector_store %arg12[%swap3A_164, %swap3A_165], %swap3A_168 {strides = array<i32>} : memref<128x16xf32, #tpu.memory_space<vmem>>, vector<1x16xf32>,
      }
      %scan3A_140 = arith.constant 128 : i32
      %dma_wait3A_141 = arith.constant 0 : i32
      %dma_wait3A_142 = tpu.memref_slice %arg8[%dma_wait3A_141] : memref<256xi32, #tpu.memory_space<vmem>> -> memref<128xi32, #tpu.memory_space<vmem>>
      %dma_wait3A_143 = arith.constant 0 : i32
      %dma_wait3A_144 = arith.constant 0 : i32
      %dma_wait3A_145 = tpu.memref_slice %arg5[%dma_wait3A_143, %dma_wait3A_144] : memref<10240x48xf32, #tpu.memory_space<hbm>> -> memref<10240x48xf32, #tpu.memory_space<hbm>>
      tpu.wait_indirect_dma semaphore(%arg20 : memref<!tpu.dma_semaphore, #tpu.memory_space<semaphore_mem>>) src(%dma_wait3A_145 : memref<10240x48xf32, #tpu.memory_space<hbm>>) dst(%arg13 : memref<128x48xf32, #tpu.memory_space<vmem>>)
      %scan3A_146 = arith.constant 0 : i32
      %scan3A_147 = arith.constant 128 : i32
      %scan3A_148 = arith.addi %scan3A_146, %scan3A_147 : i32
      %scan3A_149 = arith.constant 1 : i32
      scf.for %scan3A_151 = %scan3A_146 to %scan3A_148 step %scan3A_149  : i32 {
        %get3A_152 = arith.index_cast %scan3A_151 : i32 to index
        %get3A_153 = arith.constant 0 : index
        %get3A_154 = tpu.vector_load %arg12[%get3A_152, %get3A_153] {strides = array<i32>} : memref<128x16xf32, #tpu.memory_space<vmem>>, vector<1x16xf32>,
        %get3A_155 = vector.shape_cast %get3A_154 : vector<1x16xf32> to vector<16xf32>
        %get3A_156 = arith.index_cast %scan3A_151 : i32 to index
        %get3A_157 = arith.constant 0 : index
        %get3A_158 = tpu.vector_load %arg13[%get3A_156, %get3A_157] {strides = array<i32>} : memref<128x48xf32, #tpu.memory_space<vmem>>, vector<1x16xf32>,
        %get3A_159 = vector.shape_cast %get3A_158 : vector<1x16xf32> to vector<16xf32>
        %mul3A_160 = arith.mulf %get3A_159, %get3A_155 : vector<16xf32>
        %swap3A_161 = arith.index_cast %scan3A_151 : i32 to index
        %swap3A_162 = arith.constant 0 : index
        %swap3A_163 = tpu.vector_load %arg13[%swap3A_161, %swap3A_162] {strides = array<i32>} : memref<128x48xf32, #tpu.memory_space<vmem>>, vector<1x16xf32>,
        %swap3A_164 = vector.shape_cast %swap3A_163 : vector<1x16xf32> to vector<16xf32>
        %swap3A_165 = vector.shape_cast %mul3A_160 : vector<16xf32> to vector<1x16xf32>
        tpu.vector_store %arg13[%swap3A_161, %swap3A_162], %swap3A_165 {strides = array<i32>} : memref<128x48xf32, #tpu.memory_space<vmem>>, vector<1x16xf32>,
        %get3A_166 = arith.index_cast %scan3A_151 : i32 to index
        %get3A_167 = arith.constant 16 : index
        %get3A_168 = tpu.vector_load %arg13[%get3A_166, %get3A_167] {strides = array<i32>} : memref<128x48xf32, #tpu.memory_space<vmem>>, vector<1x16xf32>,
        %get3A_169 = vector.shape_cast %get3A_168 : vector<1x16xf32> to vector<16xf32>
        %mul3A_170 = arith.mulf %get3A_169, %get3A_155 : vector<16xf32>
        %swap3A_171 = arith.index_cast %scan3A_151 : i32 to index
        %swap3A_172 = arith.constant 16 : index
        %swap3A_173 = tpu.vector_load %arg13[%swap3A_171, %swap3A_172] {strides = array<i32>} : memref<128x48xf32, #tpu.memory_space<vmem>>, vector<1x16xf32>,
        %swap3A_174 = vector.shape_cast %swap3A_173 : vector<1x16xf32> to vector<16xf32>
        %swap3A_175 = vector.shape_cast %mul3A_170 : vector<16xf32> to vector<1x16xf32>
        tpu.vector_store %arg13[%swap3A_171, %swap3A_172], %swap3A_175 {strides = array<i32>} : memref<128x48xf32, #tpu.memory_space<vmem>>, vector<1x16xf32>,
        %get3A_176 = arith.index_cast %scan3A_151 : i32 to index
        %get3A_177 = arith.constant 32 : index
        %get3A_178 = tpu.vector_load %arg13[%get3A_176, %get3A_177] {strides = array<i32>} : memref<128x48xf32, #tpu.memory_space<vmem>>, vector<1x16xf32>,
        %get3A_179 = vector.shape_cast %get3A_178 : vector<1x16xf32> to vector<16xf32>
        %mul3A_180 = arith.mulf %get3A_179, %get3A_155 : vector<16xf32>
        %swap3A_181 = arith.index_cast %scan3A_151 : i32 to index
        %swap3A_182 = arith.constant 32 : index
        %swap3A_183 = tpu.vector_load %arg13[%swap3A_181, %swap3A_182] {strides = array<i32>} : memref<128x48xf32, #tpu.memory_space<vmem>>, vector<1x16xf32>,
        %swap3A_184 = vector.shape_cast %swap3A_183 : vector<1x16xf32> to vector<16xf32>
        %swap3A_185 = vector.shape_cast %mul3A_180 : vector<16xf32> to vector<1x16xf32>
        tpu.vector_store %arg13[%swap3A_181, %swap3A_182], %swap3A_185 {strides = array<i32>} : memref<128x48xf32, #tpu.memory_space<vmem>>, vector<1x16xf32>,
      }
      %scan3A_150 = arith.constant 128 : i32
      "tpu.region"() ({
        %run_scoped3A = tpu.sem_alloc : memref<!tpu.dma_semaphore, #tpu.memory_space<semaphore_mem>>
        %dma_start3A_151 = arith.constant 0 : i32
        %dma_start3A_152 = arith.constant 0 : i32
        %dma_start3A_153 = tpu.memref_slice %arg16[%dma_start3A_151, %dma_start3A_152] : memref<10240x48xf32, #tpu.memory_space<vmem_shared>> -> memref<10240x48xf32, #tpu.memory_space<vmem_shared>>
        tpu.enqueue_indirect_dma source(%arg13 : memref<128x48xf32, #tpu.memory_space<vmem>>) target(%dma_start3A_153 : memref<10240x48xf32, #tpu.memory_space<vmem_shared>>) offsets(%arg9 : memref<128xi32, #tpu.memory_space<vmem>>) semaphore(%run_scoped3A : memref<!tpu.dma_semaphore, #tpu.memory_space<semaphore_mem>>) {add = true}
        %dma_wait3A_154 = arith.constant 0 : i32
        %dma_wait3A_155 = arith.constant 0 : i32
        %dma_wait3A_156 = tpu.memref_slice %arg16[%dma_wait3A_154, %dma_wait3A_155] : memref<10240x48xf32, #tpu.memory_space<vmem_shared>> -> memref<10240x48xf32, #tpu.memory_space<vmem_shared>>
        tpu.wait_indirect_dma semaphore(%run_scoped3A : memref<!tpu.dma_semaphore, #tpu.memory_space<semaphore_mem>>) src(%arg13 : memref<128x48xf32, #tpu.memory_space<vmem>>) dst(%dma_wait3A_156 : memref<10240x48xf32, #tpu.memory_space<vmem_shared>>)
        tpu.yield
      }) : () -> ()
      "tpu.region"() ({
        %run_scoped3A = tpu.sem_alloc : memref<!tpu.dma_semaphore, #tpu.memory_space<semaphore_mem>>
        %dma_start3A_151 = arith.constant 0 : i32
        %dma_start3A_152 = arith.constant 0 : i32
        %dma_start3A_153 = tpu.memref_slice %arg17[%dma_start3A_151, %dma_start3A_152] : memref<10240x16xf32, #tpu.memory_space<vmem_shared>> -> memref<10240x16xf32, #tpu.memory_space<vmem_shared>>
        tpu.enqueue_indirect_dma source(%arg12 : memref<128x16xf32, #tpu.memory_space<vmem>>) target(%dma_start3A_153 : memref<10240x16xf32, #tpu.memory_space<vmem_shared>>) offsets(%arg9 : memref<128xi32, #tpu.memory_space<vmem>>) semaphore(%run_scoped3A : memref<!tpu.dma_semaphore, #tpu.memory_space<semaphore_mem>>) {add = true}
        %dma_wait3A_154 = arith.constant 0 : i32
        %dma_wait3A_155 = arith.constant 0 : i32
        %dma_wait3A_156 = tpu.memref_slice %arg17[%dma_wait3A_154, %dma_wait3A_155] : memref<10240x16xf32, #tpu.memory_space<vmem_shared>> -> memref<10240x16xf32, #tpu.memory_space<vmem_shared>>
        tpu.wait_indirect_dma semaphore(%run_scoped3A : memref<!tpu.dma_semaphore, #tpu.memory_space<semaphore_mem>>) src(%arg12 : memref<128x16xf32, #tpu.memory_space<vmem>>) dst(%dma_wait3A_156 : memref<10240x16xf32, #tpu.memory_space<vmem_shared>>)
        tpu.yield
      }) : () -> ()
    }
    %scan3A_33 = arith.constant 81 : i32
    %barrier3A_34 = arith.constant 0 : index
    tpu.barrier barrier_id(%barrier3A_34)
    %add3A_35 = arith.constant 0 : i32
    %add3A_36 = arith.addi %mul3A_0, %add3A_35 : i32
    %add3A_37 = arith.addi %mul3A_28, %add3A_36 : i32
    "tpu.region"() ({
      %run_scoped3A = tpu.sem_alloc : memref<!tpu.dma_semaphore, #tpu.memory_space<semaphore_mem>>
      %dma_start3A = arith.constant 0 : i32
      %dma_start3A_55 = tpu.memref_slice %arg6[%add3A_37, %dma_start3A] : memref<20480x48xf32, #tpu.memory_space<hbm>> -> memref<128x48xf32, #tpu.memory_space<hbm>>
      %dma_start3A_56 = arith.constant 0 : i32
      %dma_start3A_57 = tpu.memref_slice %arg16[%add3A_36, %dma_start3A_56] : memref<10240x48xf32, #tpu.memory_space<vmem_shared>> -> memref<128x48xf32, #tpu.memory_space<vmem_shared>>
      tpu.enqueue_dma source(%dma_start3A_57 : memref<128x48xf32, #tpu.memory_space<vmem_shared>>) target(%dma_start3A_55 : memref<128x48xf32, #tpu.memory_space<hbm>>) target_semaphore(%run_scoped3A : memref<!tpu.dma_semaphore, #tpu.memory_space<semaphore_mem>>)
      %dma_wait3A = arith.constant 0 : i32
      %dma_wait3A_58 = tpu.memref_slice %arg6[%add3A_37, %dma_wait3A] : memref<20480x48xf32, #tpu.memory_space<hbm>> -> memref<128x48xf32, #tpu.memory_space<hbm>>
      %dma_wait3A_59 = arith.constant 0 : i32
      %dma_wait3A_60 = tpu.memref_slice %arg16[%add3A_36, %dma_wait3A_59] : memref<10240x48xf32, #tpu.memory_space<vmem_shared>> -> memref<128x48xf32, #tpu.memory_space<vmem_shared>>
      tpu.wait_dma2 semaphore(%run_scoped3A : memref<!tpu.dma_semaphore, #tpu.memory_space<semaphore_mem>>) src(%dma_wait3A_60 : memref<128x48xf32, #tpu.memory_space<vmem_shared>>) dst(%dma_wait3A_58 : memref<128x48xf32, #tpu.memory_space<hbm>>)
      tpu.yield
    }) : () -> ()
    %add3A_38 = arith.addi %mul3A_28, %add3A_36 : i32
    "tpu.region"() ({
      %run_scoped3A = tpu.sem_alloc : memref<!tpu.dma_semaphore, #tpu.memory_space<semaphore_mem>>
      %dma_start3A = arith.constant 0 : i32
      %dma_start3A_55 = tpu.memref_slice %arg7[%add3A_38, %dma_start3A] : memref<20480x16xf32, #tpu.memory_space<hbm>> -> memref<128x16xf32, #tpu.memory_space<hbm>>
      %dma_start3A_56 = arith.constant 0 : i32
      %dma_start3A_57 = tpu.memref_slice %arg17[%add3A_36, %dma_start3A_56] : memref<10240x16xf32, #tpu.memory_space<vmem_shared>> -> memref<128x16xf32, #tpu.memory_space<vmem_shared>>
      tpu.enqueue_dma source(%dma_start3A_57 : memref<128x16xf32, #tpu.memory_space<vmem_shared>>) target(%dma_start3A_55 : memref<128x16xf32, #tpu.memory_space<hbm>>) target_semaphore(%run_scoped3A : memref<!tpu.dma_semaphore, #tpu.memory_space<semaphore_mem>>)
      %dma_wait3A = arith.constant 0 : i32
      %dma_wait3A_58 = tpu.memref_slice %arg7[%add3A_38, %dma_wait3A] : memref<20480x16xf32, #tpu.memory_space<hbm>> -> memref<128x16xf32, #tpu.memory_space<hbm>>
      %dma_wait3A_59 = arith.constant 0 : i32
      %dma_wait3A_60 = tpu.memref_slice %arg17[%add3A_36, %dma_wait3A_59] : memref<10240x16xf32, #tpu.memory_space<vmem_shared>> -> memref<128x16xf32, #tpu.memory_space<vmem_shared>>
      tpu.wait_dma2 semaphore(%run_scoped3A : memref<!tpu.dma_semaphore, #tpu.memory_space<semaphore_mem>>) src(%dma_wait3A_60 : memref<128x16xf32, #tpu.memory_space<vmem_shared>>) dst(%dma_wait3A_58 : memref<128x16xf32, #tpu.memory_space<hbm>>)
      tpu.yield
    }) : () -> ()
    %add3A_39 = arith.constant 128 : i32
    %add3A_40 = arith.addi %mul3A_0, %add3A_39 : i32
    %add3A_41 = arith.addi %mul3A_28, %add3A_40 : i32
    "tpu.region"() ({
      %run_scoped3A = tpu.sem_alloc : memref<!tpu.dma_semaphore, #tpu.memory_space<semaphore_mem>>
      %dma_start3A = arith.constant 0 : i32
      %dma_start3A_55 = tpu.memref_slice %arg6[%add3A_41, %dma_start3A] : memref<20480x48xf32, #tpu.memory_space<hbm>> -> memref<128x48xf32, #tpu.memory_space<hbm>>
      %dma_start3A_56 = arith.constant 0 : i32
      %dma_start3A_57 = tpu.memref_slice %arg16[%add3A_40, %dma_start3A_56] : memref<10240x48xf32, #tpu.memory_space<vmem_shared>> -> memref<128x48xf32, #tpu.memory_space<vmem_shared>>
      tpu.enqueue_dma source(%dma_start3A_57 : memref<128x48xf32, #tpu.memory_space<vmem_shared>>) target(%dma_start3A_55 : memref<128x48xf32, #tpu.memory_space<hbm>>) target_semaphore(%run_scoped3A : memref<!tpu.dma_semaphore, #tpu.memory_space<semaphore_mem>>)
      %dma_wait3A = arith.constant 0 : i32
      %dma_wait3A_58 = tpu.memref_slice %arg6[%add3A_41, %dma_wait3A] : memref<20480x48xf32, #tpu.memory_space<hbm>> -> memref<128x48xf32, #tpu.memory_space<hbm>>
      %dma_wait3A_59 = arith.constant 0 : i32
      %dma_wait3A_60 = tpu.memref_slice %arg16[%add3A_40, %dma_wait3A_59] : memref<10240x48xf32, #tpu.memory_space<vmem_shared>> -> memref<128x48xf32, #tpu.memory_space<vmem_shared>>
      tpu.wait_dma2 semaphore(%run_scoped3A : memref<!tpu.dma_semaphore, #tpu.memory_space<semaphore_mem>>) src(%dma_wait3A_60 : memref<128x48xf32, #tpu.memory_space<vmem_shared>>) dst(%dma_wait3A_58 : memref<128x48xf32, #tpu.memory_space<hbm>>)
      tpu.yield
    }) : () -> ()
    %add3A_42 = arith.addi %mul3A_28, %add3A_40 : i32
    "tpu.region"() ({
      %run_scoped3A = tpu.sem_alloc : memref<!tpu.dma_semaphore, #tpu.memory_space<semaphore_mem>>
      %dma_start3A = arith.constant 0 : i32
      %dma_start3A_55 = tpu.memref_slice %arg7[%add3A_42, %dma_start3A] : memref<20480x16xf32, #tpu.memory_space<hbm>> -> memref<128x16xf32, #tpu.memory_space<hbm>>
      %dma_start3A_56 = arith.constant 0 : i32
      %dma_start3A_57 = tpu.memref_slice %arg17[%add3A_40, %dma_start3A_56] : memref<10240x16xf32, #tpu.memory_space<vmem_shared>> -> memref<128x16xf32, #tpu.memory_space<vmem_shared>>
      tpu.enqueue_dma source(%dma_start3A_57 : memref<128x16xf32, #tpu.memory_space<vmem_shared>>) target(%dma_start3A_55 : memref<128x16xf32, #tpu.memory_space<hbm>>) target_semaphore(%run_scoped3A : memref<!tpu.dma_semaphore, #tpu.memory_space<semaphore_mem>>)
      %dma_wait3A = arith.constant 0 : i32
      %dma_wait3A_58 = tpu.memref_slice %arg7[%add3A_42, %dma_wait3A] : memref<20480x16xf32, #tpu.memory_space<hbm>> -> memref<128x16xf32, #tpu.memory_space<hbm>>
      %dma_wait3A_59 = arith.constant 0 : i32
      %dma_wait3A_60 = tpu.memref_slice %arg17[%add3A_40, %dma_wait3A_59] : memref<10240x16xf32, #tpu.memory_space<vmem_shared>> -> memref<128x16xf32, #tpu.memory_space<vmem_shared>>
      tpu.wait_dma2 semaphore(%run_scoped3A : memref<!tpu.dma_semaphore, #tpu.memory_space<semaphore_mem>>) src(%dma_wait3A_60 : memref<128x16xf32, #tpu.memory_space<vmem_shared>>) dst(%dma_wait3A_58 : memref<128x16xf32, #tpu.memory_space<hbm>>)
      tpu.yield
    }) : () -> ()
    %add3A_43 = arith.constant 256 : i32
    %add3A_44 = arith.addi %mul3A_0, %add3A_43 : i32
    %add3A_45 = arith.addi %mul3A_28, %add3A_44 : i32
    "tpu.region"() ({
      %run_scoped3A = tpu.sem_alloc : memref<!tpu.dma_semaphore, #tpu.memory_space<semaphore_mem>>
      %dma_start3A = arith.constant 0 : i32
      %dma_start3A_55 = tpu.memref_slice %arg6[%add3A_45, %dma_start3A] : memref<20480x48xf32, #tpu.memory_space<hbm>> -> memref<128x48xf32, #tpu.memory_space<hbm>>
      %dma_start3A_56 = arith.constant 0 : i32
      %dma_start3A_57 = tpu.memref_slice %arg16[%add3A_44, %dma_start3A_56] : memref<10240x48xf32, #tpu.memory_space<vmem_shared>> -> memref<128x48xf32, #tpu.memory_space<vmem_shared>>
      tpu.enqueue_dma source(%dma_start3A_57 : memref<128x48xf32, #tpu.memory_space<vmem_shared>>) target(%dma_start3A_55 : memref<128x48xf32, #tpu.memory_space<hbm>>) target_semaphore(%run_scoped3A : memref<!tpu.dma_semaphore, #tpu.memory_space<semaphore_mem>>)
      %dma_wait3A = arith.constant 0 : i32
      %dma_wait3A_58 = tpu.memref_slice %arg6[%add3A_45, %dma_wait3A] : memref<20480x48xf32, #tpu.memory_space<hbm>> -> memref<128x48xf32, #tpu.memory_space<hbm>>
      %dma_wait3A_59 = arith.constant 0 : i32
      %dma_wait3A_60 = tpu.memref_slice %arg16[%add3A_44, %dma_wait3A_59] : memref<10240x48xf32, #tpu.memory_space<vmem_shared>> -> memref<128x48xf32, #tpu.memory_space<vmem_shared>>
      tpu.wait_dma2 semaphore(%run_scoped3A : memref<!tpu.dma_semaphore, #tpu.memory_space<semaphore_mem>>) src(%dma_wait3A_60 : memref<128x48xf32, #tpu.memory_space<vmem_shared>>) dst(%dma_wait3A_58 : memref<128x48xf32, #tpu.memory_space<hbm>>)
      tpu.yield
    }) : () -> ()
    %add3A_46 = arith.addi %mul3A_28, %add3A_44 : i32
    "tpu.region"() ({
      %run_scoped3A = tpu.sem_alloc : memref<!tpu.dma_semaphore, #tpu.memory_space<semaphore_mem>>
      %dma_start3A = arith.constant 0 : i32
      %dma_start3A_55 = tpu.memref_slice %arg7[%add3A_46, %dma_start3A] : memref<20480x16xf32, #tpu.memory_space<hbm>> -> memref<128x16xf32, #tpu.memory_space<hbm>>
      %dma_start3A_56 = arith.constant 0 : i32
      %dma_start3A_57 = tpu.memref_slice %arg17[%add3A_44, %dma_start3A_56] : memref<10240x16xf32, #tpu.memory_space<vmem_shared>> -> memref<128x16xf32, #tpu.memory_space<vmem_shared>>
      tpu.enqueue_dma source(%dma_start3A_57 : memref<128x16xf32, #tpu.memory_space<vmem_shared>>) target(%dma_start3A_55 : memref<128x16xf32, #tpu.memory_space<hbm>>) target_semaphore(%run_scoped3A : memref<!tpu.dma_semaphore, #tpu.memory_space<semaphore_mem>>)
      %dma_wait3A = arith.constant 0 : i32
      %dma_wait3A_58 = tpu.memref_slice %arg7[%add3A_46, %dma_wait3A] : memref<20480x16xf32, #tpu.memory_space<hbm>> -> memref<128x16xf32, #tpu.memory_space<hbm>>
      %dma_wait3A_59 = arith.constant 0 : i32
      %dma_wait3A_60 = tpu.memref_slice %arg17[%add3A_44, %dma_wait3A_59] : memref<10240x16xf32, #tpu.memory_space<vmem_shared>> -> memref<128x16xf32, #tpu.memory_space<vmem_shared>>
      tpu.wait_dma2 semaphore(%run_scoped3A : memref<!tpu.dma_semaphore, #tpu.memory_space<semaphore_mem>>) src(%dma_wait3A_60 : memref<128x16xf32, #tpu.memory_space<vmem_shared>>) dst(%dma_wait3A_58 : memref<128x16xf32, #tpu.memory_space<hbm>>)
      tpu.yield
    }) : () -> ()
    %add3A_47 = arith.constant 384 : i32
    %add3A_48 = arith.addi %mul3A_0, %add3A_47 : i32
    %add3A_49 = arith.addi %mul3A_28, %add3A_48 : i32
    "tpu.region"() ({
      %run_scoped3A = tpu.sem_alloc : memref<!tpu.dma_semaphore, #tpu.memory_space<semaphore_mem>>
      %dma_start3A = arith.constant 0 : i32
      %dma_start3A_55 = tpu.memref_slice %arg6[%add3A_49, %dma_start3A] : memref<20480x48xf32, #tpu.memory_space<hbm>> -> memref<128x48xf32, #tpu.memory_space<hbm>>
      %dma_start3A_56 = arith.constant 0 : i32
      %dma_start3A_57 = tpu.memref_slice %arg16[%add3A_48, %dma_start3A_56] : memref<10240x48xf32, #tpu.memory_space<vmem_shared>> -> memref<128x48xf32, #tpu.memory_space<vmem_shared>>
      tpu.enqueue_dma source(%dma_start3A_57 : memref<128x48xf32, #tpu.memory_space<vmem_shared>>) target(%dma_start3A_55 : memref<128x48xf32, #tpu.memory_space<hbm>>) target_semaphore(%run_scoped3A : memref<!tpu.dma_semaphore, #tpu.memory_space<semaphore_mem>>)
      %dma_wait3A = arith.constant 0 : i32
      %dma_wait3A_58 = tpu.memref_slice %arg6[%add3A_49, %dma_wait3A] : memref<20480x48xf32, #tpu.memory_space<hbm>> -> memref<128x48xf32, #tpu.memory_space<hbm>>
      %dma_wait3A_59 = arith.constant 0 : i32
      %dma_wait3A_60 = tpu.memref_slice %arg16[%add3A_48, %dma_wait3A_59] : memref<10240x48xf32, #tpu.memory_space<vmem_shared>> -> memref<128x48xf32, #tpu.memory_space<vmem_shared>>
      tpu.wait_dma2 semaphore(%run_scoped3A : memref<!tpu.dma_semaphore, #tpu.memory_space<semaphore_mem>>) src(%dma_wait3A_60 : memref<128x48xf32, #tpu.memory_space<vmem_shared>>) dst(%dma_wait3A_58 : memref<128x48xf32, #tpu.memory_space<hbm>>)
      tpu.yield
    }) : () -> ()
    %add3A_50 = arith.addi %mul3A_28, %add3A_48 : i32
    "tpu.region"() ({
      %run_scoped3A = tpu.sem_alloc : memref<!tpu.dma_semaphore, #tpu.memory_space<semaphore_mem>>
      %dma_start3A = arith.constant 0 : i32
      %dma_start3A_55 = tpu.memref_slice %arg7[%add3A_50, %dma_start3A] : memref<20480x16xf32, #tpu.memory_space<hbm>> -> memref<128x16xf32, #tpu.memory_space<hbm>>
      %dma_start3A_56 = arith.constant 0 : i32
      %dma_start3A_57 = tpu.memref_slice %arg17[%add3A_48, %dma_start3A_56] : memref<10240x16xf32, #tpu.memory_space<vmem_shared>> -> memref<128x16xf32, #tpu.memory_space<vmem_shared>>
      tpu.enqueue_dma source(%dma_start3A_57 : memref<128x16xf32, #tpu.memory_space<vmem_shared>>) target(%dma_start3A_55 : memref<128x16xf32, #tpu.memory_space<hbm>>) target_semaphore(%run_scoped3A : memref<!tpu.dma_semaphore, #tpu.memory_space<semaphore_mem>>)
      %dma_wait3A = arith.constant 0 : i32
      %dma_wait3A_58 = tpu.memref_slice %arg7[%add3A_50, %dma_wait3A] : memref<20480x16xf32, #tpu.memory_space<hbm>> -> memref<128x16xf32, #tpu.memory_space<hbm>>
      %dma_wait3A_59 = arith.constant 0 : i32
      %dma_wait3A_60 = tpu.memref_slice %arg17[%add3A_48, %dma_wait3A_59] : memref<10240x16xf32, #tpu.memory_space<vmem_shared>> -> memref<128x16xf32, #tpu.memory_space<vmem_shared>>
      tpu.wait_dma2 semaphore(%run_scoped3A : memref<!tpu.dma_semaphore, #tpu.memory_space<semaphore_mem>>) src(%dma_wait3A_60 : memref<128x16xf32, #tpu.memory_space<vmem_shared>>) dst(%dma_wait3A_58 : memref<128x16xf32, #tpu.memory_space<hbm>>)
      tpu.yield
    }) : () -> ()
    %add3A_51 = arith.constant 512 : i32
    %add3A_52 = arith.addi %mul3A_0, %add3A_51 : i32
    %add3A_53 = arith.addi %mul3A_28, %add3A_52 : i32
    "tpu.region"() ({
      %run_scoped3A = tpu.sem_alloc : memref<!tpu.dma_semaphore, #tpu.memory_space<semaphore_mem>>
      %dma_start3A = arith.constant 0 : i32
      %dma_start3A_55 = tpu.memref_slice %arg6[%add3A_53, %dma_start3A] : memref<20480x48xf32, #tpu.memory_space<hbm>> -> memref<128x48xf32, #tpu.memory_space<hbm>>
      %dma_start3A_56 = arith.constant 0 : i32
      %dma_start3A_57 = tpu.memref_slice %arg16[%add3A_52, %dma_start3A_56] : memref<10240x48xf32, #tpu.memory_space<vmem_shared>> -> memref<128x48xf32, #tpu.memory_space<vmem_shared>>
      tpu.enqueue_dma source(%dma_start3A_57 : memref<128x48xf32, #tpu.memory_space<vmem_shared>>) target(%dma_start3A_55 : memref<128x48xf32, #tpu.memory_space<hbm>>) target_semaphore(%run_scoped3A : memref<!tpu.dma_semaphore, #tpu.memory_space<semaphore_mem>>)
      %dma_wait3A = arith.constant 0 : i32
      %dma_wait3A_58 = tpu.memref_slice %arg6[%add3A_53, %dma_wait3A] : memref<20480x48xf32, #tpu.memory_space<hbm>> -> memref<128x48xf32, #tpu.memory_space<hbm>>
      %dma_wait3A_59 = arith.constant 0 : i32
      %dma_wait3A_60 = tpu.memref_slice %arg16[%add3A_52, %dma_wait3A_59] : memref<10240x48xf32, #tpu.memory_space<vmem_shared>> -> memref<128x48xf32, #tpu.memory_space<vmem_shared>>
      tpu.wait_dma2 semaphore(%run_scoped3A : memref<!tpu.dma_semaphore, #tpu.memory_space<semaphore_mem>>) src(%dma_wait3A_60 : memref<128x48xf32, #tpu.memory_space<vmem_shared>>) dst(%dma_wait3A_58 : memref<128x48xf32, #tpu.memory_space<hbm>>)
      tpu.yield
    }) : () -> ()
    %add3A_54 = arith.addi %mul3A_28, %add3A_52 : i32
    "tpu.region"() ({
      %run_scoped3A = tpu.sem_alloc : memref<!tpu.dma_semaphore, #tpu.memory_space<semaphore_mem>>
      %dma_start3A = arith.constant 0 : i32
      %dma_start3A_55 = tpu.memref_slice %arg7[%add3A_54, %dma_start3A] : memref<20480x16xf32, #tpu.memory_space<hbm>> -> memref<128x16xf32, #tpu.memory_space<hbm>>
      %dma_start3A_56 = arith.constant 0 : i32
      %dma_start3A_57 = tpu.memref_slice %arg17[%add3A_52, %dma_start3A_56] : memref<10240x16xf32, #tpu.memory_space<vmem_shared>> -> memref<128x16xf32, #tpu.memory_space<vmem_shared>>
      tpu.enqueue_dma source(%dma_start3A_57 : memref<128x16xf32, #tpu.memory_space<vmem_shared>>) target(%dma_start3A_55 : memref<128x16xf32, #tpu.memory_space<hbm>>) target_semaphore(%run_scoped3A : memref<!tpu.dma_semaphore, #tpu.memory_space<semaphore_mem>>)
      %dma_wait3A = arith.constant 0 : i32
      %dma_wait3A_58 = tpu.memref_slice %arg7[%add3A_54, %dma_wait3A] : memref<20480x16xf32, #tpu.memory_space<hbm>> -> memref<128x16xf32, #tpu.memory_space<hbm>>
      %dma_wait3A_59 = arith.constant 0 : i32
      %dma_wait3A_60 = tpu.memref_slice %arg17[%add3A_52, %dma_wait3A_59] : memref<10240x16xf32, #tpu.memory_space<vmem_shared>> -> memref<128x16xf32, #tpu.memory_space<vmem_shared>>
      tpu.wait_dma2 semaphore(%run_scoped3A : memref<!tpu.dma_semaphore, #tpu.memory_space<semaphore_mem>>) src(%dma_wait3A_60 : memref<128x16xf32, #tpu.memory_space<vmem_shared>>) dst(%dma_wait3A_58 : memref<128x16xf32, #tpu.memory_space<hbm>>)
      tpu.yield
    }) : () -> ()
    return
  }
}

module attributes {stable_mosaic.version = 14 : i64} {
  func.func @_tc1_body(%arg0: i32, %arg1: memref<512x128xf32, #tpu.memory_space<vmem>>, %arg2: memref<128x256xf32, #tpu.memory_space<vmem>>, %arg3: memref<256x8xf32, #tpu.memory_space<vmem>>, %arg4: memref<256x8xf32, #tpu.memory_space<vmem>>, %arg5: memref<2x512x128xf32, #tpu.memory_space<vmem>>, %arg6: memref<512x16xf32, #tpu.memory_space<vmem>>, %arg7: memref<512x16xf32, #tpu.memory_space<vmem>>) attributes {dimension_semantics = [#tpu.dimension_semantics<arbitrary>], iteration_bounds = array<i64: 20>, scalar_prefetch = 0 : i64, scratch_operands = 0 : i64, tpu.core_type = #tpu.core_type<tc>, window_params = [{transform_indices = @transform_0, window_bounds = array<i64: 512, 128>}, {pipeline_mode = #tpu.pipeline_mode<synchronous>, transform_indices = @transform_1, window_bounds = array<i64: 128, 256>}, {pipeline_mode = #tpu.pipeline_mode<synchronous>, transform_indices = @transform_2, window_bounds = array<i64: 256, 8>}, {pipeline_mode = #tpu.pipeline_mode<synchronous>, transform_indices = @transform_3, window_bounds = array<i64: 256, 8>}, {transform_indices = @transform_4, window_bounds = array<i64: 2, 512, 128>}, {transform_indices = @transform_5, window_bounds = array<i64: 512, 16>}, {transform_indices = @transform_6, window_bounds = array<i64: 512, 16>}]} {
    %get3A = arith.constant 0 : index
    %get3A_0 = arith.constant 0 : index
    %get3A_1 = vector.load %arg1[%get3A, %get3A_0] : memref<512x128xf32, #tpu.memory_space<vmem>>, vector<512x128xf32>
    %get3A_2 = arith.constant 0 : index
    %get3A_3 = arith.constant 0 : index
    %get3A_4 = vector.load %arg2[%get3A_2, %get3A_3] : memref<128x256xf32, #tpu.memory_space<vmem>>, vector<128x256xf32>
    %dot_general3A = arith.constant dense<0.000000e+00> : vector<512x256xf32>
    %dot_general3A_5 = tpu.matmul %get3A_1, %get3A_4, %dot_general3A {dimension_numbers = #tpu.dot_dimension_numbers<[1], [0], [0], [1], [0, 0, 1, 1], [], []>, transpose_lhs_hint = false} : vector<512x128xf32>, vector<128x256xf32>, vector<512x256xf32> -> vector<512x256xf32>
    %slice3A = vector.extract_strided_slice %dot_general3A_5 {offsets = [0, 0], sizes = [512, 128], strides = [1, 1]} : vector<512x256xf32> to vector<512x128xf32>
    %swap3A = arith.constant 0 : index
    %swap3A_6 = arith.constant 0 : index
    %swap3A_7 = arith.constant 0 : index
    %swap3A_8 = vector.load %arg5[%swap3A, %swap3A_6, %swap3A_7] : memref<2x512x128xf32, #tpu.memory_space<vmem>>, vector<1x512x128xf32>
    %swap3A_9 = vector.shape_cast %swap3A_8 : vector<1x512x128xf32> to vector<512x128xf32>
    %swap3A_10 = vector.shape_cast %slice3A : vector<512x128xf32> to vector<1x512x128xf32>
    tpu.vector_store %arg5[%swap3A, %swap3A_6, %swap3A_7], %swap3A_10 {strides = array<i32>} : memref<2x512x128xf32, #tpu.memory_space<vmem>>, vector<1x512x128xf32>,
    %slice3A_11 = vector.extract_strided_slice %dot_general3A_5 {offsets = [0, 128], sizes = [512, 128], strides = [1, 1]} : vector<512x256xf32> to vector<512x128xf32>
    %swap3A_12 = arith.constant 1 : index
    %swap3A_13 = arith.constant 0 : index
    %swap3A_14 = arith.constant 0 : index
    %swap3A_15 = vector.load %arg5[%swap3A_12, %swap3A_13, %swap3A_14] : memref<2x512x128xf32, #tpu.memory_space<vmem>>, vector<1x512x128xf32>
    %swap3A_16 = vector.shape_cast %swap3A_15 : vector<1x512x128xf32> to vector<512x128xf32>
    %swap3A_17 = vector.shape_cast %slice3A_11 : vector<512x128xf32> to vector<1x512x128xf32>
    tpu.vector_store %arg5[%swap3A_12, %swap3A_13, %swap3A_14], %swap3A_17 {strides = array<i32>} : memref<2x512x128xf32, #tpu.memory_space<vmem>>, vector<1x512x128xf32>,
    %get3A_18 = arith.constant 0 : index
    %get3A_19 = arith.constant 0 : index
    %get3A_20 = vector.load %arg3[%get3A_18, %get3A_19] : memref<256x8xf32, #tpu.memory_space<vmem>>, vector<256x8xf32>
    %dot_general3A_21 = arith.constant dense<0.000000e+00> : vector<512x8xf32>
    %dot_general3A_22 = tpu.matmul %dot_general3A_5, %get3A_20, %dot_general3A_21 {dimension_numbers = #tpu.dot_dimension_numbers<[1], [0], [0], [1], [0, 0, 1, 1], [], []>, transpose_lhs_hint = false} : vector<512x256xf32>, vector<256x8xf32>, vector<512x8xf32> -> vector<512x8xf32>
    %get3A_23 = arith.constant 0 : index
    %get3A_24 = arith.constant 0 : index
    %get3A_25 = vector.load %arg4[%get3A_23, %get3A_24] : memref<256x8xf32, #tpu.memory_space<vmem>>, vector<256x8xf32>
    %dot_general3A_26 = arith.constant dense<0.000000e+00> : vector<512x8xf32>
    %dot_general3A_27 = tpu.matmul %dot_general3A_5, %get3A_25, %dot_general3A_26 {dimension_numbers = #tpu.dot_dimension_numbers<[1], [0], [0], [1], [0, 0, 1, 1], [], []>, transpose_lhs_hint = false} : vector<512x256xf32>, vector<256x8xf32>, vector<512x8xf32> -> vector<512x8xf32>
    %concatenate3A = tpu.concatenate %dot_general3A_22, %dot_general3A_22 in 1 : vector<512x8xf32>, vector<512x8xf32> -> vector<512x16xf32>
    %swap3A_28 = arith.constant 0 : index
    %swap3A_29 = arith.constant 0 : index
    %swap3A_30 = vector.load %arg6[%swap3A_28, %swap3A_29] : memref<512x16xf32, #tpu.memory_space<vmem>>, vector<512x16xf32>
    tpu.vector_store %arg6[%swap3A_28, %swap3A_29], %concatenate3A {strides = array<i32>} : memref<512x16xf32, #tpu.memory_space<vmem>>, vector<512x16xf32>,
    %concatenate3A_31 = tpu.concatenate %dot_general3A_27, %dot_general3A_27 in 1 : vector<512x8xf32>, vector<512x8xf32> -> vector<512x16xf32>
    %swap3A_32 = arith.constant 0 : index
    %swap3A_33 = arith.constant 0 : index
    %swap3A_34 = vector.load %arg7[%swap3A_32, %swap3A_33] : memref<512x16xf32, #tpu.memory_space<vmem>>, vector<512x16xf32>
    tpu.vector_store %arg7[%swap3A_32, %swap3A_33], %concatenate3A_31 {strides = array<i32>} : memref<512x16xf32, #tpu.memory_space<vmem>>, vector<512x16xf32>,
    return
  }
  func.func @transform_0(%arg0: i32) -> (i32, i32) {
    %c0_i32 = arith.constant 0 : i32
    %c0_i32_0 = arith.constant 0 : i32
    return %arg0, %c0_i32 : i32, i32
  }
  func.func @transform_1(%arg0: i32) -> (i32, i32) {
    %c0_i32 = arith.constant 0 : i32
    %c0_i32_0 = arith.constant 0 : i32
    %c0_i32_1 = arith.constant 0 : i32
    return %c0_i32, %c0_i32_0 : i32, i32
  }
  func.func @transform_2(%arg0: i32) -> (i32, i32) {
    %c0_i32 = arith.constant 0 : i32
    %c0_i32_0 = arith.constant 0 : i32
    %c0_i32_1 = arith.constant 0 : i32
    return %c0_i32, %c0_i32_0 : i32, i32
  }
  func.func @transform_3(%arg0: i32) -> (i32, i32) {
    %c0_i32 = arith.constant 0 : i32
    %c0_i32_0 = arith.constant 0 : i32
    %c0_i32_1 = arith.constant 0 : i32
    return %c0_i32, %c0_i32_0 : i32, i32
  }
  func.func @transform_4(%arg0: i32) -> (i32, i32, i32) {
    %c0_i32 = arith.constant 0 : i32
    %c0_i32_0 = arith.constant 0 : i32
    %c0_i32_1 = arith.constant 0 : i32
    return %c0_i32, %arg0, %c0_i32_0 : i32, i32, i32
  }
  func.func @transform_5(%arg0: i32) -> (i32, i32) {
    %c0_i32 = arith.constant 0 : i32
    %c0_i32_0 = arith.constant 0 : i32
    return %arg0, %c0_i32 : i32, i32
  }
  func.func @transform_6(%arg0: i32) -> (i32, i32) {
    %c0_i32 = arith.constant 0 : i32
    %c0_i32_0 = arith.constant 0 : i32
    return %arg0, %c0_i32 : i32, i32
  }
}

module attributes {stable_mosaic.version = 14 : i64} {
  func.func @_tc2_body(%arg0: i32, %arg1: memref<2x512x128xf32, #tpu.memory_space<vmem>>, %arg2: memref<512x16xf32, #tpu.memory_space<vmem>>, %arg3: memref<8x256xf32, #tpu.memory_space<vmem>>, %arg4: memref<256x48xf32, #tpu.memory_space<vmem>>, %arg5: memref<48x1xf32, #tpu.memory_space<vmem>>, %arg6: memref<48x1xf32, #tpu.memory_space<vmem>>, %arg7: memref<1x256xf32, #tpu.memory_space<vmem>>, %arg8: memref<512x48xf32, #tpu.memory_space<vmem>>, %arg9: memref<512x16xf32, #tpu.memory_space<vmem>>, %arg10: memref<512x16xf32, #tpu.memory_space<vmem>>) attributes {dimension_semantics = [#tpu.dimension_semantics<arbitrary>], iteration_bounds = array<i64: 20>, scalar_prefetch = 0 : i64, scratch_operands = 0 : i64, tpu.core_type = #tpu.core_type<tc>, window_params = [{transform_indices = @transform_0, window_bounds = array<i64: 2, 512, 128>}, {transform_indices = @transform_1, window_bounds = array<i64: 512, 16>}, {pipeline_mode = #tpu.pipeline_mode<synchronous>, transform_indices = @transform_2, window_bounds = array<i64: 8, 256>}, {pipeline_mode = #tpu.pipeline_mode<synchronous>, transform_indices = @transform_3, window_bounds = array<i64: 256, 48>}, {pipeline_mode = #tpu.pipeline_mode<synchronous>, transform_indices = @transform_4, window_bounds = array<i64: 48, 1>}, {pipeline_mode = #tpu.pipeline_mode<synchronous>, transform_indices = @transform_5, window_bounds = array<i64: 48, 1>}, {pipeline_mode = #tpu.pipeline_mode<synchronous>, transform_indices = @transform_6, window_bounds = array<i64: 1, 256>}, {transform_indices = @transform_7, window_bounds = array<i64: 512, 48>}, {transform_indices = @transform_8, window_bounds = array<i64: 512, 16>}, {transform_indices = @transform_9, window_bounds = array<i64: 512, 16>}]} {
    %get3A = arith.constant 0 : index
    %get3A_0 = arith.constant 0 : index
    %get3A_1 = arith.constant 0 : index
    %get3A_2 = vector.load %arg1[%get3A, %get3A_0, %get3A_1] : memref<2x512x128xf32, #tpu.memory_space<vmem>>, vector<1x512x128xf32>
    %get3A_3 = vector.shape_cast %get3A_2 : vector<1x512x128xf32> to vector<512x128xf32>
    %get3A_4 = arith.constant 1 : index
    %get3A_5 = arith.constant 0 : index
    %get3A_6 = arith.constant 0 : index
    %get3A_7 = vector.load %arg1[%get3A_4, %get3A_5, %get3A_6] : memref<2x512x128xf32, #tpu.memory_space<vmem>>, vector<1x512x128xf32>
    %get3A_8 = vector.shape_cast %get3A_7 : vector<1x512x128xf32> to vector<512x128xf32>
    %concatenate3A = tpu.concatenate %get3A_3, %get3A_8 in 1 : vector<512x128xf32>, vector<512x128xf32> -> vector<512x256xf32>
    %get3A_9 = arith.constant 0 : index
    %get3A_10 = arith.constant 0 : index
    %get3A_11 = vector.load %arg2[%get3A_9, %get3A_10] : memref<512x16xf32, #tpu.memory_space<vmem>>, vector<512x16xf32>
    %slice3A = vector.extract_strided_slice %get3A_11 {offsets = [0, 0], sizes = [512, 8], strides = [1, 1]} : vector<512x16xf32> to vector<512x8xf32>
    %get3A_12 = arith.constant 0 : index
    %get3A_13 = arith.constant 0 : index
    %get3A_14 = vector.load %arg3[%get3A_12, %get3A_13] : memref<8x256xf32, #tpu.memory_space<vmem>>, vector<8x256xf32>
    %dot_general3A = arith.constant dense<0.000000e+00> : vector<512x256xf32>
    %dot_general3A_15 = tpu.matmul %slice3A, %get3A_14, %dot_general3A {dimension_numbers = #tpu.dot_dimension_numbers<[1], [0], [0], [1], [0, 0, 1, 1], [], []>, transpose_lhs_hint = false} : vector<512x8xf32>, vector<8x256xf32>, vector<512x256xf32> -> vector<512x256xf32>
    %add3A = arith.constant 1.000000e-16 : f32
    %add3A_16 = vector.broadcast %add3A : f32 to vector<512x256xf32>
    %add3A_17 = arith.addf %dot_general3A_15, %add3A_16 : vector<512x256xf32>
    %div3A = arith.divf %concatenate3A, %add3A_17 : vector<512x256xf32>
    %get3A_18 = arith.constant 0 : index
    %get3A_19 = arith.constant 0 : index
    %get3A_20 = vector.load %arg7[%get3A_18, %get3A_19] : memref<1x256xf32, #tpu.memory_space<vmem>>, vector<1x256xf32>
    %add3A_21 = vector.broadcast %get3A_20 : vector<1x256xf32> to vector<512x256xf32>
    %add3A_22 = arith.addf %div3A, %add3A_21 : vector<512x256xf32>
    %max3A = arith.constant 0.000000e+00 : f32
    %max3A_23 = vector.broadcast %max3A : f32 to vector<512x256xf32>
    %max3A_24 = arith.maximumf %add3A_22, %max3A_23 : vector<512x256xf32>
    %get3A_25 = arith.constant 0 : index
    %get3A_26 = arith.constant 0 : index
    %get3A_27 = vector.load %arg4[%get3A_25, %get3A_26] : memref<256x48xf32, #tpu.memory_space<vmem>>, vector<256x48xf32>
    %dot_general3A_28 = arith.constant dense<0.000000e+00> : vector<512x48xf32>
    %dot_general3A_29 = tpu.matmul %max3A_24, %get3A_27, %dot_general3A_28 {dimension_numbers = #tpu.dot_dimension_numbers<[1], [0], [0], [1], [0, 0, 1, 1], [], []>, transpose_lhs_hint = false} : vector<512x256xf32>, vector<256x48xf32>, vector<512x48xf32> -> vector<512x48xf32>
    %swap3A = arith.constant 0 : index
    %swap3A_30 = arith.constant 0 : index
    %swap3A_31 = vector.load %arg8[%swap3A, %swap3A_30] : memref<512x48xf32, #tpu.memory_space<vmem>>, vector<512x48xf32>
    tpu.vector_store %arg8[%swap3A, %swap3A_30], %dot_general3A_29 {strides = array<i32>} : memref<512x48xf32, #tpu.memory_space<vmem>>, vector<512x48xf32>,
    %get3A_32 = arith.constant 0 : index
    %get3A_33 = arith.constant 0 : index
    %get3A_34 = vector.load %arg5[%get3A_32, %get3A_33] : memref<48x1xf32, #tpu.memory_space<vmem>>, vector<48x1xf32>
    %dot_general3A_35 = arith.constant dense<0.000000e+00> : vector<512x1xf32>
    %dot_general3A_36 = tpu.matmul %dot_general3A_29, %get3A_34, %dot_general3A_35 {dimension_numbers = #tpu.dot_dimension_numbers<[1], [0], [0], [1], [0, 0, 1, 1], [], []>, transpose_lhs_hint = false} : vector<512x48xf32>, vector<48x1xf32>, vector<512x1xf32> -> vector<512x1xf32>
    %get3A_37 = arith.constant 0 : index
    %get3A_38 = arith.constant 0 : index
    %get3A_39 = vector.load %arg6[%get3A_37, %get3A_38] : memref<48x1xf32, #tpu.memory_space<vmem>>, vector<48x1xf32>
    %dot_general3A_40 = arith.constant dense<0.000000e+00> : vector<512x1xf32>
    %dot_general3A_41 = tpu.matmul %dot_general3A_29, %get3A_39, %dot_general3A_40 {dimension_numbers = #tpu.dot_dimension_numbers<[1], [0], [0], [1], [0, 0, 1, 1], [], []>, transpose_lhs_hint = false} : vector<512x48xf32>, vector<48x1xf32>, vector<512x1xf32> -> vector<512x1xf32>
    %broadcast_in_dim3A = vector.shape_cast %dot_general3A_36 : vector<512x1xf32> to vector<512x1xf32>
    %broadcast_in_dim3A_42 = vector.broadcast %broadcast_in_dim3A : vector<512x1xf32> to vector<512x16xf32>
    %swap3A_43 = arith.constant 0 : index
    %swap3A_44 = arith.constant 0 : index
    %swap3A_45 = vector.load %arg9[%swap3A_43, %swap3A_44] : memref<512x16xf32, #tpu.memory_space<vmem>>, vector<512x16xf32>
    tpu.vector_store %arg9[%swap3A_43, %swap3A_44], %broadcast_in_dim3A_42 {strides = array<i32>} : memref<512x16xf32, #tpu.memory_space<vmem>>, vector<512x16xf32>,
    %broadcast_in_dim3A_46 = vector.shape_cast %dot_general3A_41 : vector<512x1xf32> to vector<512x1xf32>
    %broadcast_in_dim3A_47 = vector.broadcast %broadcast_in_dim3A_46 : vector<512x1xf32> to vector<512x16xf32>
    %swap3A_48 = arith.constant 0 : index
    %swap3A_49 = arith.constant 0 : index
    %swap3A_50 = vector.load %arg10[%swap3A_48, %swap3A_49] : memref<512x16xf32, #tpu.memory_space<vmem>>, vector<512x16xf32>
    tpu.vector_store %arg10[%swap3A_48, %swap3A_49], %broadcast_in_dim3A_47 {strides = array<i32>} : memref<512x16xf32, #tpu.memory_space<vmem>>, vector<512x16xf32>,
    return
  }
  func.func @transform_0(%arg0: i32) -> (i32, i32, i32) {
    %c0_i32 = arith.constant 0 : i32
    %c0_i32_0 = arith.constant 0 : i32
    %c0_i32_1 = arith.constant 0 : i32
    return %c0_i32, %arg0, %c0_i32_0 : i32, i32, i32
  }
  func.func @transform_1(%arg0: i32) -> (i32, i32) {
    %c0_i32 = arith.constant 0 : i32
    %c0_i32_0 = arith.constant 0 : i32
    return %arg0, %c0_i32 : i32, i32
  }
  func.func @transform_2(%arg0: i32) -> (i32, i32) {
    %c0_i32 = arith.constant 0 : i32
    %c0_i32_0 = arith.constant 0 : i32
    %c0_i32_1 = arith.constant 0 : i32
    return %c0_i32, %c0_i32_0 : i32, i32
  }
  func.func @transform_3(%arg0: i32) -> (i32, i32) {
    %c0_i32 = arith.constant 0 : i32
    %c0_i32_0 = arith.constant 0 : i32
    %c0_i32_1 = arith.constant 0 : i32
    return %c0_i32, %c0_i32_0 : i32, i32
  }
  func.func @transform_4(%arg0: i32) -> (i32, i32) {
    %c0_i32 = arith.constant 0 : i32
    %c0_i32_0 = arith.constant 0 : i32
    %c0_i32_1 = arith.constant 0 : i32
    return %c0_i32, %c0_i32_0 : i32, i32
  }
  func.func @transform_5(%arg0: i32) -> (i32, i32) {
    %c0_i32 = arith.constant 0 : i32
    %c0_i32_0 = arith.constant 0 : i32
    %c0_i32_1 = arith.constant 0 : i32
    return %c0_i32, %c0_i32_0 : i32, i32
  }
  func.func @transform_6(%arg0: i32) -> (i32, i32) {
    %c0_i32 = arith.constant 0 : i32
    %c0_i32_0 = arith.constant 0 : i32
    %c0_i32_1 = arith.constant 0 : i32
    return %c0_i32, %c0_i32_0 : i32, i32
  }
  func.func @transform_7(%arg0: i32) -> (i32, i32) {
    %c0_i32 = arith.constant 0 : i32
    %c0_i32_0 = arith.constant 0 : i32
    return %arg0, %c0_i32 : i32, i32
  }
  func.func @transform_8(%arg0: i32) -> (i32, i32) {
    %c0_i32 = arith.constant 0 : i32
    %c0_i32_0 = arith.constant 0 : i32
    return %arg0, %c0_i32 : i32, i32
  }
  func.func @transform_9(%arg0: i32) -> (i32, i32) {
    %c0_i32 = arith.constant 0 : i32
    %c0_i32_0 = arith.constant 0 : i32
    return %arg0, %c0_i32 : i32, i32
  }
}

module attributes {stable_mosaic.version = 14 : i64} {
  func.func @_tc3_body(%arg0: i32, %arg1: memref<2x512x48xf32, #tpu.memory_space<vmem>>, %arg2: memref<2x512x16xf32, #tpu.memory_space<vmem>>, %arg3: memref<1x48xf32, #tpu.memory_space<vmem>>, %arg4: memref<512x48xf32, #tpu.memory_space<vmem>>) attributes {dimension_semantics = [#tpu.dimension_semantics<arbitrary>], iteration_bounds = array<i64: 20>, scalar_prefetch = 0 : i64, scratch_operands = 0 : i64, tpu.core_type = #tpu.core_type<tc>, window_params = [{transform_indices = @transform_0, window_bounds = array<i64: 2, 512, 48>}, {transform_indices = @transform_1, window_bounds = array<i64: 2, 512, 16>}, {pipeline_mode = #tpu.pipeline_mode<synchronous>, transform_indices = @transform_2, window_bounds = array<i64: 1, 48>}, {transform_indices = @transform_3, window_bounds = array<i64: 512, 48>}]} {
    %get3A = arith.constant 0 : index
    %get3A_0 = arith.constant 0 : index
    %get3A_1 = arith.constant 0 : index
    %get3A_2 = vector.load %arg1[%get3A, %get3A_0, %get3A_1] : memref<2x512x48xf32, #tpu.memory_space<vmem>>, vector<1x512x48xf32>
    %get3A_3 = vector.shape_cast %get3A_2 : vector<1x512x48xf32> to vector<512x48xf32>
    %get3A_4 = arith.constant 1 : index
    %get3A_5 = arith.constant 0 : index
    %get3A_6 = arith.constant 0 : index
    %get3A_7 = vector.load %arg1[%get3A_4, %get3A_5, %get3A_6] : memref<2x512x48xf32, #tpu.memory_space<vmem>>, vector<1x512x48xf32>
    %get3A_8 = vector.shape_cast %get3A_7 : vector<1x512x48xf32> to vector<512x48xf32>
    %add3A = arith.addf %get3A_3, %get3A_8 : vector<512x48xf32>
    %get3A_9 = arith.constant 0 : index
    %get3A_10 = arith.constant 0 : index
    %get3A_11 = arith.constant 0 : index
    %get3A_12 = vector.load %arg2[%get3A_9, %get3A_10, %get3A_11] : memref<2x512x16xf32, #tpu.memory_space<vmem>>, vector<1x512x1xf32>
    %get3A_13 = vector.shape_cast %get3A_12 : vector<1x512x1xf32> to vector<512x1xf32>
    %get3A_14 = arith.constant 1 : index
    %get3A_15 = arith.constant 0 : index
    %get3A_16 = arith.constant 0 : index
    %get3A_17 = vector.load %arg2[%get3A_14, %get3A_15, %get3A_16] : memref<2x512x16xf32, #tpu.memory_space<vmem>>, vector<1x512x1xf32>
    %get3A_18 = vector.shape_cast %get3A_17 : vector<1x512x1xf32> to vector<512x1xf32>
    %add3A_19 = arith.addf %get3A_13, %get3A_18 : vector<512x1xf32>
    %add3A_20 = arith.constant 1.000000e-16 : f32
    %add3A_21 = vector.broadcast %add3A_20 : f32 to vector<512x1xf32>
    %add3A_22 = arith.addf %add3A_19, %add3A_21 : vector<512x1xf32>
    %div3A = vector.broadcast %add3A_22 : vector<512x1xf32> to vector<512x48xf32>
    %div3A_23 = arith.divf %add3A, %div3A : vector<512x48xf32>
    %get3A_24 = arith.constant 0 : index
    %get3A_25 = arith.constant 0 : index
    %get3A_26 = vector.load %arg3[%get3A_24, %get3A_25] : memref<1x48xf32, #tpu.memory_space<vmem>>, vector<1x48xf32>
    %add3A_27 = vector.broadcast %get3A_26 : vector<1x48xf32> to vector<512x48xf32>
    %add3A_28 = arith.addf %div3A_23, %add3A_27 : vector<512x48xf32>
    %iota3A = tpu.iota {dimensions = array<i32: 1>} : vector<512x48xi32>
    %lt3A = arith.constant 42 : i32
    %lt3A_29 = vector.broadcast %lt3A : i32 to vector<512x48xi32>
    %lt3A_30 = arith.cmpi slt, %iota3A, %lt3A_29 : vector<512x48xi32>
    %jit3A = arith.constant -1.000000e+30 : f32
    %broadcast_in_dim3A = vector.broadcast %jit3A : f32 to vector<512x48xf32>
    %select_n3A = arith.select %lt3A_30, %add3A_28, %broadcast_in_dim3A : vector<512x48xi1>, vector<512x48xf32>
    %reduce_max3A = arith.constant dense<0xFF800000> : vector<512xf32>
    %reduce_max3A_31 = vector.multi_reduction <maximumf>, %select_n3A, %reduce_max3A [1] : vector<512x48xf32> to vector<512xf32>
    %broadcast_in_dim3A_32 = vector.shape_cast %reduce_max3A_31 : vector<512xf32> to vector<512x1xf32>
    %sub3A = vector.broadcast %broadcast_in_dim3A_32 : vector<512x1xf32> to vector<512x48xf32>
    %sub3A_33 = arith.subf %add3A_28, %sub3A : vector<512x48xf32>
    %exp3A = math.exp %sub3A_33 : vector<512x48xf32>
    %jit3A_34 = arith.constant 0.000000e+00 : f32
    %broadcast_in_dim3A_35 = vector.broadcast %jit3A_34 : f32 to vector<512x48xf32>
    %select_n3A_36 = arith.select %lt3A_30, %exp3A, %broadcast_in_dim3A_35 : vector<512x48xi1>, vector<512x48xf32>
    %reduce_sum3A = arith.constant dense<0.000000e+00> : vector<512xf32>
    %reduce_sum3A_37 = vector.multi_reduction <add>, %select_n3A_36, %reduce_sum3A [1] : vector<512x48xf32> to vector<512xf32>
    %broadcast_in_dim3A_38 = vector.shape_cast %reduce_sum3A_37 : vector<512xf32> to vector<512x1xf32>
    %log3A = math.log %broadcast_in_dim3A_38 : vector<512x1xf32>
    %add3A_39 = arith.addf %broadcast_in_dim3A_32, %log3A : vector<512x1xf32>
    %sub3A_40 = vector.broadcast %add3A_39 : vector<512x1xf32> to vector<512x48xf32>
    %sub3A_41 = arith.subf %add3A_28, %sub3A_40 : vector<512x48xf32>
    %swap3A = arith.constant 0 : index
    %swap3A_42 = arith.constant 0 : index
    %swap3A_43 = vector.load %arg4[%swap3A, %swap3A_42] : memref<512x48xf32, #tpu.memory_space<vmem>>, vector<512x48xf32>
    tpu.vector_store %arg4[%swap3A, %swap3A_42], %sub3A_41 {strides = array<i32>} : memref<512x48xf32, #tpu.memory_space<vmem>>, vector<512x48xf32>,
    return
  }
  func.func @transform_0(%arg0: i32) -> (i32, i32, i32) {
    %c0_i32 = arith.constant 0 : i32
    %c0_i32_0 = arith.constant 0 : i32
    %c0_i32_1 = arith.constant 0 : i32
    return %c0_i32, %arg0, %c0_i32_0 : i32, i32, i32
  }
  func.func @transform_1(%arg0: i32) -> (i32, i32, i32) {
    %c0_i32 = arith.constant 0 : i32
    %c0_i32_0 = arith.constant 0 : i32
    %c0_i32_1 = arith.constant 0 : i32
    return %c0_i32, %arg0, %c0_i32_0 : i32, i32, i32
  }
  func.func @transform_2(%arg0: i32) -> (i32, i32) {
    %c0_i32 = arith.constant 0 : i32
    %c0_i32_0 = arith.constant 0 : i32
    %c0_i32_1 = arith.constant 0 : i32
    return %c0_i32, %c0_i32_0 : i32, i32
  }
  func.func @transform_3(%arg0: i32) -> (i32, i32) {
    %c0_i32 = arith.constant 0 : i32
    %c0_i32_0 = arith.constant 0 : i32
    return %arg0, %c0_i32 : i32, i32
  }
}

</mosaic_0001>

<sc_bundles>
// kernel: kernel.10.cloned.1.call-start
scs
__scs_entry_jumppad:
0x0: {  	(pc) =	sbr.rel $0x88, $3  }
0x1: {  	(tag) =	ssettag $0x0;
	lr =	simm.s32 $0x1  }
0x2: {  	[smem:$0x3F97] =	sst lr;
	_ =	strace $0xD0000000  }
0x3: {  	_ = 	snop  }
0x4: {  	_ = 	snop  }
0x5: {  	_ = 	snop  }
0x6: {  	_ = 	snop  }
0x7: {  	_ = 	snop  }
__scs_overlays_trampoline_lowered:
0x8: {  	[smem:$0x3FA6] =	sst s0  }
0x9: {  	[smem:$0x3FA7] =	sst s1  }
0xa: {  	[smem:$0x3FA8] =	sst s2  }
0xb: {  	[smem:$0x3FA9] =	sst s3  }
0xc: {  	[smem:$0x3FAA] =	sst s4  }
0xd: {  	[smem:$0x3FAB] =	sst s5  }
0xe: {  	[smem:$0x3FAC] =	sst s6  }
0xf: {  	[smem:$0x3FAD] =	sst s7  }
0x10: {  	[smem:$0x3FAE] =	sst s8  }
0x11: {  	[smem:$0x3FAF] =	sst s9;
	s0 =	simm.s32 @!p0 $0x0  }
0x12: {  	s1 =	sld [smem:$0x3F95];
	s0 =	simm.s32 @p0 $0x1  }
0x13: {  	[smem:$0x3FB0] =	sst s0;
	s0 =	simm.s32 @!p1 $0x0  }
0x14: {  	s2 =	sld [smem:$0x3F94];
	s0 =	simm.s32 @p1 $0x1  }
0x15: {  	[smem:$0x3FB1] =	sst s0;
	s0 =	simm.s32 @!p2 $0x0  }
0x16: {  	s3 =	sld [smem:$0x3FDB];
	s0 =	simm.s32 @p2 $0x1  }
0x17: {  	s4 =	simm.s32 $0x1BF5;
	[smem:$0x3FB3] =	sst s0  }
0x18: {  	s0 =	sld [smem:$0x3F96];
	_ =	swait.ge [sflag:s4], $0x0  }
0x19: {  	s7 =	sld [smem:$0x3F97]  }
0x1a: {  	s8 =	sadd.s32 $0xFFFFE003, lr  }
0x1b: {  	s9 =	sadd.s32 $0xFFFFFEF7, lr;
	s5 =	simm.s32 $0xFFFFFFFF;
	p2 =	slt.u32 s8, $0xFFFFF086  }
0x1c: {  	p1 =	slt.u32 s9, $0xF7A;
	s5 =	simm.s32 @!p2 $0x0  }
0x1d: {  	s5 =	simm.s32 @p1 $0x1;
	p0 =	seq.s32 s7, s2  }
0x1e: {  	s7 =	smul.u32 @!p0 $0xF7A, s2;
	p2 =	seq.s32 @!p0 s5, $0x0  }
0x1f: {  	s9 =	smul.u32 $0xF7A, s1;
	s8 =	simm.s32 @!p0 $0x1BF5;
	p2 =	por !p2, p0  }
0x20: {  	[sflag:s8] =	ssyncset.s32 @!p0 $0xFFFFF086;
	s6 =	sadd.s32 @!p0 s3, s7;
	s7 =	simm.s32 @!p0 $0x108  }
0x21: {  	s3 =	sadd.s32 s3, s9;
	s6 =	sadd.s32 @!p0 $0x88, s6;
	s7 =	simm.s32 @p2 $0x1082  }
0x22: {  	[simem:s7], [sflag:s8] =	dma.local @!p0 [hbm:s6], $0xF7A  }
0x23: {  	s9 =	sor.u32 $0xD0000000, s2;
	s6 =	simm.s32 $0x108;
	_ =	swait.ge @!p0 [sflag:s8], $0x0  }
0x24: {  	s3 =	sadd.s32 $0x88, s3;
	s6 =	simm.s32 @!p1 $0x1082;
	[sflag:s4] =	ssyncset.s32 $0xFFFFF086  }
0x25: {  	[simem:s6], [sflag:s4] =	dma.local [hbm:s3], $0xF7A  }
0x26: {  	[smem:$0x3F97] =	sst s1;
	(tag) =	ssettag s2;
	_ =	strace s9  }
0x27: {  	s1 =	sld [smem:$0x3FA7]  }
0x28: {  	s2 =	sld [smem:$0x3FA8]  }
0x29: {  	s4 =	sld [smem:$0x3FAA]  }
0x2a: {  	p0 =	seq.s32 s5, $0x0;
	s5 =	sld [smem:$0x3FAB]  }
0x2b: {  	s6 =	sld [smem:$0x3FAC]  }
0x2c: {  	s7 =	sld [smem:$0x3FAD]  }
0x2d: {  	s3 =	simm.s32 $0x108;
	s8 =	sld [smem:$0x3FAE]  }
0x2e: {  	s3 =	simm.s32 @!p0 $0x1082;
	s9 =	sld [smem:$0x3FAF]  }
0x2f: {  	lr =	sadd.s32 s0, s3;
	s0 =	sld [smem:$0x3FA6]  }
0x30: {  	s3 =	sld [smem:$0x3FA9]  }
0x31: {  	[smem:$0x3FB2] =	sst s10  }
0x32: {  	s10 =	sld [smem:$0x3FB0];
	_ =	sdelay $0x3  }
0x33: {  	p0 =	seq.s32 s10, $0x1;
	s10 =	sld [smem:$0x3FB2];
	_ =	sdelay $0x3  }
0x34: {  	[smem:$0x3FB2] =	sst s10  }
0x35: {  	s10 =	sld [smem:$0x3FB1];
	_ =	sdelay $0x3  }
0x36: {  	p1 =	seq.s32 s10, $0x1;
	s10 =	sld [smem:$0x3FB2];
	_ =	sdelay $0x3  }
0x37: {  	[smem:$0x3FB2] =	sst s10  }
0x38: {  	s10 =	sld [smem:$0x3FB3]  }
0x39: {  	_ = 	snop;
	(pc) =	sbr.ind lr, $3  }
0x3a: {  	_ = 	snop  }
0x3b: {  	_ = 	snop  }
0x3c: {  	p2 =	seq.s32 s10, $0x1;
	s10 =	sld [smem:$0x3FB2]  }
0x3d: {  	_ =	shalt  }
0x3e: {  	_ =	shalt  }
0x3f: {  	_ =	shalt  }
0x40: {  	_ =	shalt  }
0x41: {  	_ =	shalt  }
0x42: {  	_ =	shalt  }
0x43: {  	_ =	shalt  }
0x44: {  	_ =	shalt  }
0x45: {  	_ =	shalt  }
0x46: {  	_ =	shalt  }
0x47: {  	_ =	shalt  }
0x48: {  	_ =	shalt  }
0x49: {  	_ =	shalt  }
0x4a: {  	_ =	shalt  }
0x4b: {  	_ =	shalt  }
0x4c: {  	_ =	shalt  }
0x4d: {  	_ =	shalt  }
0x4e: {  	_ =	shalt  }
0x4f: {  	_ =	shalt  }
0x50: {  	_ =	shalt  }
0x51: {  	_ =	shalt  }
0x52: {  	_ =	shalt  }
0x53: {  	_ =	shalt  }
0x54: {  	_ =	shalt  }
0x55: {  	_ =	shalt  }
0x56: {  	_ =	shalt  }
0x57: {  	_ =	shalt  }
0x58: {  	_ =	shalt  }
0x59: {  	_ =	shalt  }
0x5a: {  	_ =	shalt  }
0x5b: {  	_ =	shalt  }
0x5c: {  	_ =	shalt  }
0x5d: {  	_ =	shalt  }
0x5e: {  	_ =	shalt  }
0x5f: {  	_ =	shalt  }
0x60: {  	_ =	shalt  }
0x61: {  	_ =	shalt  }
0x62: {  	_ =	shalt  }
0x63: {  	_ =	shalt  }
0x64: {  	_ =	shalt  }
0x65: {  	_ =	shalt  }
0x66: {  	_ =	shalt  }
0x67: {  	_ =	shalt  }
0x68: {  	_ =	shalt  }
0x69: {  	_ =	shalt  }
0x6a: {  	_ =	shalt  }
0x6b: {  	_ =	shalt  }
0x6c: {  	_ =	shalt  }
0x6d: {  	_ =	shalt  }
0x6e: {  	_ =	shalt  }
0x6f: {  	_ =	shalt  }
0x70: {  	_ =	shalt  }
0x71: {  	_ =	shalt  }
0x72: {  	_ =	shalt  }
0x73: {  	_ =	shalt  }
0x74: {  	_ =	shalt  }
0x75: {  	_ =	shalt  }
0x76: {  	_ =	shalt  }
0x77: {  	_ =	shalt  }
0x78: {  	_ =	shalt  }
0x79: {  	_ =	shalt  }
0x7a: {  	_ =	shalt  }
0x7b: {  	_ =	shalt  }
0x7c: {  	_ =	shalt  }
0x7d: {  	_ =	shalt  }
0x7e: {  	_ =	shalt  }
0x7f: {  	_ =	shalt  }
0x80: {  	_ =	shalt  }
0x81: {  	_ =	shalt  }
0x82: {  	_ =	shalt  }
0x83: {  	_ =	shalt  }
0x84: {  	_ =	shalt  }
0x85: {  	_ =	shalt  }
0x86: {  	_ =	shalt  }
0x87: {  	_ =	shalt  }
.Lfunc_end0:
.L_simem_size_0:
called_computation.1_lowered:
.L_overlay_start_0:
0x88: {  	s2 =	sld [smem:$0x3FD9]  }
0x89: {  	s3 =	sld [smem:$0x3FFE];
	_ =	sdelay $0x1  }
0x8a: {  	s1 =	srdreg.scid  }
0x8b: {  	s0 =	sand.u32 $0x1, s1  }
0x8c: {  	s17 =	sshll.u32 s0, $0xA;
	s2 =	sadd.s32 s3, s2  }
0x8d: {  	s2 =	sadd.s32 s2, s17  }
0x8e: {  	[smem:$0x3FBE] =	sst s2  }
0x8f: {  	_ = 	snop  }
0x90: {  	s2 =	sld [smem:$0x3FD0];
	(tm) =	ssettm $0x1  }
0x91: {  	s18 =	sld [smem:$0x3FFB];
	_ =	sdelay $0x3  }
0x92: {  	_ =	strace s18  }
0x93: {  	s3 =	sld [smem:$0x3FFC];
	_ =	sdelay $0x3  }
0x94: {  	_ =	strace s3  }
0x95: {  	s3 =	sld [smem:$0x3FFD];
	_ =	sdelay $0x3  }
0x96: {  	_ =	strace s3  }
0x97: {  	_ =	strace $0x8FFFFFFF  }
0x98: {  	s19 =	sld [smem:$0x3FDB];
	_ =	sdelay $0x1  }
0x99: {  	s4 =	simm.s32 $_scs_section_size  }
0x9a: {  	s5 =	simm.s32 $_size__tile_overlayer_lowered;
	s6 =	simm.s32 $_tile_overlayer_lowered  }
0x9b: {  	s22 =	simm.s32 $0x1BFF;
	s21 =	sshll.u32 s6, $0x1;
	s3 =	sadd.s32 s4, s19  }
0x9c: {  	s7 =	simm.s32 $0x0;
	s20 =	sshll.u32 s5, $0x1;
	s5 =	sadd.s32 s21, s3  }
0x9d: {  	[timem:s7], [sflag:s22] =	dma.local [hbm:s5], s20  }
0x9e: {  	_ =	swait.ge [sflag:s22], s20  }
0x9f: {  	s4 =	ssub.s32 $0x0, s20;
	[sflag:s22] =	ssyncset.done $0x0  }
0xa0: {  	[sflag:s22] =	ssyncadd.s32 s4;
	_ =	sdelay $0x1  }
0xa1: {  	s23 =	simm.s32 $0x1B8B  }
0xa2: {  	_ =	swait.ge [sflag:s23], $0x1  }
0xa3: {  	[sflag:s23] =	ssyncset.done $0x0  }
0xa4: {  	s25 =	simm.s32 $0x1B8E;
	s24 =	sld [smem:$0x3FFE];
	[sflag:s23] =	ssyncadd.s32 $0xFFFFFFFF  }
0xa5: {  	s26 =	simm.s32 $execute0_lowered;
	[smem:$0x3FD2] =	sst s25  }
0xa6: {  	s5 =	sshll.u32 s26, $0x1;
	_ =	strace $0x80000049;
	[dreg:$0x1] =	wrdreg $0xFFFFFFFF  }
0xa7: {  	s28 =	simm.s32 $_size_execute0_lowered;
	s3 =	sadd.s32 s3, s5;
	[dreg:$0x0] =	wrdreg $0x0  }
0xa8: {  	s5 =	sshll.u32 s28, $0x1;
	[dreg:$0x2] =	wrdreg s3  }
0xa9: {  	[dreg:$0x3] =	wrdreg s5  }
0xaa: {  	[dreg:$0x4] =	wrdreg $0xC0  }
0xab: {  	_ =	task [dreg:s7], $0x5FFFF  }
0xac: {  	[dreg:$0x1] =	wrdreg $0xFFFFFFFF  }
0xad: {  	[dreg:$0x0] =	wrdreg $0x60  }
0xae: {  	[dreg:$0x2] =	wrdreg s24  }
0xaf: {  	[dreg:$0x3] =	wrdreg s2  }
0xb0: {  	[dreg:$0x4] =	wrdreg $0x51800  }
0xb1: {  	[dreg:$0x5] =	wrdreg $0xC9800  }
0xb2: {  	[dreg:$0x6] =	wrdreg $0x9  }
0xb3: {  	_ =	task.clear_ibuf [dreg:s7], $0x7FFFF;
	_ =	strace $0x90000049  }
0xb4: {  	s29 =	simm.s32 $0x9;
	_ =	strace $0x8000004B  }
0xb5: {  	_ =	swait.ge [sflag:s29], $0x1  }
0xb6: {  	[sflag:s29] =	ssyncadd.s32 $0xFFFFFFFF  }
0xb7: {  	_ =	strace $0x9000004B  }
0xb8: {  	_ =	sfence  }
0xb9: {  	s30 =	sld [smem:$0x0];
	_ =	sdelay $0x2  }
0xba: {  	s31 =	sshll.u32 s1, $0xD;
	s1 =	sshrl.u32 s1, $0x2  }
0xbb: {  	s3 =	sand.u32 $0x4000, s31;
	s1 =	sadd.s32 s1, s30  }
0xbc: {  	s0 =	sor.u32 s3, s0;
	s1 =	sshll.u32 s1, $0x11  }
0xbd: {  	s0 =	sor.u32 s1, s0  }
0xbe: {  	s0 =	sadd.s32 $0x8F2B, s0  }
0xbf: {  	[sflag:s0] =	ssyncadd.remote.s32 $0x1  }
0xc0: {  	_ =	sfence.sel $0xFFFF  }
0xc1: {  	[dreg:$0x0] =	wrdreg $0xFFFFFFFF;
	(pc) =	sbr.abs _section_cstart, $3  }
0xc2: {  	[dreg:$0x1] =	wrdreg $0xFFFFFFFF  }
0xc3: {  	_ =	task.clear_ibuf [dreg:s7], $0x2FFFF;
	_ =	strace $0x9FFFFFFF  }
0xc4: {  	(tm) =	ssettm $0x7FFFFFFF  }
0xc5: {  	_ =	shalt  }
tec
execute0_lowered:
.L_overlay_start_1:
0x0: {  	(tag) =	ssettag $0x1  }
0x1: {  	s1 =	rddreg [dreg:$0x0]  }
0x2: {  	s6 =	rddreg [dreg:$0x1]  }
0x3: {  	s2 =	rddreg [dreg:$0x2]  }
0x4: {  	s3 =	rddreg [dreg:$0x3]  }
0x5: {  	s0 =	srdreg.scid;
	s24 =	stileid.u32  }
0x6: {  	s4 =	simm.s32 $0x0;
	s7 =	sand.u32 $0x1, s0;
	s8 =	smul.u32 $0x280, s24  }
0x7: {  	[smem:$0x7FF] =	sst s4;
	s5 =	sadd.s32 $0x5B800, s1;
	s21 =	sshll.u32 s24, $0x1  }
0x8: {  	s23 =	sadd.s32 $0x88C00, s1;
	s0 =	ssub.s32 $0x2, s7;
	s10 =	smul.u32 $0x2800, s7  }
0x9: {  	_ =	strace $0x8000004A;
	s7 =	sor.u32 s7, s21;
	s21 =	smul.u32 $0xA000, s24  }
0xa: {  	s9 =	sshrl.u32 s0, $0x1;
	s11 =	sadd.s32 $0x80, s8;
	s13 =	sadd.s32 $0x100, s8  }
0xb: {  	s19 =	sadd.s32 $0x180, s8;
	s30 =	smul.u32 $0x51, s7;
	s7 =	simm.s32 $0x80  }
0xc: {  	s0 =	ssub.s32 s0, s9;
	s9 =	smul.u32 $0x1E000, s24;
	s12 =	sadd.s32 s8, s10  }
0xd: {  	s15 =	sadd.s32 s10, s11;
	s17 =	sadd.s32 s10, s13;
	s14 =	smul.u32 $0x6, s12  }
0xe: {  	s8 =	sadd.s32 $0x200, s8;
	s20 =	sadd.s32 s10, s19;
	s16 =	smul.u32 $0x6, s15  }
0xf: {  	s18 =	smul.u32 $0x6, s17;
	s12 =	sshll.u32 s12, $0x1;
	s0 =	smax.u32 s0, $0x1  }
0x10: {  	s24 =	sshll.u32 s20, $0x1;
	s12 =	sadd.s32 s6, s12;
	[dreg:$0x14] =	wrdreg s0  }
0x11: {  	s22 =	smul.u32 $0x6, s20;
	s25 =	sadd.s32 s6, s24;
	[dreg:$0xa] =	wrdreg s12  }
0x12: {  	s10 =	sadd.s32 s10, s8;
	s14 =	sadd.s32 s23, s14;
	[dreg:$0xd] =	wrdreg s25  }
0x13: {  	s26 =	smul.u32 $0x6, s10;
	s28 =	sadd.s32 s23, s16;
	[dreg:$0x5] =	wrdreg s14  }
0x14: {  	s10 =	sshll.u32 s10, $0x1;
	s29 =	sadd.s32 s23, s18;
	[dreg:$0x6] =	wrdreg s28  }
0x15: {  	s16 =	sadd.s32 s23, s22;
	s22 =	sshll.u32 s15, $0x1;
	[dreg:$0x7] =	wrdreg s29  }
0x16: {  	s15 =	sadd.s32 $0x12000, s9;
	[dreg:$0x8] =	wrdreg s16;
	s18 =	sadd.s32 s23, s26  }
0x17: {  	s12 =	sadd.s32 s6, s22;
	s23 =	sshll.u32 s17, $0x1;
	s16 =	sadd.s32 $0x6FC00, s1  }
0x18: {  	s26 =	sshrl.u32 s21, $0x2;
	s17 =	sadd.s32 $0x74C00, s1;
	s28 =	sshrl.u32 s9, $0x2  }
0x19: {  	s29 =	smul.u32 $0xC0, s11;
	s14 =	sshll.u32 s13, $0x4;
	s20 =	sshrl.u32 s15, $0x2  }
0x1a: {  	s21 =	sadd.s32 $0x18000, s9;
	s13 =	simm.s32 $0x2;
	[dreg:$0x9] =	wrdreg s18  }
0x1b: {  	s15 =	simm.s32 $0x1180;
	[dreg:$0xb] =	wrdreg s12;
	s12 =	sadd.s32 s6, s23  }
0x1c: {  	s6 =	sadd.s32 s6, s10;
	s18 =	sadd.s32 $0x79C00, s1;
	s22 =	sadd.s32 s28, s2  }
0x1d: {  	s23 =	sadd.s32 s26, s3;
	s10 =	sshll.u32 s11, $0x4;
	s11 =	sadd.s32 $0xC000, s9  }
0x1e: {  	s1 =	sadd.s32 s14, s3;
	s26 =	sshll.u32 s19, $0x4;
	[dreg:$0xc] =	wrdreg s12  }
0x1f: {  	s9 =	simm.s32 $0x100;
	s14 =	simm.s32 $0x3;
	[dreg:$0xe] =	wrdreg s6  }
0x20: {  	s6 =	sshrl.u32 s29, $0x2;
	s25 =	sadd.s32 s10, s3;
	s12 =	sshrl.u32 s11, $0x2  }
0x21: {  	[dreg:$0xf] =	wrdreg s1;
	s1 =	sadd.s32 s20, s2;
	s29 =	sshll.u32 s8, $0x4  }
0x22: {  	s8 =	simm.s32 $0x180;
	s10 =	simm.s32 $0x980;
	s24 =	sadd.s32 s6, s2  }
0x23: {  	[dreg:$0x10] =	wrdreg s1;
	s6 =	sshrl.u32 s21, $0x2;
	s1 =	sadd.s32 s26, s3  }
0x24: {  	s11 =	simm.s32 $0x1980;
	[dreg:$0x11] =	wrdreg s1;
	s28 =	sadd.s32 s6, s2  }
0x25: {  	s31 =	sadd.s32 s12, s2;
	s1 =	sadd.s32 s29, s3;
	[dreg:$0x12] =	wrdreg s28  }
0x26: {  	v0 =	vimm.f32 $0.0e+00;
	s12 =	simm.s32 $0x1;
	[dreg:$0x13] =	wrdreg s1;
	s1 =	simm.s32 $0x4  }
.LBB2_1:
0x27: {  	s19 =	simm.s32 $0x31A0  }
0x28: {  	[tilespmem:s19+$0x0] =	vst v0  }
0x29: {  	[tilespmem:s19+$0xFFFFFFE0] =	vst v0  }
0x2a: {  	s20 =	simm.s32 $0x40;
	s21 =	simm.s32 $0x0;
	[tilespmem:s19+$0xFFFFFFF0] =	vst v0  }
.LBB2_2:
0x2b: {  	p0 =	sne.s32 s20, $0x1FC0  }
0x2c: {  	[tilespmem:s21+$0x4980] =	vst v0;
	s19 =	sadd.s32 $0x30, s19;
	s21 =	smov.u32 s20;
	s20 =	sadd.s32 $0x40, s20  }
.Ltmp0:
0x2d: {  	[tilespmem:s19+$0x0] =	vst v0;
	(pc) =	sbr.rel @p0 .LBB2_2-.Ltmp0, $3  }
0x2e: {  	_ =	sdelay $0x1  }
0x2f: {  	[tilespmem:s19+$0xFFFFFFE0] =	vst v0  }
0x30: {  	s21 =	sshra.s32 s21, $0x2;
	[tilespmem:s19+$0xFFFFFFF0] =	vst v0  }
0x31: {  	[tilespmem:s21+$0x4980] =	vst v0;
	s20 =	simm.s32 $0x3180  }
0x32: {  	[spmem:s22] =	stream.linear.scatter [tilespmem:s20], [sflag:$0x4], $0x1800, $0x38;
	[tilespmem:$0xF180] =	vst v63  }
0x33: {  	_ =	swait.ge [sflag:s1], $0x1800  }
0x34: {  	[sflag:s1] =	ssyncset.done $0x0  }
0x35: {  	s21 =	simm.s32 $0x4980;
	[sflag:s1] =	ssyncadd.s32 $0xFFFFE800  }
0x36: {  	[spmem:s23] =	stream.linear.scatter [tilespmem:s21], [sflag:$0x4], $0x800, $0x38;
	[tilespmem:$0xF180] =	vst v63  }
0x37: {  	_ =	swait.ge [sflag:s1], $0x800  }
0x38: {  	[sflag:s1] =	ssyncset.done $0x0  }
0x39: {  	[sflag:s1] =	ssyncadd.s32 $0xFFFFF800  }
0x3a: {  	[spmem:s24] =	stream.linear.scatter [tilespmem:s20], [sflag:$0x4], $0x1800, $0x38;
	[tilespmem:$0xF180] =	vst v63  }
0x3b: {  	_ =	swait.ge [sflag:s1], $0x1800  }
0x3c: {  	[sflag:s1] =	ssyncset.done $0x0  }
0x3d: {  	[sflag:s1] =	ssyncadd.s32 $0xFFFFE800  }
0x3e: {  	[spmem:s25] =	stream.linear.scatter [tilespmem:s21], [sflag:$0x4], $0x800, $0x38;
	[tilespmem:$0xF180] =	vst v63  }
0x3f: {  	_ =	swait.ge [sflag:s1], $0x800  }
0x40: {  	[sflag:s1] =	ssyncset.done $0x0  }
0x41: {  	[sflag:s1] =	ssyncadd.s32 $0xFFFFF800  }
0x42: {  	[spmem:s31] =	stream.linear.scatter [tilespmem:s20], [sflag:$0x4], $0x1800, $0x38;
	[tilespmem:$0xF180] =	vst v63  }
0x43: {  	_ =	swait.ge [sflag:s1], $0x1800  }
0x44: {  	[sflag:s1] =	ssyncset.done $0x0  }
0x45: {  	s19 =	rddreg [dreg:$0xf];
	[sflag:s1] =	ssyncadd.s32 $0xFFFFE800  }
0x46: {  	[spmem:s19] =	stream.linear.scatter [tilespmem:s21], [sflag:$0x4], $0x800, $0x38;
	[tilespmem:$0xF180] =	vst v63  }
0x47: {  	_ =	swait.ge [sflag:s1], $0x800  }
0x48: {  	[sflag:s1] =	ssyncset.done $0x0  }
0x49: {  	s26 =	smov.u32 s22;
	s22 =	rddreg [dreg:$0x10];
	[sflag:s1] =	ssyncadd.s32 $0xFFFFF800  }
0x4a: {  	[spmem:s22] =	stream.linear.scatter [tilespmem:s20], [sflag:$0x4], $0x1800, $0x38;
	[tilespmem:$0xF180] =	vst v63  }
0x4b: {  	_ =	swait.ge [sflag:s1], $0x1800  }
0x4c: {  	[sflag:s1] =	ssyncset.done $0x0  }
0x4d: {  	s28 =	smov.u32 s23;
	s23 =	rddreg [dreg:$0x11];
	[sflag:s1] =	ssyncadd.s32 $0xFFFFE800  }
0x4e: {  	[spmem:s23] =	stream.linear.scatter [tilespmem:s21], [sflag:$0x4], $0x800, $0x38;
	[tilespmem:$0xF180] =	vst v63  }
0x4f: {  	_ =	swait.ge [sflag:s1], $0x800  }
0x50: {  	[sflag:s1] =	ssyncset.done $0x0  }
0x51: {  	s29 =	smov.u32 s24;
	s24 =	rddreg [dreg:$0x12];
	[sflag:s1] =	ssyncadd.s32 $0xFFFFF800  }
0x52: {  	[spmem:s24] =	stream.linear.scatter [tilespmem:s20], [sflag:$0x4], $0x1800, $0x38;
	[tilespmem:$0xF180] =	vst v63  }
0x53: {  	_ =	swait.ge [sflag:s1], $0x1800  }
0x54: {  	[sflag:s1] =	ssyncset.done $0x0  }
0x55: {  	s0 =	smov.u32 s25;
	s25 =	rddreg [dreg:$0x13];
	[sflag:s1] =	ssyncadd.s32 $0xFFFFE800  }
0x56: {  	[spmem:s25] =	stream.linear.scatter [tilespmem:s21], [sflag:$0x4], $0x800, $0x38;
	[tilespmem:$0xF180] =	vst v63  }
0x57: {  	_ =	swait.ge [sflag:s1], $0x800  }
0x58: {  	[sflag:s1] =	ssyncset.done $0x0  }
0x59: {  	s6 =	smov.u32 s31;
	[sflag:s1] =	ssyncadd.s32 $0xFFFFF800  }
0x5a: {  	s31 =	simm.s32 $0x0;
	s19 =	simm.s32 $0x0;
	[bflag:$0x0] =	sbarrier.arrive $0xFFFF  }
.LBB2_4:
0x5b: {  	s20 =	sadd.s32 s30, s19  }
0x5c: {  	s20 =	sshll.u32 s20, $0x5  }
0x5d: {  	s20 =	sadd.s32 s5, s20  }
0x5e: {  	[tilespmem:s31], [sflag:$0x4] =	stream.linear.gather [hbm4b:s20+s31], $0x100, $0x38;
	[tilespmem:$0xF180] =	vst v63  }
0x5f: {  	_ =	swait.ge [sflag:s1], $0x100  }
0x60: {  	[sflag:s1] =	ssyncset.done $0x0  }
0x61: {  	[sflag:s1] =	ssyncadd.s32 $0xFFFFFF00  }
0x62: {  	v1 =	vld [tilespmem:$0x80]  }
0x63: {  	v2 =	vld [tilespmem:$0x90]  }
0x64: {  	v3 =	vld [tilespmem:$0xA0]  }
0x65: {  	v4 =	vld [tilespmem:$0xB0]  }
0x66: {  	v5 =	vld [tilespmem:$0xC0]  }
0x67: {  	[tilespmem:$0x100] =	vst v1;
	v1 =	vld [tilespmem:$0xD0]  }
0x68: {  	[tilespmem:$0x110] =	vst v2;
	v2 =	vld [tilespmem:$0xE0]  }
0x69: {  	[tilespmem:$0x120] =	vst v3;
	v3 =	vld [tilespmem:$0xF0]  }
0x6a: {  	[tilespmem:$0x130] =	vst v4  }
0x6b: {  	[tilespmem:$0x140] =	vst v5  }
0x6c: {  	[tilespmem:$0x150] =	vst v1  }
0x6d: {  	[tilespmem:$0x160] =	vst v2  }
0x6e: {  	[tilespmem:$0x170] =	vst v3  }
0x6f: {  	[tilespmem:s8], [sflag:$0x1] =	stream.indirect.gather [hbm4b:s16+s7], $0x10, s31, s7, $0xb8;
	[tilespmem:$0xF180] =	vst v63  }
0x70: {  	_ = 	snop  }
0x71: {  	[tilespmem:s10], [sflag:$0x2] =	stream.indirect.gather [hbm4b:s17+s7], $0x10, s9, s7, $0xb8;
	[tilespmem:$0xF180] =	vst v63  }
0x72: {  	_ = 	snop  }
0x73: {  	[tilespmem:s11], [sflag:$0x3] =	stream.indirect.gather [hbm4b:s18+s7], $0x30, s31, s7, $0xb8;
	[tilespmem:$0xF180] =	vst v63  }
0x74: {  	_ =	swait.ge [sflag:s12], $0x800  }
0x75: {  	[sflag:s12] =	ssyncset.done $0x0  }
0x76: {  	[sflag:s12] =	ssyncadd.s32 $0xFFFFF800  }
0x77: {  	_ =	swait.ge [sflag:s13], $0x800  }
0x78: {  	[sflag:s13] =	ssyncset.done $0x0  }
0x79: {  	s20 =	simm.s32 $0x0;
	[sflag:s13] =	ssyncadd.s32 $0xFFFFF800  }
0x7a: {  	v1 =	vld [tilespmem:s20+$0x180]  }
0x7b: {  	v2 =	vld [tilespmem:s20+$0x980];
	_ =	sdelay $0x4  }
0x7c: {  	v1 =	vadd.f32 v2, v1;
	_ =	sdelay $0x1  }
0x7d: {  	s21 =	simm.s32 $0x10;
	v2 =	vmul.f32 $2.000000030e-01, v1  }
0x7e: {  	v3 =	vld [tilespmem:s21+$0x180]  }
0x7f: {  	v4 =	vld [tilespmem:s21+$0x980];
	v1 =	vmax.f32 v1, v2  }
0x80: {  	s23 =	simm.s32 $0x20;
	v1 =	vmul.f32 $1.442695020e+00, v1  }
0x81: {  	v2 =	vld [tilespmem:s23+$0x180]  }
0x82: {  	(erf) = vpow2.f32 v1;
	v1 =	vld [tilespmem:s23+$0x980];
	_ =	sdelay $0x1  }
0x83: {  	v3 =	vadd.f32 v4, v3;
	_ =	sdelay $0x1  }
0x84: {  	v4 =	vmul.f32 $2.000000030e-01, v3  }
0x85: {  	v5 =	vadd.f32 v1, v2  }
0x86: {  	v1 =	vmax.f32 v3, v4  }
0x87: {  	s22 =	simm.s32 $0x30;
	v2 =	vmul.f32 $1.442695020e+00, v1;
	v3 =	vmul.f32 $2.000000030e-01, v5  }
0x88: {  	v1 =	vld [tilespmem:s22+$0x180]  }
0x89: {  	(erf) = vpow2.f32 v2;
	v2 =	vld [tilespmem:s22+$0x980];
	_ =	sdelay $0x1  }
0x8a: {  	s24 =	simm.s32 $0x100;
	v4 =	vmax.f32 v5, v3;
	v3 =	vpop (erf)  }
.LBB2_5:
0x8b: {  	s25 =	sshra.s32 s24, $0x2  }
0x8c: {  	v4 =	vmul.f32 $1.442695020e+00, v4;
	[tilespmem:s20+$0x1180] =	vst v3;
	s20 =	smov.u32 s21;
	s21 =	smov.u32 s23;
	p0 =	sne.s32 s24, $0x1FC0  }
.Ltmp1:
0x8d: {  	s24 =	sadd.s32 $0x40, s24;
	v3 =	vadd.f32 v2, v1;
	v1 =	vld [tilespmem:s25+$0x180];
	(pc) =	sbr.rel @p0 .LBB2_5-.Ltmp1, $3  }
0x8e: {  	s23 =	smov.u32 s22;
	s22 =	smov.u32 s25;
	v2 =	vld [tilespmem:s25+$0x980];
	(erf) = vpow2.f32 v4  }
0x8f: {  	v4 =	vmul.f32 $2.000000030e-01, v3;
	_ =	sdelay $0x1  }
0x90: {  	v4 =	vmax.f32 v3, v4;
	v3 =	vpop (erf)  }
0x91: {  	_ = 	snop  }
0x92: {  	v1 =	vadd.f32 v2, v1;
	_ =	sdelay $0x1  }
0x93: {  	v2 =	vmul.f32 $2.000000030e-01, v1;
	_ =	sdelay $0x1  }
0x94: {  	v4 =	vmul.f32 $1.442695020e+00, v4;
	v1 =	vmax.f32 v1, v2  }
0x95: {  	v1 =	vmul.f32 $1.442695020e+00, v1  }
0x96: {  	(erf) = vpow2.f32 v4  }
0x97: {  	(erf) = vpow2.f32 v1;
	_ =	sdelay $0x6  }
0x98: {  	[tilespmem:s20+$0x1180] =	vst v3;
	v1 =	vpop (erf)  }
0x99: {  	[tilespmem:s21+$0x1180] =	vst v1;
	v1 =	vpop (erf)  }
0x9a: {  	[tilespmem:s23+$0x1180] =	vst v1;
	v1 =	vpop (erf)  }
0x9b: {  	[tilespmem:s22+$0x1180] =	vst v1  }
0x9c: {  	_ =	swait.ge [sflag:s14], $0x1800  }
0x9d: {  	[sflag:s14] =	ssyncset.done $0x0  }
0x9e: {  	s21 =	simm.s32 $0x19A0;
	[sflag:s14] =	ssyncadd.s32 $0xFFFFE800  }
0x9f: {  	v1 =	vld [tilespmem:s21+$0xFFFFFFF0]  }
0xa0: {  	s20 =	simm.s32 $0x19A0;
	s23 =	simm.s32 $0x0;
	s22 =	simm.s32 $0x40;
	v2 =	vld [tilespmem:s21+$0xFFFFFFE0]  }
.LBB2_7:
0xa1: {  	p0 =	sne.s32 s22, $0x1FC0;
	v3 =	vld [tilespmem:s23+$0x1180]  }
0xa2: {  	v4 =	vld [tilespmem:s21+$0x0];
	_ =	sdelay $0x3  }
.Ltmp2:
0xa3: {  	v2 =	vmul.f32 v2, v3;
	v5 =	vmul.f32 v1, v3;
	(pc) =	sbr.rel @p0 .LBB2_7-.Ltmp2, $4  }
0xa4: {  	v3 =	vmul.f32 v4, v3  }
0xa5: {  	s21 =	sadd.s32 $0x30, s21;
	[tilespmem:s20+$0xFFFFFFE0] =	vst v2  }
0xa6: {  	v1 =	vld [tilespmem:s21+$0xFFFFFFF0];
	[tilespmem:s20+$0xFFFFFFF0] =	vst v5  }
0xa7: {  	s23 =	sshra.s32 s22, $0x2;
	s22 =	sadd.s32 $0x40, s22;
	v2 =	vld [tilespmem:s21+$0xFFFFFFE0];
	[tilespmem:s20+$0x0] =	vst v3;
	s20 =	smov.u32 s21  }
0xa8: {  	v3 =	vld [tilespmem:s23+$0x1180];
	_ =	sdelay $0x1  }
0xa9: {  	v4 =	vld [tilespmem:s21+$0x0];
	_ =	sdelay $0x2  }
0xaa: {  	v2 =	vmul.f32 v2, v3  }
0xab: {  	v1 =	vmul.f32 v1, v3  }
0xac: {  	v3 =	vmul.f32 v4, v3;
	[tilespmem:s20+$0xFFFFFFE0] =	vst v2  }
0xad: {  	[tilespmem:s20+$0xFFFFFFF0] =	vst v1  }
0xae: {  	[tilespmem:s20+$0x0] =	vst v3  }
0xaf: {  	[spmem:s2] =	stream.indirect.scatter.add.f32 [tilespmem:s11], [sflag:$0x4], $0x30, s9, s7, $0xb8;
	[tilespmem:$0xF180] =	vst v63  }
0xb0: {  	s19 =	sadd.s32 $0x1, s19;
	_ =	swait.ge [sflag:s1], $0x1800  }
0xb1: {  	p0 =	sne.s32 s19, $0x51;
	[sflag:s1] =	ssyncset.done $0x0  }
.Ltmp3:
0xb2: {  	[sflag:s1] =	ssyncadd.s32 $0xFFFFE800;
	(pc) =	sbr.rel @p0 .LBB2_4-.Ltmp3, $4  }
0xb3: {  	[spmem:s3] =	stream.indirect.scatter.add.f32 [tilespmem:s15], [sflag:$0x4], $0x10, s9, s7, $0xb8;
	[tilespmem:$0xF180] =	vst v63  }
0xb4: {  	_ =	swait.ge [sflag:s1], $0x800  }
0xb5: {  	[sflag:s1] =	ssyncset.done $0x0  }
0xb6: {  	[sflag:s1] =	ssyncadd.s32 $0xFFFFF800  }
0xb7: {  	s19 =	stileid.u32  }
0xb8: {  	[bflag:$0x0] =	sbarrier.arrive $0xFFFF;
	s19 =	sshll.u32 s19, $0x6  }
0xb9: {  	s20 =	sshrl.u32 s26, $0x3;
	s21 =	rddreg [dreg:$0x5];
	s19 =	sor.u32 $0x1C04, s19  }
0xba: {  	[hbm:s21], [sflag:s19] =	dma.local [spmem:s20], $0x300  }
0xbb: {  	_ =	swait.ge [sflag:s1], $0x300  }
0xbc: {  	[sflag:s1] =	ssyncset.done $0x0  }
0xbd: {  	s21 =	sshrl.u32 s28, $0x3;
	s24 =	rddreg [dreg:$0xa];
	[sflag:s1] =	ssyncadd.s32 $0xFFFFFD00  }
0xbe: {  	[hbm:s24], [sflag:s19] =	dma.local [spmem:s21], $0x100  }
0xbf: {  	_ =	swait.ge [sflag:s1], $0x100  }
0xc0: {  	s22 =	smov.u32 s26;
	[sflag:s1] =	ssyncset.done $0x0  }
0xc1: {  	s25 =	sshrl.u32 s29, $0x3;
	s26 =	rddreg [dreg:$0x6];
	[sflag:s1] =	ssyncadd.s32 $0xFFFFFF00  }
0xc2: {  	[hbm:s26], [sflag:s19] =	dma.local [spmem:s25], $0x300  }
0xc3: {  	_ =	swait.ge [sflag:s1], $0x300  }
0xc4: {  	s23 =	smov.u32 s28;
	s28 =	sshrl.u32 s0, $0x3;
	[sflag:s1] =	ssyncset.done $0x0  }
0xc5: {  	s24 =	smov.u32 s29;
	s29 =	rddreg [dreg:$0xb];
	[sflag:s1] =	ssyncadd.s32 $0xFFFFFD00  }
0xc6: {  	[hbm:s29], [sflag:s19] =	dma.local [spmem:s28], $0x100  }
0xc7: {  	_ =	swait.ge [sflag:s1], $0x100  }
0xc8: {  	s31 =	smov.u32 s6;
	s25 =	smov.u32 s0;
	[sflag:s1] =	ssyncset.done $0x0  }
0xc9: {  	s0 =	sshrl.u32 s6, $0x3;
	s6 =	rddreg [dreg:$0x7];
	[sflag:s1] =	ssyncadd.s32 $0xFFFFFF00  }
0xca: {  	[hbm:s6], [sflag:s19] =	dma.local [spmem:s0], $0x300  }
0xcb: {  	_ =	swait.ge [sflag:s1], $0x300  }
0xcc: {  	[sflag:s1] =	ssyncset.done $0x0;
	s21 =	rddreg [dreg:$0xf]  }
0xcd: {  	s28 =	rddreg [dreg:$0xc];
	[sflag:s1] =	ssyncadd.s32 $0xFFFFFD00;
	s26 =	sshrl.u32 s21, $0x3  }
0xce: {  	[hbm:s28], [sflag:s19] =	dma.local [spmem:s26], $0x100  }
0xcf: {  	_ =	swait.ge [sflag:s1], $0x100  }
0xd0: {  	[sflag:s1] =	ssyncset.done $0x0;
	s29 =	rddreg [dreg:$0x10]  }
0xd1: {  	s6 =	rddreg [dreg:$0x8];
	[sflag:s1] =	ssyncadd.s32 $0xFFFFFF00;
	s0 =	sshrl.u32 s29, $0x3  }
0xd2: {  	[hbm:s6], [sflag:s19] =	dma.local [spmem:s0], $0x300  }
0xd3: {  	_ =	swait.ge [sflag:s1], $0x300  }
0xd4: {  	[sflag:s1] =	ssyncset.done $0x0;
	s21 =	rddreg [dreg:$0x11]  }
0xd5: {  	s28 =	rddreg [dreg:$0xd];
	[sflag:s1] =	ssyncadd.s32 $0xFFFFFD00;
	s26 =	sshrl.u32 s21, $0x3  }
0xd6: {  	[hbm:s28], [sflag:s19] =	dma.local [spmem:s26], $0x100  }
0xd7: {  	_ =	swait.ge [sflag:s1], $0x100  }
0xd8: {  	[sflag:s1] =	ssyncset.done $0x0;
	s29 =	rddreg [dreg:$0x12]  }
0xd9: {  	s6 =	rddreg [dreg:$0x9];
	[sflag:s1] =	ssyncadd.s32 $0xFFFFFF00;
	s0 =	sshrl.u32 s29, $0x3  }
0xda: {  	[hbm:s6], [sflag:s19] =	dma.local [spmem:s0], $0x300  }
0xdb: {  	_ =	swait.ge [sflag:s1], $0x300  }
0xdc: {  	[sflag:s1] =	ssyncset.done $0x0;
	s21 =	rddreg [dreg:$0x13]  }
0xdd: {  	s28 =	rddreg [dreg:$0xe];
	[sflag:s1] =	ssyncadd.s32 $0xFFFFFD00;
	s26 =	sshrl.u32 s21, $0x3  }
0xde: {  	[hbm:s28], [sflag:s19] =	dma.local [spmem:s26], $0x100  }
0xdf: {  	_ =	swait.ge [sflag:s1], $0x100  }
0xe0: {  	s4 =	sadd.s32 $0x1, s4;
	s29 =	rddreg [dreg:$0x14]  }
0xe1: {  	p0 =	sne.s32 s4, s29  }
.Ltmp4:
0xe2: {  	_ = 	snop;
	(pc) =	sbr.rel @p0 .LBB2_1-.Ltmp4, $3  }
0xe3: {  	_ =	sdelay $0x1  }
0xe4: {  	[sflag:s1] =	ssyncset.done $0x0  }
0xe5: {  	[sflag:s1] =	ssyncadd.s32 $0xFFFFFF00  }
0xe6: {  	_ =	sfence.sel $0x180000  }
0xe7: {  	[bflag:$0x0] =	sbarrier.arrive $0xFFFF  }
0xe8: {  	_ =	strace $0x9000004A  }
0xe9: {  	s0 =	stileid.u32;
	[bflag:$0x2] =	sbarrier.arrive $0xFFFF  }
0xea: {  	p0 =	sne.s32 s0, $0x0;
	s0 =	rddreg [dreg:$0x4]  }
0xeb: {  	s0 =	sadd.s32 @!p0 $0x100000, s0  }
0xec: {  	[sflag:s0] =	ssyncadd.tile.s32 @!p0 $0x1;
	_ =	shalt  }
.Lfunc_end2:
_tile_overlayer_lowered:
.L_overlay_start_2:
0xed: {  	(tag) =	ssettag $0x2  }
0xee: {  	s0 =	rddreg [dreg:$0x0];
	s2 =	stileid.u32  }
0xef: {  	s1 =	rddreg [dreg:$0x1];
	p0 =	sne.s32 s2, $0x0  }
0xf0: {  	s3 =	rddreg [dreg:$0x2];
	[bflag:$0x3] =	sbarrier.arrive $0xFFFF;
	s2 =	simm.s32 @!p0 $0x1C04  }
0xf1: {  	[timem:s3], [sflag:s2] =	dma.local @!p0 [hbm:s0], s1  }
0xf2: {  	s0 =	simm.s32 @!p0 $0x4  }
0xf3: {  	_ =	swait.ge @!p0 [sflag:s0], s1  }
0xf4: {  	s1 =	ssub.s32 @!p0 $0x0, s1;
	[sflag:s0] =	ssyncset.done @!p0 $0x0  }
0xf5: {  	[sflag:s0] =	ssyncadd.s32 @!p0 s1  }
0xf6: {  	[bflag:$0x3] =	sbarrier.arrive $0xFFFF  }
0xf7: {  	_ =	shalt  }

// kernel: kernel.7.cloned.1.call-start
scs
__scs_entry_jumppad:
0x0: {  	(pc) =	sbr.rel $0x88, $3  }
0x1: {  	(tag) =	ssettag $0x0;
	lr =	simm.s32 $0x1  }
0x2: {  	[smem:$0x3F97] =	sst lr;
	_ =	strace $0xD0000000  }
0x3: {  	_ = 	snop  }
0x4: {  	_ = 	snop  }
0x5: {  	_ = 	snop  }
0x6: {  	_ = 	snop  }
0x7: {  	_ = 	snop  }
__scs_overlays_trampoline_lowered:
0x8: {  	[smem:$0x3FA6] =	sst s0  }
0x9: {  	[smem:$0x3FA7] =	sst s1  }
0xa: {  	[smem:$0x3FA8] =	sst s2  }
0xb: {  	[smem:$0x3FA9] =	sst s3  }
0xc: {  	[smem:$0x3FAA] =	sst s4  }
0xd: {  	[smem:$0x3FAB] =	sst s5  }
0xe: {  	[smem:$0x3FAC] =	sst s6  }
0xf: {  	[smem:$0x3FAD] =	sst s7  }
0x10: {  	[smem:$0x3FAE] =	sst s8  }
0x11: {  	[smem:$0x3FAF] =	sst s9;
	s0 =	simm.s32 @!p0 $0x0  }
0x12: {  	s1 =	sld [smem:$0x3F95];
	s0 =	simm.s32 @p0 $0x1  }
0x13: {  	[smem:$0x3FB0] =	sst s0;
	s0 =	simm.s32 @!p1 $0x0  }
0x14: {  	s2 =	sld [smem:$0x3F94];
	s0 =	simm.s32 @p1 $0x1  }
0x15: {  	[smem:$0x3FB1] =	sst s0;
	s0 =	simm.s32 @!p2 $0x0  }
0x16: {  	s3 =	sld [smem:$0x3FDB];
	s0 =	simm.s32 @p2 $0x1  }
0x17: {  	s4 =	simm.s32 $0x1BF5;
	[smem:$0x3FB3] =	sst s0  }
0x18: {  	s0 =	sld [smem:$0x3F96];
	_ =	swait.ge [sflag:s4], $0x0  }
0x19: {  	s7 =	sld [smem:$0x3F97]  }
0x1a: {  	s8 =	sadd.s32 $0xFFFFE003, lr  }
0x1b: {  	s9 =	sadd.s32 $0xFFFFFEF7, lr;
	s5 =	simm.s32 $0xFFFFFFFF;
	p2 =	slt.u32 s8, $0xFFFFF086  }
0x1c: {  	p1 =	slt.u32 s9, $0xF7A;
	s5 =	simm.s32 @!p2 $0x0  }
0x1d: {  	s5 =	simm.s32 @p1 $0x1;
	p0 =	seq.s32 s7, s2  }
0x1e: {  	s7 =	smul.u32 @!p0 $0xF7A, s2;
	p2 =	seq.s32 @!p0 s5, $0x0  }
0x1f: {  	s9 =	smul.u32 $0xF7A, s1;
	s8 =	simm.s32 @!p0 $0x1BF5;
	p2 =	por !p2, p0  }
0x20: {  	[sflag:s8] =	ssyncset.s32 @!p0 $0xFFFFF086;
	s6 =	sadd.s32 @!p0 s3, s7;
	s7 =	simm.s32 @!p0 $0x108  }
0x21: {  	s3 =	sadd.s32 s3, s9;
	s6 =	sadd.s32 @!p0 $0x88, s6;
	s7 =	simm.s32 @p2 $0x1082  }
0x22: {  	[simem:s7], [sflag:s8] =	dma.local @!p0 [hbm:s6], $0xF7A  }
0x23: {  	s9 =	sor.u32 $0xD0000000, s2;
	s6 =	simm.s32 $0x108;
	_ =	swait.ge @!p0 [sflag:s8], $0x0  }
0x24: {  	s3 =	sadd.s32 $0x88, s3;
	s6 =	simm.s32 @!p1 $0x1082;
	[sflag:s4] =	ssyncset.s32 $0xFFFFF086  }
0x25: {  	[simem:s6], [sflag:s4] =	dma.local [hbm:s3], $0xF7A  }
0x26: {  	[smem:$0x3F97] =	sst s1;
	(tag) =	ssettag s2;
	_ =	strace s9  }
0x27: {  	s1 =	sld [smem:$0x3FA7]  }
0x28: {  	s2 =	sld [smem:$0x3FA8]  }
0x29: {  	s4 =	sld [smem:$0x3FAA]  }
0x2a: {  	p0 =	seq.s32 s5, $0x0;
	s5 =	sld [smem:$0x3FAB]  }
0x2b: {  	s6 =	sld [smem:$0x3FAC]  }
0x2c: {  	s7 =	sld [smem:$0x3FAD]  }
0x2d: {  	s3 =	simm.s32 $0x108;
	s8 =	sld [smem:$0x3FAE]  }
0x2e: {  	s3 =	simm.s32 @!p0 $0x1082;
	s9 =	sld [smem:$0x3FAF]  }
0x2f: {  	lr =	sadd.s32 s0, s3;
	s0 =	sld [smem:$0x3FA6]  }
0x30: {  	s3 =	sld [smem:$0x3FA9]  }
0x31: {  	[smem:$0x3FB2] =	sst s10  }
0x32: {  	s10 =	sld [smem:$0x3FB0];
	_ =	sdelay $0x3  }
0x33: {  	p0 =	seq.s32 s10, $0x1;
	s10 =	sld [smem:$0x3FB2];
	_ =	sdelay $0x3  }
0x34: {  	[smem:$0x3FB2] =	sst s10  }
0x35: {  	s10 =	sld [smem:$0x3FB1];
	_ =	sdelay $0x3  }
0x36: {  	p1 =	seq.s32 s10, $0x1;
	s10 =	sld [smem:$0x3FB2];
	_ =	sdelay $0x3  }
0x37: {  	[smem:$0x3FB2] =	sst s10  }
0x38: {  	s10 =	sld [smem:$0x3FB3]  }
0x39: {  	_ = 	snop;
	(pc) =	sbr.ind lr, $3  }
0x3a: {  	_ = 	snop  }
0x3b: {  	_ = 	snop  }
0x3c: {  	p2 =	seq.s32 s10, $0x1;
	s10 =	sld [smem:$0x3FB2]  }
0x3d: {  	_ =	shalt  }
0x3e: {  	_ =	shalt  }
0x3f: {  	_ =	shalt  }
0x40: {  	_ =	shalt  }
0x41: {  	_ =	shalt  }
0x42: {  	_ =	shalt  }
0x43: {  	_ =	shalt  }
0x44: {  	_ =	shalt  }
0x45: {  	_ =	shalt  }
0x46: {  	_ =	shalt  }
0x47: {  	_ =	shalt  }
0x48: {  	_ =	shalt  }
0x49: {  	_ =	shalt  }
0x4a: {  	_ =	shalt  }
0x4b: {  	_ =	shalt  }
0x4c: {  	_ =	shalt  }
0x4d: {  	_ =	shalt  }
0x4e: {  	_ =	shalt  }
0x4f: {  	_ =	shalt  }
0x50: {  	_ =	shalt  }
0x51: {  	_ =	shalt  }
0x52: {  	_ =	shalt  }
0x53: {  	_ =	shalt  }
0x54: {  	_ =	shalt  }
0x55: {  	_ =	shalt  }
0x56: {  	_ =	shalt  }
0x57: {  	_ =	shalt  }
0x58: {  	_ =	shalt  }
0x59: {  	_ =	shalt  }
0x5a: {  	_ =	shalt  }
0x5b: {  	_ =	shalt  }
0x5c: {  	_ =	shalt  }
0x5d: {  	_ =	shalt  }
0x5e: {  	_ =	shalt  }
0x5f: {  	_ =	shalt  }
0x60: {  	_ =	shalt  }
0x61: {  	_ =	shalt  }
0x62: {  	_ =	shalt  }
0x63: {  	_ =	shalt  }
0x64: {  	_ =	shalt  }
0x65: {  	_ =	shalt  }
0x66: {  	_ =	shalt  }
0x67: {  	_ =	shalt  }
0x68: {  	_ =	shalt  }
0x69: {  	_ =	shalt  }
0x6a: {  	_ =	shalt  }
0x6b: {  	_ =	shalt  }
0x6c: {  	_ =	shalt  }
0x6d: {  	_ =	shalt  }
0x6e: {  	_ =	shalt  }
0x6f: {  	_ =	shalt  }
0x70: {  	_ =	shalt  }
0x71: {  	_ =	shalt  }
0x72: {  	_ =	shalt  }
0x73: {  	_ =	shalt  }
0x74: {  	_ =	shalt  }
0x75: {  	_ =	shalt  }
0x76: {  	_ =	shalt  }
0x77: {  	_ =	shalt  }
0x78: {  	_ =	shalt  }
0x79: {  	_ =	shalt  }
0x7a: {  	_ =	shalt  }
0x7b: {  	_ =	shalt  }
0x7c: {  	_ =	shalt  }
0x7d: {  	_ =	shalt  }
0x7e: {  	_ =	shalt  }
0x7f: {  	_ =	shalt  }
0x80: {  	_ =	shalt  }
0x81: {  	_ =	shalt  }
0x82: {  	_ =	shalt  }
0x83: {  	_ =	shalt  }
0x84: {  	_ =	shalt  }
0x85: {  	_ =	shalt  }
0x86: {  	_ =	shalt  }
0x87: {  	_ =	shalt  }
.Lfunc_end0:
.L_simem_size_0:
called_computation_lowered:
.L_overlay_start_0:
0x88: {  	s2 =	sld [smem:$0x3FD9]  }
0x89: {  	s3 =	sld [smem:$0x3FFE];
	_ =	sdelay $0x1  }
0x8a: {  	s1 =	srdreg.scid  }
0x8b: {  	s0 =	sand.u32 $0x1, s1  }
0x8c: {  	s17 =	sshll.u32 s0, $0xA;
	s2 =	sadd.s32 s3, s2  }
0x8d: {  	s2 =	sadd.s32 s2, s17  }
0x8e: {  	[smem:$0x3FBE] =	sst s2  }
0x8f: {  	_ = 	snop  }
0x90: {  	s2 =	sld [smem:$0x3FD0];
	(tm) =	ssettm $0x1  }
0x91: {  	s18 =	sld [smem:$0x3FFB];
	_ =	sdelay $0x3  }
0x92: {  	_ =	strace s18  }
0x93: {  	s3 =	sld [smem:$0x3FFC];
	_ =	sdelay $0x3  }
0x94: {  	_ =	strace s3  }
0x95: {  	s3 =	sld [smem:$0x3FFD];
	_ =	sdelay $0x3  }
0x96: {  	_ =	strace s3  }
0x97: {  	_ =	strace $0x8FFFFFFF  }
0x98: {  	s19 =	sld [smem:$0x3FDB];
	_ =	sdelay $0x1  }
0x99: {  	s4 =	simm.s32 $_scs_section_size  }
0x9a: {  	s5 =	simm.s32 $_size__tile_overlayer_lowered;
	s6 =	simm.s32 $_tile_overlayer_lowered  }
0x9b: {  	s22 =	simm.s32 $0x1BFF;
	s21 =	sshll.u32 s6, $0x1;
	s3 =	sadd.s32 s4, s19  }
0x9c: {  	s7 =	simm.s32 $0x0;
	s20 =	sshll.u32 s5, $0x1;
	s5 =	sadd.s32 s21, s3  }
0x9d: {  	[timem:s7], [sflag:s22] =	dma.local [hbm:s5], s20  }
0x9e: {  	_ =	swait.ge [sflag:s22], s20  }
0x9f: {  	s4 =	ssub.s32 $0x0, s20;
	[sflag:s22] =	ssyncset.done $0x0  }
0xa0: {  	[sflag:s22] =	ssyncadd.s32 s4;
	_ =	sdelay $0x1  }
0xa1: {  	s23 =	simm.s32 $0x1B8B  }
0xa2: {  	_ =	swait.ge [sflag:s23], $0x1  }
0xa3: {  	[sflag:s23] =	ssyncset.done $0x0  }
0xa4: {  	s25 =	simm.s32 $0x1B8E;
	s24 =	sld [smem:$0x3FFE];
	[sflag:s23] =	ssyncadd.s32 $0xFFFFFFFF  }
0xa5: {  	s26 =	simm.s32 $execute0_lowered;
	[smem:$0x3FD2] =	sst s25  }
0xa6: {  	s5 =	sshll.u32 s26, $0x1;
	_ =	strace $0x80000046;
	[dreg:$0x1] =	wrdreg $0xFFFFFFFF  }
0xa7: {  	s28 =	simm.s32 $_size_execute0_lowered;
	s3 =	sadd.s32 s3, s5;
	[dreg:$0x0] =	wrdreg $0x0  }
0xa8: {  	s5 =	sshll.u32 s28, $0x1;
	[dreg:$0x2] =	wrdreg s3  }
0xa9: {  	[dreg:$0x3] =	wrdreg s5  }
0xaa: {  	[dreg:$0x4] =	wrdreg $0xC0  }
0xab: {  	_ =	task [dreg:s7], $0x5FFFF  }
0xac: {  	[dreg:$0x1] =	wrdreg $0xFFFFFFFF  }
0xad: {  	[dreg:$0x0] =	wrdreg $0x60  }
0xae: {  	[dreg:$0x2] =	wrdreg s24  }
0xaf: {  	[dreg:$0x3] =	wrdreg s2  }
0xb0: {  	[dreg:$0x4] =	wrdreg $0x5A000  }
0xb1: {  	[dreg:$0x5] =	wrdreg $0x19A000  }
0xb2: {  	[dreg:$0x6] =	wrdreg $0x9  }
0xb3: {  	_ =	task.clear_ibuf [dreg:s7], $0x7FFFF;
	_ =	strace $0x90000046  }
0xb4: {  	s29 =	simm.s32 $0x9;
	_ =	strace $0x80000048  }
0xb5: {  	_ =	swait.ge [sflag:s29], $0x1  }
0xb6: {  	[sflag:s29] =	ssyncadd.s32 $0xFFFFFFFF  }
0xb7: {  	_ =	strace $0x90000048  }
0xb8: {  	_ =	sfence  }
0xb9: {  	s30 =	sld [smem:$0x0];
	_ =	sdelay $0x2  }
0xba: {  	s31 =	sshll.u32 s1, $0xD;
	s1 =	sshrl.u32 s1, $0x2  }
0xbb: {  	s3 =	sand.u32 $0x4000, s31;
	s1 =	sadd.s32 s1, s30  }
0xbc: {  	s0 =	sor.u32 s3, s0;
	s1 =	sshll.u32 s1, $0x11  }
0xbd: {  	s0 =	sor.u32 s1, s0  }
0xbe: {  	s0 =	sadd.s32 $0x8F2B, s0  }
0xbf: {  	[sflag:s0] =	ssyncadd.remote.s32 $0x1  }
0xc0: {  	_ =	sfence.sel $0xFFFF  }
0xc1: {  	[dreg:$0x0] =	wrdreg $0xFFFFFFFF;
	(pc) =	sbr.abs _section_cstart, $3  }
0xc2: {  	[dreg:$0x1] =	wrdreg $0xFFFFFFFF  }
0xc3: {  	_ =	task.clear_ibuf [dreg:s7], $0x2FFFF;
	_ =	strace $0x9FFFFFFF  }
0xc4: {  	(tm) =	ssettm $0x7FFFFFFF  }
0xc5: {  	_ =	shalt  }
tec
execute0_lowered:
.L_overlay_start_1:
0x0: {  	(tag) =	ssettag $0x1  }
0x1: {  	s0 =	rddreg [dreg:$0x0]  }
0x2: {  	s3 =	rddreg [dreg:$0x1]  }
0x3: {  	s1 =	rddreg [dreg:$0x2]  }
0x4: {  	s2 =	rddreg [dreg:$0x3]  }
0x5: {  	s4 =	simm.s32 $0x0;
	s5 =	srdreg.scid;
	s22 =	stileid.u32  }
0x6: {  	[smem:$0x7FF] =	sst s4;
	s6 =	sand.u32 $0x1, s5;
	s8 =	smul.u32 $0x280, s22  }
0x7: {  	s5 =	sadd.s32 $0x5B800, s0;
	s9 =	sadd.s32 $0x6FC00, s0;
	s23 =	smul.u32 $0xA000, s22  }
0x8: {  	s31 =	smul.u32 $0xA2, s22;
	_ =	strace $0x80000047;
	s7 =	ssub.s32 $0x2, s6  }
0x9: {  	s12 =	smul.u32 $0x2800, s6;
	p0 =	seq.s32 s6, $0x1;
	s10 =	sshrl.u32 s7, $0x1  }
0xa: {  	s11 =	sadd.s32 $0x80, s8;
	s13 =	sadd.s32 $0x100, s8;
	s14 =	sadd.s32 $0x180, s8  }
0xb: {  	s7 =	ssub.s32 s7, s10;
	s10 =	smul.u32 $0x50000, s22;
	s15 =	sadd.s32 s8, s12  }
0xc: {  	s8 =	sadd.s32 $0x200, s8;
	s17 =	sadd.s32 s12, s11;
	s28 =	sadd.s32 s12, s13  }
0xd: {  	s29 =	sadd.s32 s12, s14;
	s16 =	sshll.u32 s15, $0x4;
	s25 =	sshll.u32 s17, $0x4  }
0xe: {  	s15 =	sshll.u32 s15, $0x1;
	s26 =	sshll.u32 s17, $0x1;
	s18 =	sadd.s32 s12, s8  }
0xf: {  	s19 =	sshll.u32 s28, $0x4;
	s20 =	sshll.u32 s29, $0x4;
	s17 =	sadd.s32 $0x56800, s0  }
0x10: {  	v0 =	vmov s12;
	s12 =	simm.s32 $0x1;
	s24 =	sadd.s32 s9, s16;
	s6 =	sadd.s32 s9, s25  }
0x11: {  	s21 =	sshll.u32 s18, $0x4;
	s19 =	sadd.s32 s9, s19;
	[dreg:$0x5] =	wrdreg s24  }
0x12: {  	s20 =	sadd.s32 s9, s20;
	s15 =	sadd.s32 s3, s15;
	[dreg:$0x6] =	wrdreg s6  }
0x13: {  	s25 =	sshll.u32 s29, $0x1;
	s16 =	sadd.s32 $0x51800, s0;
	[dreg:$0x7] =	wrdreg s19  }
0x14: {  	s29 =	sshrl.u32 s10, $0x2;
	s10 =	sshll.u32 s11, $0x4;
	[dreg:$0x8] =	wrdreg s20  }
0x15: {  	s9 =	sadd.s32 s9, s21;
	[dreg:$0xa] =	wrdreg s15;
	s6 =	sadd.s32 s3, s26  }
0x16: {  	s24 =	sshll.u32 s28, $0x1;
	s26 =	sshll.u32 s18, $0x1;
	s28 =	sadd.s32 s3, s25  }
0x17: {  	s18 =	sadd.s32 $0x1800, s0;
	s21 =	sadd.s32 s29, s1;
	s30 =	sadd.s32 s10, s2  }
0x18: {  	s15 =	sshll.u32 s14, $0x7;
	s20 =	sshll.u32 s14, $0x4;
	s25 =	sshll.u32 s8, $0x7  }
0x19: {  	s29 =	smax.u32 s7, $0x1;
	s7 =	simm.s32 $0x80;
	[dreg:$0x9] =	wrdreg s9  }
0x1a: {  	s10 =	simm.s32 $0xA00;
	s14 =	simm.s32 $0x3;
	[dreg:$0xb] =	wrdreg s6  }
0x1b: {  	s6 =	sadd.s32 s3, s24;
	[dreg:$0xd] =	wrdreg s28;
	s3 =	sadd.s32 s3, s26  }
0x1c: {  	s9 =	sshll.u32 s11, $0x7;
	s11 =	sshll.u32 s13, $0x7;
	[dreg:$0x15] =	wrdreg s29  }
0x1d: {  	s13 =	sshll.u32 s13, $0x4;
	s19 =	sadd.s32 s15, s1;
	[dreg:$0xc] =	wrdreg s6  }
0x1e: {  	s26 =	sshll.u32 s8, $0x4;
	s8 =	simm.s32 $0x200;
	[dreg:$0xe] =	wrdreg s3  }
0x1f: {  	s6 =	sshrl.u32 s23, $0x2;
	s24 =	sadd.s32 s9, s1;
	s0 =	sadd.s32 s11, s1  }
0x20: {  	[dreg:$0x11] =	wrdreg s19;
	s28 =	sadd.s32 s26, s2;
	s3 =	simm.s32 $0x4  }
.Ltmp0:
0x21: {  	s9 =	simm.s32 $0x100;
	[dreg:$0xf] =	wrdreg s0;
	(pc) =	sbr.rel .LBB2_1-.Ltmp0, $4  }
0x22: {  	s11 =	simm.s32 $0x180;
	s0 =	sadd.s32 s13, s2;
	[dreg:$0x14] =	wrdreg s28  }
0x23: {  	s23 =	sadd.s32 s6, s2;
	[dreg:$0x10] =	wrdreg s0;
	s0 =	sadd.s32 s20, s2  }
0x24: {  	s6 =	simm.s32 $0x1200;
	[dreg:$0x12] =	wrdreg s0;
	s0 =	sadd.s32 s25, s1  }
0x25: {  	v1 =	vimm.f32 $0.0e+00;
	s13 =	simm.s32 $0x2;
	[dreg:$0x13] =	wrdreg s0;
	s0 =	simm.s32 $0x1A00  }
.LBB2_14:
0x26: {  	s15 =	stileid.u32  }
0x27: {  	[bflag:$0x0] =	sbarrier.arrive $0xFFFF;
	s15 =	sshll.u32 s15, $0x6  }
0x28: {  	s19 =	sshrl.u32 s25, $0x3;
	s20 =	rddreg [dreg:$0x5];
	s15 =	sor.u32 $0x1C04, s15  }
0x29: {  	[hbm:s20], [sflag:s15] =	dma.local [spmem:s19], $0x800  }
0x2a: {  	_ =	swait.ge [sflag:s3], $0x800  }
0x2b: {  	s21 =	smov.u32 s25;
	s23 =	smov.u32 s26;
	[sflag:s3] =	ssyncset.done $0x0  }
0x2c: {  	s25 =	sshrl.u32 s26, $0x3;
	s26 =	rddreg [dreg:$0xa];
	[sflag:s3] =	ssyncadd.s32 $0xFFFFF800  }
0x2d: {  	[hbm:s26], [sflag:s15] =	dma.local [spmem:s25], $0x100  }
0x2e: {  	_ =	swait.ge [sflag:s3], $0x100  }
0x2f: {  	[sflag:s3] =	ssyncset.done $0x0  }
0x30: {  	s20 =	sshrl.u32 s28, $0x3;
	s22 =	rddreg [dreg:$0x6];
	[sflag:s3] =	ssyncadd.s32 $0xFFFFFF00  }
0x31: {  	[hbm:s22], [sflag:s15] =	dma.local [spmem:s20], $0x800  }
0x32: {  	_ =	swait.ge [sflag:s3], $0x800  }
0x33: {  	[sflag:s3] =	ssyncset.done $0x0  }
0x34: {  	s25 =	sshrl.u32 s29, $0x3;
	s26 =	rddreg [dreg:$0xb];
	[sflag:s3] =	ssyncadd.s32 $0xFFFFF800  }
0x35: {  	[hbm:s26], [sflag:s15] =	dma.local [spmem:s25], $0x100  }
0x36: {  	s24 =	smov.u32 s28;
	_ =	swait.ge [sflag:s3], $0x100  }
0x37: {  	s30 =	smov.u32 s29;
	[sflag:s3] =	ssyncset.done $0x0;
	s28 =	rddreg [dreg:$0xf]  }
0x38: {  	s29 =	rddreg [dreg:$0x7];
	[sflag:s3] =	ssyncadd.s32 $0xFFFFFF00;
	s19 =	sshrl.u32 s28, $0x3  }
0x39: {  	[hbm:s29], [sflag:s15] =	dma.local [spmem:s19], $0x800  }
0x3a: {  	_ =	swait.ge [sflag:s3], $0x800  }
0x3b: {  	[sflag:s3] =	ssyncset.done $0x0;
	s20 =	rddreg [dreg:$0x10]  }
0x3c: {  	s22 =	rddreg [dreg:$0xc];
	[sflag:s3] =	ssyncadd.s32 $0xFFFFF800;
	s19 =	sshrl.u32 s20, $0x3  }
0x3d: {  	[hbm:s22], [sflag:s15] =	dma.local [spmem:s19], $0x100  }
0x3e: {  	_ =	swait.ge [sflag:s3], $0x100  }
0x3f: {  	[sflag:s3] =	ssyncset.done $0x0;
	s25 =	rddreg [dreg:$0x11]  }
0x40: {  	s26 =	rddreg [dreg:$0x8];
	[sflag:s3] =	ssyncadd.s32 $0xFFFFFF00;
	s19 =	sshrl.u32 s25, $0x3  }
0x41: {  	[hbm:s26], [sflag:s15] =	dma.local [spmem:s19], $0x800  }
0x42: {  	_ =	swait.ge [sflag:s3], $0x800  }
0x43: {  	[sflag:s3] =	ssyncset.done $0x0;
	s28 =	rddreg [dreg:$0x12]  }
0x44: {  	s29 =	rddreg [dreg:$0xd];
	[sflag:s3] =	ssyncadd.s32 $0xFFFFF800;
	s19 =	sshrl.u32 s28, $0x3  }
0x45: {  	[hbm:s29], [sflag:s15] =	dma.local [spmem:s19], $0x100  }
0x46: {  	_ =	swait.ge [sflag:s3], $0x100  }
0x47: {  	[sflag:s3] =	ssyncset.done $0x0;
	s22 =	rddreg [dreg:$0x13]  }
0x48: {  	s25 =	rddreg [dreg:$0x9];
	[sflag:s3] =	ssyncadd.s32 $0xFFFFFF00;
	s19 =	sshrl.u32 s22, $0x3  }
0x49: {  	[hbm:s25], [sflag:s15] =	dma.local [spmem:s19], $0x800  }
0x4a: {  	_ =	swait.ge [sflag:s3], $0x800  }
0x4b: {  	[sflag:s3] =	ssyncset.done $0x0;
	s26 =	rddreg [dreg:$0x14]  }
0x4c: {  	s28 =	rddreg [dreg:$0xe];
	[sflag:s3] =	ssyncadd.s32 $0xFFFFF800;
	s19 =	sshrl.u32 s26, $0x3  }
0x4d: {  	[hbm:s28], [sflag:s15] =	dma.local [spmem:s19], $0x100  }
0x4e: {  	_ =	swait.ge [sflag:s3], $0x100  }
0x4f: {  	s4 =	sadd.s32 $0x1, s4;
	s29 =	rddreg [dreg:$0x15]  }
0x50: {  	p1 =	sne.s32 s4, s29  }
.Ltmp1:
0x51: {  	_ = 	snop;
	(pc) =	sbr.rel @!p1 .LBB2_15-.Ltmp1, $3  }
0x52: {  	_ =	sdelay $0x1  }
0x53: {  	[sflag:s3] =	ssyncset.done $0x0  }
0x54: {  	[sflag:s3] =	ssyncadd.s32 $0xFFFFFF00  }
.LBB2_1:
0x55: {  	s15 =	simm.s32 $0x1A40  }
0x56: {  	[tilespmem:s15+$0xFFFFFFD0] =	vst v1  }
0x57: {  	[tilespmem:s15+$0xFFFFFFE0] =	vst v1  }
0x58: {  	[tilespmem:s15+$0xFFFFFFF0] =	vst v1  }
0x59: {  	[tilespmem:s15+$0x0] =	vst v1  }
0x5a: {  	[tilespmem:s15+$0x10] =	vst v1  }
0x5b: {  	[tilespmem:s15+$0x20] =	vst v1  }
0x5c: {  	[tilespmem:s15+$0x30] =	vst v1  }
0x5d: {  	s20 =	simm.s32 $0x0;
	s19 =	simm.s32 $0x40;
	[tilespmem:s15+$0xFFFFFFC0] =	vst v1  }
.LBB2_2:
0x5e: {  	p1 =	sne.s32 s19, $0x1FC0;
	[tilespmem:s20+$0x1200] =	vst v1;
	s15 =	sadd.s32 $0x80, s15  }
0x5f: {  	[tilespmem:s15+$0xFFFFFFD0] =	vst v1  }
0x60: {  	[tilespmem:s15+$0xFFFFFFE0] =	vst v1  }
0x61: {  	[tilespmem:s15+$0xFFFFFFF0] =	vst v1  }
.Ltmp2:
0x62: {  	[tilespmem:s15+$0x0] =	vst v1;
	(pc) =	sbr.rel @p1 .LBB2_2-.Ltmp2, $4  }
0x63: {  	[tilespmem:s15+$0x10] =	vst v1  }
0x64: {  	[tilespmem:s15+$0x20] =	vst v1  }
0x65: {  	[tilespmem:s15+$0x30] =	vst v1  }
0x66: {  	s20 =	sshra.s32 s19, $0x2;
	s19 =	sadd.s32 $0x40, s19;
	[tilespmem:s15+$0xFFFFFFC0] =	vst v1  }
0x67: {  	[tilespmem:s20+$0x1200] =	vst v1  }
0x68: {  	[spmem:s21] =	stream.linear.scatter [tilespmem:s0], [sflag:$0x4], $0x4000, $0x38;
	[tilespmem:$0x1C200] =	vst v63  }
0x69: {  	_ =	swait.ge [sflag:s3], $0x4000  }
0x6a: {  	[sflag:s3] =	ssyncset.done $0x0  }
0x6b: {  	[sflag:s3] =	ssyncadd.s32 $0xFFFFC000  }
0x6c: {  	[spmem:s23] =	stream.linear.scatter [tilespmem:s6], [sflag:$0x4], $0x800, $0x38;
	[tilespmem:$0x1C200] =	vst v63  }
0x6d: {  	_ =	swait.ge [sflag:s3], $0x800  }
0x6e: {  	[sflag:s3] =	ssyncset.done $0x0  }
0x6f: {  	[sflag:s3] =	ssyncadd.s32 $0xFFFFF800  }
0x70: {  	[spmem:s24] =	stream.linear.scatter [tilespmem:s0], [sflag:$0x4], $0x4000, $0x38;
	[tilespmem:$0x1C200] =	vst v63  }
0x71: {  	_ =	swait.ge [sflag:s3], $0x4000  }
0x72: {  	[sflag:s3] =	ssyncset.done $0x0  }
0x73: {  	[sflag:s3] =	ssyncadd.s32 $0xFFFFC000  }
0x74: {  	[spmem:s30] =	stream.linear.scatter [tilespmem:s6], [sflag:$0x4], $0x800, $0x38;
	[tilespmem:$0x1C200] =	vst v63  }
0x75: {  	_ =	swait.ge [sflag:s3], $0x800  }
0x76: {  	[sflag:s3] =	ssyncset.done $0x0  }
0x77: {  	s15 =	rddreg [dreg:$0xf];
	[sflag:s3] =	ssyncadd.s32 $0xFFFFF800  }
0x78: {  	[spmem:s15] =	stream.linear.scatter [tilespmem:s0], [sflag:$0x4], $0x4000, $0x38;
	[tilespmem:$0x1C200] =	vst v63  }
0x79: {  	_ =	swait.ge [sflag:s3], $0x4000  }
0x7a: {  	[sflag:s3] =	ssyncset.done $0x0  }
0x7b: {  	s20 =	rddreg [dreg:$0x10];
	[sflag:s3] =	ssyncadd.s32 $0xFFFFC000  }
0x7c: {  	[spmem:s20] =	stream.linear.scatter [tilespmem:s6], [sflag:$0x4], $0x800, $0x38;
	[tilespmem:$0x1C200] =	vst v63  }
0x7d: {  	_ =	swait.ge [sflag:s3], $0x800  }
0x7e: {  	[sflag:s3] =	ssyncset.done $0x0  }
0x7f: {  	s25 =	smov.u32 s21;
	s21 =	rddreg [dreg:$0x11];
	[sflag:s3] =	ssyncadd.s32 $0xFFFFF800  }
0x80: {  	[spmem:s21] =	stream.linear.scatter [tilespmem:s0], [sflag:$0x4], $0x4000, $0x38;
	[tilespmem:$0x1C200] =	vst v63  }
0x81: {  	_ =	swait.ge [sflag:s3], $0x4000  }
0x82: {  	[sflag:s3] =	ssyncset.done $0x0  }
0x83: {  	s22 =	rddreg [dreg:$0x12];
	[sflag:s3] =	ssyncadd.s32 $0xFFFFC000  }
0x84: {  	[spmem:s22] =	stream.linear.scatter [tilespmem:s6], [sflag:$0x4], $0x800, $0x38;
	[tilespmem:$0x1C200] =	vst v63  }
0x85: {  	_ =	swait.ge [sflag:s3], $0x800  }
0x86: {  	[sflag:s3] =	ssyncset.done $0x0  }
0x87: {  	s26 =	smov.u32 s23;
	s23 =	rddreg [dreg:$0x13];
	[sflag:s3] =	ssyncadd.s32 $0xFFFFF800  }
0x88: {  	[spmem:s23] =	stream.linear.scatter [tilespmem:s0], [sflag:$0x4], $0x4000, $0x38;
	[tilespmem:$0x1C200] =	vst v63  }
0x89: {  	_ =	swait.ge [sflag:s3], $0x4000  }
0x8a: {  	[sflag:s3] =	ssyncset.done $0x0  }
0x8b: {  	s28 =	smov.u32 s24;
	s24 =	rddreg [dreg:$0x14];
	[sflag:s3] =	ssyncadd.s32 $0xFFFFC000  }
0x8c: {  	[spmem:s24] =	stream.linear.scatter [tilespmem:s6], [sflag:$0x4], $0x800, $0x38;
	[tilespmem:$0x1C200] =	vst v63  }
.Ltmp3:
0x8d: {  	_ =	swait.ge [sflag:s3], $0x800;
	(pc) =	sbr.rel .LBB2_4-.Ltmp3, $4  }
0x8e: {  	[sflag:s3] =	ssyncset.done $0x0  }
0x8f: {  	[sflag:s3] =	ssyncadd.s32 $0xFFFFF800  }
0x90: {  	[bflag:$0x0] =	sbarrier.arrive $0xFFFF  }
0x91: {  	s29 =	smov.u32 s30;
	s30 =	simm.s32 $0x0;
	s15 =	simm.s32 $0x0  }
.LBB2_13:
0x92: {  	[spmem:s1] =	stream.indirect.scatter.add.f32 [tilespmem:s0], [sflag:$0x4], $0x80, s9, s7, $0xb8;
	[tilespmem:$0x1C200] =	vst v63  }
0x93: {  	s30 =	sadd.s32 $0x1, s30;
	_ =	swait.ge [sflag:s3], $0x4000  }
0x94: {  	p1 =	sne.s32 s30, $0xA2;
	[sflag:s3] =	ssyncset.done $0x0  }
.Ltmp4:
0x95: {  	[sflag:s3] =	ssyncadd.s32 $0xFFFFC000;
	(pc) =	sbr.rel @!p1 .LBB2_14-.Ltmp4, $4  }
0x96: {  	[spmem:s2] =	stream.indirect.scatter.add.f32 [tilespmem:s6], [sflag:$0x4], $0x10, s9, s7, $0xb8;
	[tilespmem:$0x1C200] =	vst v63  }
0x97: {  	_ =	swait.ge [sflag:s3], $0x800  }
0x98: {  	[sflag:s3] =	ssyncset.done $0x0  }
0x99: {  	[sflag:s3] =	ssyncadd.s32 $0xFFFFF800  }
.LBB2_4:
0x9a: {  	s19 =	sadd.s32 s31, s30  }
0x9b: {  	s19 =	sshll.u32 s19, $0x5  }
0x9c: {  	s19 =	sadd.s32 s5, s19  }
0x9d: {  	[tilespmem:s15], [sflag:$0x4] =	stream.linear.gather [hbm4b:s19+s15], $0x100, $0x38;
	[tilespmem:$0x1C200] =	vst v63  }
0x9e: {  	_ =	swait.ge [sflag:s3], $0x100  }
0x9f: {  	[sflag:s3] =	ssyncset.done $0x0  }
0xa0: {  	[sflag:s3] =	ssyncadd.s32 $0xFFFFFF00  }
0xa1: {  	v2 =	vld [tilespmem:$0x0]  }
0xa2: {  	v3 =	vld [tilespmem:$0x80]  }
0xa3: {  	v4 =	vld [tilespmem:$0x10]  }
0xa4: {  	v5 =	vld [tilespmem:$0x90]  }
0xa5: {  	v6 =	vld [tilespmem:$0x20];
	_ =	sdelay $0x2  }
0xa6: {  	v7 =	vld [tilespmem:$0xA0];
	[tilespmem:$0x100] =	vst v3  }
0xa7: {  	v2 =	vadd.s32 v0, v2;
	v3 =	vadd.s32 v0, v4;
	v4 =	vld [tilespmem:$0xB0];
	[tilespmem:$0x110] =	vst v5  }
0xa8: {  	v5 =	vadd.s32 v0, v6;
	[tilespmem:$0x180] =	vst v2;
	v2 =	vld [tilespmem:$0x30]  }
0xa9: {  	[tilespmem:$0x1A0] =	vst v5;
	v5 =	vld [tilespmem:$0x50]  }
0xaa: {  	[tilespmem:$0x190] =	vst v3;
	v3 =	vld [tilespmem:$0x40]  }
0xab: {  	v6 =	vld [tilespmem:$0xC0]  }
0xac: {  	[tilespmem:$0x120] =	vst v7;
	v7 =	vld [tilespmem:$0xD0]  }
0xad: {  	[tilespmem:$0x130] =	vst v4;
	v4 =	vld [tilespmem:$0xE0];
	v2 =	vadd.s32 v0, v2  }
0xae: {  	v5 =	vadd.s32 v0, v5;
	[tilespmem:$0x1B0] =	vst v2;
	v2 =	vld [tilespmem:$0x60]  }
0xaf: {  	v3 =	vadd.s32 v0, v3;
	[tilespmem:$0x1D0] =	vst v5;
	v5 =	vld [tilespmem:$0xF0]  }
0xb0: {  	[tilespmem:$0x1C0] =	vst v3;
	v3 =	vld [tilespmem:$0x70]  }
0xb1: {  	[tilespmem:$0x140] =	vst v6  }
0xb2: {  	[tilespmem:$0x150] =	vst v7  }
0xb3: {  	[tilespmem:$0x160] =	vst v4  }
0xb4: {  	v2 =	vadd.s32 v0, v2;
	[tilespmem:$0x170] =	vst v5  }
0xb5: {  	[tilespmem:$0x1E0] =	vst v2;
	v2 =	vadd.s32 v0, v3  }
0xb6: {  	[tilespmem:$0x1F0] =	vst v2  }
0xb7: {  	[tilespmem:s8], [sflag:$0x1] =	stream.indirect.gather [hbm4b:s16+s7], $0x10, s15, s7, $0xb8;
	[tilespmem:$0x1C200] =	vst v63  }
0xb8: {  	_ = 	snop  }
0xb9: {  	[tilespmem:s10], [sflag:$0x2] =	stream.indirect.gather [hbm4b:s17+s7], $0x10, s9, s7, $0xb8;
	[tilespmem:$0x1C200] =	vst v63  }
0xba: {  	_ = 	snop  }
0xbb: {  	[tilespmem:s0], [sflag:$0x3] =	stream.indirect.gather [hbm4b:s18+s7], $0x80, s11, s7, $0xb8;
	[tilespmem:$0x1C200] =	vst v63  }
0xbc: {  	_ =	swait.ge [sflag:s12], $0x800  }
0xbd: {  	[sflag:s12] =	ssyncset.done $0x0  }
0xbe: {  	[sflag:s12] =	ssyncadd.s32 $0xFFFFF800  }
0xbf: {  	_ =	swait.ge [sflag:s13], $0x800  }
0xc0: {  	[sflag:s13] =	ssyncset.done $0x0  }
0xc1: {  	s19 =	simm.s32 $0x0;
	[sflag:s13] =	ssyncadd.s32 $0xFFFFF800  }
0xc2: {  	v2 =	vld [tilespmem:s19+$0x200]  }
0xc3: {  	v3 =	vld [tilespmem:s19+$0xA00];
	_ =	sdelay $0x4  }
0xc4: {  	v2 =	vadd.f32 v3, v2;
	_ =	sdelay $0x1  }
0xc5: {  	s20 =	simm.s32 $0x10;
	v3 =	vmul.f32 $2.000000030e-01, v2  }
0xc6: {  	v4 =	vld [tilespmem:s20+$0x200]  }
0xc7: {  	v5 =	vld [tilespmem:s20+$0xA00];
	v2 =	vmax.f32 v2, v3  }
0xc8: {  	s22 =	simm.s32 $0x20;
	v2 =	vmul.f32 $1.442695020e+00, v2  }
0xc9: {  	v3 =	vld [tilespmem:s22+$0x200]  }
0xca: {  	(erf) = vpow2.f32 v2;
	v2 =	vld [tilespmem:s22+$0xA00];
	_ =	sdelay $0x1  }
0xcb: {  	v4 =	vadd.f32 v5, v4;
	_ =	sdelay $0x1  }
0xcc: {  	v5 =	vmul.f32 $2.000000030e-01, v4  }
0xcd: {  	v6 =	vadd.f32 v2, v3  }
0xce: {  	v2 =	vmax.f32 v4, v5  }
0xcf: {  	s21 =	simm.s32 $0x30;
	v3 =	vmul.f32 $1.442695020e+00, v2;
	v4 =	vmul.f32 $2.000000030e-01, v6  }
0xd0: {  	v2 =	vld [tilespmem:s21+$0x200]  }
0xd1: {  	(erf) = vpow2.f32 v3;
	v3 =	vld [tilespmem:s21+$0xA00];
	_ =	sdelay $0x1  }
0xd2: {  	s23 =	simm.s32 $0x100;
	v5 =	vmax.f32 v6, v4;
	v4 =	vpop (erf)  }
.LBB2_5:
0xd3: {  	s24 =	sshra.s32 s23, $0x2  }
0xd4: {  	v5 =	vmul.f32 $1.442695020e+00, v5;
	[tilespmem:s19+$0x1200] =	vst v4;
	s19 =	smov.u32 s20;
	s20 =	smov.u32 s22;
	p1 =	sne.s32 s23, $0x1FC0  }
.Ltmp5:
0xd5: {  	s23 =	sadd.s32 $0x40, s23;
	v4 =	vadd.f32 v3, v2;
	v2 =	vld [tilespmem:s24+$0x200];
	(pc) =	sbr.rel @p1 .LBB2_5-.Ltmp5, $3  }
0xd6: {  	s22 =	smov.u32 s21;
	s21 =	smov.u32 s24;
	v3 =	vld [tilespmem:s24+$0xA00];
	(erf) = vpow2.f32 v5  }
0xd7: {  	v5 =	vmul.f32 $2.000000030e-01, v4;
	_ =	sdelay $0x1  }
0xd8: {  	v5 =	vmax.f32 v4, v5;
	v4 =	vpop (erf)  }
0xd9: {  	_ = 	snop  }
0xda: {  	v2 =	vadd.f32 v3, v2;
	_ =	sdelay $0x1  }
0xdb: {  	v3 =	vmul.f32 $2.000000030e-01, v2;
	_ =	sdelay $0x1  }
0xdc: {  	v5 =	vmul.f32 $1.442695020e+00, v5;
	v2 =	vmax.f32 v2, v3  }
0xdd: {  	v2 =	vmul.f32 $1.442695020e+00, v2  }
0xde: {  	(erf) = vpow2.f32 v5  }
0xdf: {  	(erf) = vpow2.f32 v2;
	_ =	sdelay $0x6  }
0xe0: {  	[tilespmem:s19+$0x1200] =	vst v4;
	v2 =	vpop (erf)  }
0xe1: {  	[tilespmem:s20+$0x1200] =	vst v2;
	v2 =	vpop (erf)  }
.Ltmp6:
0xe2: {  	[tilespmem:s22+$0x1200] =	vst v2;
	v2 =	vpop (erf);
	(pc) =	sbr.rel @!p0 .LBB2_7-.Ltmp6, $4  }
0xe3: {  	[tilespmem:s21+$0x1200] =	vst v2  }
0xe4: {  	_ =	swait.ge [sflag:s14], $0x4000  }
0xe5: {  	[sflag:s14] =	ssyncset.done $0x0  }
0xe6: {  	s19 =	simm.s32 $0x1A40;
	[sflag:s14] =	ssyncadd.s32 $0xFFFFC000  }
0xe7: {  	v9 =	vld [tilespmem:s19+$0xFFFFFFD0];
	s20 =	simm.s32 $0x0  }
0xe8: {  	v4 =	vld [tilespmem:s20+$0x1200]  }
0xe9: {  	v7 =	vld [tilespmem:s19+$0x20]  }
0xea: {  	v10 =	vld [tilespmem:s19+$0xFFFFFFC0]  }
0xeb: {  	v13 =	vld [tilespmem:s19+$0xFFFFFFE0]  }
0xec: {  	v2 =	vld [tilespmem:s19+$0xFFFFFFF0]  }
0xed: {  	v3 =	vld [tilespmem:s19+$0x30];
	v11 =	vbroadcast v4, $0x4;
	v8 =	vbroadcast v4, $0x7  }
0xee: {  	v5 =	vld [tilespmem:s19+$0x0];
	v6 =	vbroadcast v4, $0x5  }
0xef: {  	v12 =	vmul.f32 v11, v10;
	v10 =	vmul.f32 v7, v8;
	v7 =	vld [tilespmem:s19+$0x10]  }
0xf0: {  	v4 =	vbroadcast v4, $0x6  }
0xf1: {  	s21 =	simm.s32 $0x1A40;
	s20 =	simm.s32 $0x40;
	v11 =	vmul.f32 v9, v11;
	v9 =	vmul.f32 v13, v6  }
.LBB2_11:
0xf2: {  	p1 =	sne.s32 s20, $0x1FC0  }
0xf3: {  	[tilespmem:s19+$0xFFFFFFC0] =	vst v12;
	v5 =	vmul.f32 v5, v4;
	v3 =	vmul.f32 v3, v8;
	s21 =	sadd.s32 $0x80, s21;
	s22 =	smov.u32 s20;
	s20 =	sadd.s32 $0x40, s20  }
0xf4: {  	v6 =	vmul.f32 v2, v6;
	v4 =	vmul.f32 v7, v4;
	[tilespmem:s19+$0x20] =	vst v10  }
0xf5: {  	[tilespmem:s19+$0xFFFFFFD0] =	vst v11  }
0xf6: {  	[tilespmem:s19+$0xFFFFFFE0] =	vst v9  }
0xf7: {  	[tilespmem:s19+$0x30] =	vst v3  }
0xf8: {  	v2 =	vld [tilespmem:s21+$0xFFFFFFF0];
	[tilespmem:s19+$0x10] =	vst v4  }
0xf9: {  	v9 =	vld [tilespmem:s21+$0xFFFFFFD0];
	[tilespmem:s19+$0xFFFFFFF0] =	vst v6  }
0xfa: {  	s22 =	sshra.s32 s22, $0x2;
	v10 =	vld [tilespmem:s21+$0x20];
	[tilespmem:s19+$0x0] =	vst v5;
	s19 =	smov.u32 s21  }
0xfb: {  	v4 =	vld [tilespmem:s22+$0x1200]  }
0xfc: {  	v3 =	vld [tilespmem:s21+$0x30]  }
0xfd: {  	v11 =	vld [tilespmem:s21+$0xFFFFFFC0]  }
0xfe: {  	v13 =	vld [tilespmem:s21+$0xFFFFFFE0]  }
.Ltmp7:
0xff: {  	v5 =	vld [tilespmem:s21+$0x0];
	(pc) =	sbr.rel @p1 .LBB2_11-.Ltmp7, $4  }
0x100: {  	v14 =	vbroadcast v4, $0x4;
	v7 =	vld [tilespmem:s21+$0x10];
	v8 =	vbroadcast v4, $0x7  }
0x101: {  	v6 =	vbroadcast v4, $0x5;
	v4 =	vbroadcast v4, $0x6  }
0x102: {  	v12 =	vmul.f32 v14, v11;
	v10 =	vmul.f32 v10, v8  }
0x103: {  	v11 =	vmul.f32 v9, v14;
	v9 =	vmul.f32 v13, v6  }
0x104: {  	[tilespmem:s19+$0xFFFFFFC0] =	vst v12  }
0x105: {  	[tilespmem:s19+$0x20] =	vst v10  }
0x106: {  	v3 =	vmul.f32 v3, v8;
	[tilespmem:s19+$0xFFFFFFD0] =	vst v11  }
.Ltmp8:
0x107: {  	v2 =	vmul.f32 v2, v6;
	[tilespmem:s19+$0xFFFFFFE0] =	vst v9;
	(pc) =	sbr.rel .LBB2_13-.Ltmp8, $4  }
0x108: {  	v7 =	vmul.f32 v7, v4;
	[tilespmem:s19+$0x30] =	vst v3  }
0x109: {  	v3 =	vmul.f32 v5, v4;
	[tilespmem:s19+$0xFFFFFFF0] =	vst v2  }
0x10a: {  	[tilespmem:s19+$0x10] =	vst v7  }
0x10b: {  	[tilespmem:s19+$0x0] =	vst v3  }
.LBB2_7:
0x10c: {  	v9 =	vld [tilespmem:s19+$0xFFFFFFD0];
	s20 =	simm.s32 $0x0  }
0x10d: {  	v4 =	vld [tilespmem:s20+$0x1200]  }
0x10e: {  	v7 =	vld [tilespmem:s19+$0x20]  }
0x10f: {  	v10 =	vld [tilespmem:s19+$0xFFFFFFC0]  }
0x110: {  	v13 =	vld [tilespmem:s19+$0xFFFFFFE0]  }
0x111: {  	v2 =	vld [tilespmem:s19+$0xFFFFFFF0]  }
0x112: {  	v3 =	vld [tilespmem:s19+$0x30];
	v11 =	vbroadcast v4, $0x0;
	v8 =	vbroadcast v4, $0x3  }
0x113: {  	v5 =	vld [tilespmem:s19+$0x0];
	v6 =	vbroadcast v4, $0x1  }
0x114: {  	v12 =	vmul.f32 v11, v10;
	v10 =	vmul.f32 v7, v8;
	v7 =	vld [tilespmem:s19+$0x10]  }
0x115: {  	v4 =	vbroadcast v4, $0x2  }
0x116: {  	s21 =	simm.s32 $0x1A40;
	s20 =	simm.s32 $0x40;
	v11 =	vmul.f32 v9, v11;
	v9 =	vmul.f32 v13, v6  }
.LBB2_8:
0x117: {  	p1 =	seq.s32 s20, $0x1FC0  }
0x118: {  	[tilespmem:s19+$0xFFFFFFC0] =	vst v12;
	v5 =	vmul.f32 v5, v4;
	v3 =	vmul.f32 v3, v8;
	s21 =	sadd.s32 $0x80, s21;
	s22 =	smov.u32 s20;
	s20 =	sadd.s32 $0x40, s20  }
0x119: {  	v6 =	vmul.f32 v2, v6;
	v4 =	vmul.f32 v7, v4;
	[tilespmem:s19+$0x20] =	vst v10  }
0x11a: {  	[tilespmem:s19+$0xFFFFFFD0] =	vst v11  }
0x11b: {  	[tilespmem:s19+$0xFFFFFFE0] =	vst v9  }
0x11c: {  	[tilespmem:s19+$0x30] =	vst v3  }
0x11d: {  	v2 =	vld [tilespmem:s21+$0xFFFFFFF0];
	[tilespmem:s19+$0x10] =	vst v4  }
0x11e: {  	v9 =	vld [tilespmem:s21+$0xFFFFFFD0];
	[tilespmem:s19+$0xFFFFFFF0] =	vst v6  }
0x11f: {  	s22 =	sshra.s32 s22, $0x2;
	v10 =	vld [tilespmem:s21+$0x20];
	[tilespmem:s19+$0x0] =	vst v5;
	s19 =	smov.u32 s21  }
0x120: {  	v4 =	vld [tilespmem:s22+$0x1200]  }
0x121: {  	v3 =	vld [tilespmem:s21+$0x30]  }
0x122: {  	v11 =	vld [tilespmem:s21+$0xFFFFFFC0]  }
0x123: {  	v13 =	vld [tilespmem:s21+$0xFFFFFFE0]  }
.Ltmp9:
0x124: {  	v5 =	vld [tilespmem:s21+$0x0];
	(pc) =	sbr.rel @!p1 .LBB2_8-.Ltmp9, $4  }
0x125: {  	v14 =	vbroadcast v4, $0x0;
	v7 =	vld [tilespmem:s21+$0x10];
	v8 =	vbroadcast v4, $0x3  }
0x126: {  	v6 =	vbroadcast v4, $0x1;
	v4 =	vbroadcast v4, $0x2  }
0x127: {  	v12 =	vmul.f32 v14, v11;
	v10 =	vmul.f32 v10, v8  }
0x128: {  	v11 =	vmul.f32 v9, v14;
	v9 =	vmul.f32 v13, v6  }
0x129: {  	[tilespmem:s19+$0xFFFFFFC0] =	vst v12  }
0x12a: {  	[tilespmem:s19+$0x20] =	vst v10  }
0x12b: {  	v3 =	vmul.f32 v3, v8;
	[tilespmem:s19+$0xFFFFFFD0] =	vst v11  }
.Ltmp10:
0x12c: {  	v2 =	vmul.f32 v2, v6;
	[tilespmem:s19+$0xFFFFFFE0] =	vst v9;
	(pc) =	sbr.rel .LBB2_13-.Ltmp10, $4  }
0x12d: {  	v7 =	vmul.f32 v7, v4;
	[tilespmem:s19+$0x30] =	vst v3  }
0x12e: {  	v3 =	vmul.f32 v5, v4;
	[tilespmem:s19+$0xFFFFFFF0] =	vst v2  }
0x12f: {  	[tilespmem:s19+$0x10] =	vst v7  }
0x130: {  	[tilespmem:s19+$0x0] =	vst v3  }
.LBB2_15:
0x131: {  	_ =	sfence.sel $0x180000  }
0x132: {  	[bflag:$0x0] =	sbarrier.arrive $0xFFFF  }
0x133: {  	_ =	strace $0x90000047  }
0x134: {  	s0 =	stileid.u32;
	[bflag:$0x2] =	sbarrier.arrive $0xFFFF  }
0x135: {  	p0 =	sne.s32 s0, $0x0;
	s0 =	rddreg [dreg:$0x4]  }
0x136: {  	s0 =	sadd.s32 @!p0 $0x100000, s0  }
0x137: {  	[sflag:s0] =	ssyncadd.tile.s32 @!p0 $0x1;
	_ =	shalt  }
.Lfunc_end2:
_tile_overlayer_lowered:
.L_overlay_start_2:
0x138: {  	(tag) =	ssettag $0x2  }
0x139: {  	s0 =	rddreg [dreg:$0x0];
	s2 =	stileid.u32  }
0x13a: {  	s1 =	rddreg [dreg:$0x1];
	p0 =	sne.s32 s2, $0x0  }
0x13b: {  	s3 =	rddreg [dreg:$0x2];
	[bflag:$0x3] =	sbarrier.arrive $0xFFFF;
	s2 =	simm.s32 @!p0 $0x1C04  }
0x13c: {  	[timem:s3], [sflag:s2] =	dma.local @!p0 [hbm:s0], s1  }
0x13d: {  	s0 =	simm.s32 @!p0 $0x4  }
0x13e: {  	_ =	swait.ge @!p0 [sflag:s0], s1  }
0x13f: {  	s1 =	ssub.s32 @!p0 $0x0, s1;
	[sflag:s0] =	ssyncset.done @!p0 $0x0  }
0x140: {  	[sflag:s0] =	ssyncadd.s32 @!p0 s1  }
0x141: {  	[bflag:$0x3] =	sbarrier.arrive $0xFFFF  }
0x142: {  	_ =	shalt  }

</sc_bundles>
